<compile_context>
chip_gen: v7x
topology: tpu7x:2x2x1
jax: 0.10.2.dev20260603
libtpu: 0.0.44.dev20260713+nightly
codegen_flags: <defaults>
</compile_context>

<pallas_src>
import numpy as np
import jax
import jax.numpy as jnp
from jax import lax
from jax.experimental import pallas as pl
from jax.experimental.pallas import tpu as pltpu
from jax.experimental.pallas import tpu_sc as plsc

_N_EMBED = 256
_CH = 86
_NN = (4000, 30000, 150000)
_SCALES = (16, 32, 64)
_DOFF = (0, 16, 48)
_ROW0 = (0, 4000, 34000)
_NC = 2
_NW = 16 * _NC
_L = 16


def _round_up(x, m):
    return (x + m - 1) // m * m


_BROWS = 128
_CW = tuple(_round_up(-(-n // _NW), 2 * _BROWS) for n in _NN)
_NB2 = tuple(c // (2 * _BROWS) for c in _CW)


def _axis_table():
    blocks = []
    for scale in _SCALES:
        inv_freq = 1.0 / (
            10000.0 ** (np.arange(0, _CH, 2, dtype=np.float64) / _CH)
        )
        pos = np.arange(scale, dtype=np.float64)
        sin_inp = pos[:, None] * inv_freq[None, :]
        emb = np.stack([np.sin(sin_inp), np.cos(sin_inp)], axis=-1)
        ax = emb.reshape(scale, _CH).astype(np.float32)
        blocks.append(np.concatenate([ax, ax, ax[:, : _N_EMBED - 2 * _CH]], axis=1))
    return np.concatenate(blocks, axis=0)


_TAB_NP = _axis_table()


def _sc_body(xyz4, xyz5, xyz6, tab_hbm, out_hbm, tab_v, cbuf, obufs, sems):
    cid = lax.axis_index("c")
    sid = lax.axis_index("s")
    wid = sid * _NC + cid

    pltpu.sync_copy(tab_hbm, tab_v)
    lane = lax.iota(jnp.int32, _L)

    xyz_refs = (xyz4, xyz5, xyz6)
    for di in range(3):
        n_d, c_d = _NN[di], _CW[di]
        start = jnp.minimum(wid * c_d, n_d - c_d)
        pltpu.sync_copy(
            xyz_refs[di].at[pl.ds(start * 3, c_d * 3)],
            cbuf.at[pl.ds(0, c_d * 3)],
        )
        row0 = _ROW0[di] + start

        def outer(it, carry, di=di, row0=row0):
            for b in range(2):
                obuf = obufs[b]
                sem = sems[b]
                blk = it * 2 + b

                @pl.when(it > 0)
                def _wait():
                    pltpu.make_async_copy(
                        obuf, out_hbm.at[pl.ds(0, _BROWS * _N_EMBED)], sem
                    ).wait()

                def node_iter(s, di=di, blk=blk, obuf=obuf):
                    cv = cbuf[pl.ds(blk * (3 * _BROWS) + s * 3, _L)]

                    xb = (cv[0] + _DOFF[di]) * _N_EMBED
                    yb = (cv[1] + _DOFF[di]) * _N_EMBED
                    zb = (cv[2] + _DOFF[di]) * _N_EMBED
                    ob = s * _N_EMBED
                    for j in range(16):
                        off = _L * j
                        if j < 5:
                            src = tab_v[pl.ds(xb + off, _L)]
                        elif j == 5:
                            vx = tab_v[pl.ds(xb + off, _L)]
                            vy = tab_v[pl.ds(yb + off, _L)]
                            src = jnp.where(lane < _CH - off, vx, vy)
                        elif j < 10:
                            src = tab_v[pl.ds(yb + off, _L)]
                        elif j == 10:
                            vy = tab_v[pl.ds(yb + off, _L)]
                            vz = tab_v[pl.ds(zb + off, _L)]
                            src = jnp.where(lane < 2 * _CH - off, vy, vz)
                        else:
                            src = tab_v[pl.ds(zb + off, _L)]
                        obuf[pl.ds(ob + off, _L)] = src

                plsc.parallel_loop(0, _BROWS, unroll=1)(node_iter)

                pltpu.make_async_copy(
                    obuf,
                    out_hbm.at[
                        pl.ds((row0 + blk * _BROWS) * _N_EMBED,
                              _BROWS * _N_EMBED)
                    ],
                    sem,
                ).start()
            return carry

        lax.fori_loop(0, _NB2[di], outer, None)

        for b in range(2):
            pltpu.make_async_copy(
                obufs[b], out_hbm.at[pl.ds(0, _BROWS * _N_EMBED)], sems[b]
            ).wait()


def _sc_kernel_body(xyz4, xyz5, xyz6, tab_hbm, out_hbm, tab_v, cbuf,
                    ob0, ob1, sem0, sem1):
    _sc_body(xyz4, xyz5, xyz6, tab_hbm, out_hbm, tab_v, cbuf,
             (ob0, ob1), (sem0, sem1))


def kernel(xyz_d4, xyz_d5, xyz_d6, depth_emb_weight, depth_low, depth_high):
    total = sum(_NN)
    tab = jnp.asarray(_TAB_NP) + jnp.repeat(
        depth_emb_weight.astype(jnp.float32),
        jnp.array(_SCALES),
        axis=0,
        total_repeat_length=112,
    )
    tab_flat = tab.reshape(-1)

    flats = [x.astype(jnp.int32).reshape(-1) for x in (xyz_d4, xyz_d5, xyz_d6)]

    mesh = plsc.VectorSubcoreMesh(
        core_axis_name="c", subcore_axis_name="s", num_cores=_NC)
    run = pl.kernel(
        _sc_kernel_body,
        out_type=jax.ShapeDtypeStruct((total * _N_EMBED,), jnp.float32),
        mesh=mesh,
        compiler_params=pltpu.CompilerParams(needs_layout_passes=False),
        scratch_types=[
            pltpu.VMEM((112 * _N_EMBED,), jnp.float32),
            pltpu.VMEM((3 * _CW[2] + _L,), jnp.int32),
            pltpu.VMEM((_BROWS * _N_EMBED,), jnp.float32),
            pltpu.VMEM((_BROWS * _N_EMBED,), jnp.float32),
            pltpu.SemaphoreType.DMA,
            pltpu.SemaphoreType.DMA,
        ],
    )
    out = run(flats[0], flats[1], flats[2], tab_flat)
    return out.reshape(total, _N_EMBED)

# --- scband reference (transcript-rebuilt; emitter-appended) ---
"""Pipeline reference for scband-sin-pos-emb-84078279787151 (READ-ONLY COPY).

The authoritative reference and input builder live on the scoring server;
editing this copy changes nothing except your own understanding.
"""

import jax, jax.numpy as jnp
import numpy as np

N_EMBED = 256
DEPTH_LOW = 4
DEPTH_HIGH = 6
N_NODES = {4: 4000, 5: 30000, 6: 150000}


def _channels(n_embed):
    ch = int(np.ceil(n_embed / 6) * 2)
    if ch % 2:
        ch += 1
    return ch


def _axis_emb(scale, channels):
    # sinusoidal embedding per axis, identical math to PositionalEncoding3D:
    # inv_freq = 1/10000^(arange(0,ch,2)/ch); emb = flatten(stack([sin, cos], -1))
    inv_freq = 1.0 / (10000.0 ** (jnp.arange(0, channels, 2, dtype=jnp.float32) / channels))
    pos = jnp.arange(scale, dtype=jnp.float32)
    sin_inp = pos[:, None] * inv_freq[None, :]
    emb = jnp.stack([jnp.sin(sin_inp), jnp.cos(sin_inp)], axis=-1)
    return emb.reshape(scale, channels)


def setup_inputs(seed: int = 0) -> dict:
    key = jax.random.key(seed)
    inp = {}
    for i, d in enumerate(range(DEPTH_LOW, DEPTH_HIGH + 1)):
        k = jax.random.fold_in(key, i)
        inp[f"xyz_d{d}"] = jax.random.randint(k, (N_NODES[d], 3), 0, 2 ** d)
    kw = jax.random.fold_in(key, 100)
    inp["depth_emb_weight"] = jax.random.normal(kw, (3, N_EMBED), dtype=jnp.float32)
    inp["depth_low"] = DEPTH_LOW
    inp["depth_high"] = DEPTH_HIGH
    return inp


def reference(xyz_d4, xyz_d5, xyz_d6, depth_emb_weight, depth_low, depth_high):
    channels = _channels(N_EMBED)
    xyz = {4: xyz_d4, 5: xyz_d5, 6: xyz_d6}
    outs = []
    for d in range(DEPTH_LOW, DEPTH_HIGH + 1):
        scale = 2 ** d
        ax = _axis_emb(scale, channels)
        c = xyz[d]
        # full-grid emb at (x,y,z) == concat(emb_ax[x], emb_ax[y], emb_ax[z])[:n_embed]
        ex = jnp.take(ax, c[:, 0], axis=0)
        ey = jnp.take(ax, c[:, 1], axis=0)
        ez = jnp.take(ax, c[:, 2], axis=0)
        pos_emb_d = jnp.concatenate([ex, ey, ez], axis=-1)[:, :N_EMBED]
        depth_emb_d = depth_emb_weight[d + (depth_high - depth_low) - depth_high]
        outs.append(pos_emb_d + depth_emb_d[None, :])
    return jnp.concatenate(outs, axis=0)

if __name__ == "__main__":
    import jax
    _d = setup_inputs()
    print(jax.jit(kernel)(*tuple(_d.values())))

</pallas_src>

<mosaic_0001>
#map = affine_map<(d0, d1) -> (0)>
module attributes {stable_mosaic.version = 14 : i64} {
  func.func @_sc_kernel_body(%arg0: i32, %arg1: i32, %arg2: memref<12000xi32, #tpu.memory_space<hbm>>, %arg3: memref<90000xi32, #tpu.memory_space<hbm>>, %arg4: memref<450000xi32, #tpu.memory_space<hbm>>, %arg5: memref<28672xf32, #tpu.memory_space<hbm>>, %arg6: memref<47104000xf32, #tpu.memory_space<hbm>>, %arg7: memref<28672xf32, #tpu.memory_space<vmem>>, %arg8: memref<14608xi32, #tpu.memory_space<vmem>>, %arg9: memref<32768xf32, #tpu.memory_space<vmem>>, %arg10: memref<32768xf32, #tpu.memory_space<vmem>>, %arg11: memref<!tpu.dma_semaphore, #tpu.memory_space<semaphore_mem>>, %arg12: memref<!tpu.dma_semaphore, #tpu.memory_space<semaphore_mem>>) attributes {dimension_semantics = [#tpu.dimension_semantics<core_parallel>, #tpu.dimension_semantics<subcore_parallel>], iteration_bounds = array<i64: 2, 16>, scalar_prefetch = 0 : i64, scratch_operands = 6 : i64, tpu.core_type = #tpu.core_type<sc_vector_subcore>, window_params = [{transform_indices = #map}, {transform_indices = #map}, {transform_indices = #map}, {transform_indices = #map}, {transform_indices = #map}]} {
    %mul3A = arith.constant 2 : i32
    %mul3A_0 = arith.muli %arg1, %mul3A : i32
    %add3A = arith.addi %mul3A_0, %arg0 : i32
    "tpu.region"() ({
      %run_scoped3A = tpu.sem_alloc : memref<!tpu.dma_semaphore, #tpu.memory_space<semaphore_mem>>
      tpu.enqueue_dma source(%arg5 : memref<28672xf32, #tpu.memory_space<hbm>>) target(%arg7 : memref<28672xf32, #tpu.memory_space<vmem>>) target_semaphore(%run_scoped3A : memref<!tpu.dma_semaphore, #tpu.memory_space<semaphore_mem>>)
      tpu.wait_dma2 semaphore(%run_scoped3A : memref<!tpu.dma_semaphore, #tpu.memory_space<semaphore_mem>>) src(%arg5 : memref<28672xf32, #tpu.memory_space<hbm>>) dst(%arg7 : memref<28672xf32, #tpu.memory_space<vmem>>)
      tpu.yield
    }) : () -> ()
    %iota3A = tpu.iota {dimensions = array<i32: 0>} : vector<16xi32>
    %mul3A_1 = arith.constant 256 : i32
    %mul3A_2 = arith.muli %add3A, %mul3A_1 : i32
    %min3A = arith.constant 3744 : i32
    %min3A_3 = arith.minsi %mul3A_2, %min3A : i32
    %mul3A_4 = arith.constant 3 : i32
    %mul3A_5 = arith.muli %min3A_3, %mul3A_4 : i32
    "tpu.region"() ({
      %run_scoped3A = tpu.sem_alloc : memref<!tpu.dma_semaphore, #tpu.memory_space<semaphore_mem>>
      %dma_start3A_91 = arith.constant 0 : i32
      %dma_start3A_92 = tpu.memref_slice %arg8[%dma_start3A_91] : memref<14608xi32, #tpu.memory_space<vmem>> -> memref<768xi32, #tpu.memory_space<vmem>>
      %dma_start3A_93 = tpu.memref_slice %arg2[%mul3A_5] : memref<12000xi32, #tpu.memory_space<hbm>> -> memref<768xi32, #tpu.memory_space<hbm>>
      %dma_start3A_94 = arith.constant 0 : i32
      %dma_start3A_95 = tpu.memref_slice %arg8[%dma_start3A_94] : memref<14608xi32, #tpu.memory_space<vmem>> -> memref<768xi32, #tpu.memory_space<vmem>>
      %dma_start3A_96 = tpu.memref_slice %arg2[%mul3A_5] : memref<12000xi32, #tpu.memory_space<hbm>> -> memref<768xi32, #tpu.memory_space<hbm>>
      tpu.enqueue_dma source(%dma_start3A_96 : memref<768xi32, #tpu.memory_space<hbm>>) target(%dma_start3A_95 : memref<768xi32, #tpu.memory_space<vmem>>) target_semaphore(%run_scoped3A : memref<!tpu.dma_semaphore, #tpu.memory_space<semaphore_mem>>)
      %dma_wait3A_97 = arith.constant 0 : i32
      %dma_wait3A_98 = tpu.memref_slice %arg8[%dma_wait3A_97] : memref<14608xi32, #tpu.memory_space<vmem>> -> memref<768xi32, #tpu.memory_space<vmem>>
      %dma_wait3A_99 = tpu.memref_slice %arg2[%mul3A_5] : memref<12000xi32, #tpu.memory_space<hbm>> -> memref<768xi32, #tpu.memory_space<hbm>>
      %dma_wait3A_100 = arith.constant 0 : i32
      %dma_wait3A_101 = tpu.memref_slice %arg8[%dma_wait3A_100] : memref<14608xi32, #tpu.memory_space<vmem>> -> memref<768xi32, #tpu.memory_space<vmem>>
      %dma_wait3A_102 = tpu.memref_slice %arg2[%mul3A_5] : memref<12000xi32, #tpu.memory_space<hbm>> -> memref<768xi32, #tpu.memory_space<hbm>>
      tpu.wait_dma2 semaphore(%run_scoped3A : memref<!tpu.dma_semaphore, #tpu.memory_space<semaphore_mem>>) src(%dma_wait3A_102 : memref<768xi32, #tpu.memory_space<hbm>>) dst(%dma_wait3A_101 : memref<768xi32, #tpu.memory_space<vmem>>)
      tpu.yield
    }) : () -> ()
    %add3A_6 = arith.constant 0 : i32
    %add3A_7 = arith.addi %add3A_6, %min3A_3 : i32
    %scan3A = arith.constant 0 : i32
    %mul3A_8 = arith.constant 2 : i32
    %mul3A_9 = arith.muli %scan3A, %mul3A_8 : i32
    %add3A_10 = arith.constant 0 : i32
    %add3A_11 = arith.addi %mul3A_9, %add3A_10 : i32
    %gt3A = arith.constant 0 : i32
    %gt3A_12 = arith.cmpi sgt, %scan3A, %gt3A : i32
    %convert_element_type3A = arith.extui %gt3A_12 : i1 to i32
    %cond3A = arith.constant 0 : i32
    %cond3A_13 = arith.cmpi ne, %convert_element_type3A, %cond3A : i32
    scf.if %cond3A_13 {
      %dma_wait3A_91 = arith.constant 0 : i32
      %dma_wait3A_92 = tpu.memref_slice %arg6[%dma_wait3A_91] : memref<47104000xf32, #tpu.memory_space<hbm>> -> memref<32768xf32, #tpu.memory_space<hbm>>
      %dma_wait3A_93 = arith.constant 0 : i32
      %dma_wait3A_94 = tpu.memref_slice %arg6[%dma_wait3A_93] : memref<47104000xf32, #tpu.memory_space<hbm>> -> memref<32768xf32, #tpu.memory_space<hbm>>
      tpu.wait_dma2 semaphore(%arg11 : memref<!tpu.dma_semaphore, #tpu.memory_space<semaphore_mem>>) src(%arg9 : memref<32768xf32, #tpu.memory_space<vmem>>) dst(%dma_wait3A_94 : memref<32768xf32, #tpu.memory_space<hbm>>)
    } else {
    }
    %parallel_loop3A = arith.constant 0 : i32
    %parallel_loop3A_14 = arith.constant 128 : i32
    %parallel_loop3A_15 = arith.constant 1 : i32
    scf.for %parallel_loop3A_91 = %parallel_loop3A to %parallel_loop3A_14 step %parallel_loop3A_15  : i32 {
      %parallel_loop3A_92 = arith.constant 384 : i32
      %parallel_loop3A_93 = arith.muli %add3A_11, %parallel_loop3A_92 : i32
      %parallel_loop3A_94 = arith.constant 3 : i32
      %parallel_loop3A_95 = arith.muli %parallel_loop3A_91, %parallel_loop3A_94 : i32
      %parallel_loop3A_96 = arith.addi %parallel_loop3A_93, %parallel_loop3A_95 : i32
      %parallel_loop3A_97 = arith.index_cast %parallel_loop3A_96 : i32 to index
      %parallel_loop3A_98 = tpu.vector_load %arg8[%parallel_loop3A_97] {strides = array<i32>} : memref<14608xi32, #tpu.memory_space<vmem>>, vector<16xi32>,
      %parallel_loop3A_99 = vector.extract_strided_slice %parallel_loop3A_98 {offsets = [0], sizes = [1], strides = [1]} : vector<16xi32> to vector<1xi32>
      %parallel_loop3A_100 = vector.extract %parallel_loop3A_99[0] : i32 from vector<1xi32>
      %parallel_loop3A_101 = arith.constant 0 : i32
      %parallel_loop3A_102 = arith.addi %parallel_loop3A_100, %parallel_loop3A_101 : i32
      %parallel_loop3A_103 = arith.constant 256 : i32
      %parallel_loop3A_104 = arith.muli %parallel_loop3A_102, %parallel_loop3A_103 : i32
      %parallel_loop3A_105 = vector.extract_strided_slice %parallel_loop3A_98 {offsets = [1], sizes = [1], strides = [1]} : vector<16xi32> to vector<1xi32>
      %parallel_loop3A_106 = vector.extract %parallel_loop3A_105[0] : i32 from vector<1xi32>
      %parallel_loop3A_107 = arith.constant 0 : i32
      %parallel_loop3A_108 = arith.addi %parallel_loop3A_106, %parallel_loop3A_107 : i32
      %parallel_loop3A_109 = arith.constant 256 : i32
      %parallel_loop3A_110 = arith.muli %parallel_loop3A_108, %parallel_loop3A_109 : i32
      %parallel_loop3A_111 = vector.extract_strided_slice %parallel_loop3A_98 {offsets = [2], sizes = [1], strides = [1]} : vector<16xi32> to vector<1xi32>
      %parallel_loop3A_112 = vector.extract %parallel_loop3A_111[0] : i32 from vector<1xi32>
      %parallel_loop3A_113 = arith.constant 0 : i32
      %parallel_loop3A_114 = arith.addi %parallel_loop3A_112, %parallel_loop3A_113 : i32
      %parallel_loop3A_115 = arith.constant 256 : i32
      %parallel_loop3A_116 = arith.muli %parallel_loop3A_114, %parallel_loop3A_115 : i32
      %parallel_loop3A_117 = arith.constant 256 : i32
      %parallel_loop3A_118 = arith.muli %parallel_loop3A_91, %parallel_loop3A_117 : i32
      %parallel_loop3A_119 = arith.constant 0 : i32
      %parallel_loop3A_120 = arith.addi %parallel_loop3A_104, %parallel_loop3A_119 : i32
      %parallel_loop3A_121 = arith.index_cast %parallel_loop3A_120 : i32 to index
      %parallel_loop3A_122 = tpu.vector_load %arg7[%parallel_loop3A_121] {strides = array<i32>} : memref<28672xf32, #tpu.memory_space<vmem>>, vector<16xf32>,
      %parallel_loop3A_123 = arith.constant 0 : i32
      %parallel_loop3A_124 = arith.addi %parallel_loop3A_118, %parallel_loop3A_123 : i32
      %parallel_loop3A_125 = arith.index_cast %parallel_loop3A_124 : i32 to index
      %parallel_loop3A_126 = tpu.vector_load %arg9[%parallel_loop3A_125] {strides = array<i32>} : memref<32768xf32, #tpu.memory_space<vmem>>, vector<16xf32>,
      tpu.vector_store %arg9[%parallel_loop3A_125], %parallel_loop3A_122 {strides = array<i32>} : memref<32768xf32, #tpu.memory_space<vmem>>, vector<16xf32>,
      %parallel_loop3A_127 = arith.constant 16 : i32
      %parallel_loop3A_128 = arith.addi %parallel_loop3A_104, %parallel_loop3A_127 : i32
      %parallel_loop3A_129 = arith.index_cast %parallel_loop3A_128 : i32 to index
      %parallel_loop3A_130 = tpu.vector_load %arg7[%parallel_loop3A_129] {strides = array<i32>} : memref<28672xf32, #tpu.memory_space<vmem>>, vector<16xf32>,
      %parallel_loop3A_131 = arith.constant 16 : i32
      %parallel_loop3A_132 = arith.addi %parallel_loop3A_118, %parallel_loop3A_131 : i32
      %parallel_loop3A_133 = arith.index_cast %parallel_loop3A_132 : i32 to index
      %parallel_loop3A_134 = tpu.vector_load %arg9[%parallel_loop3A_133] {strides = array<i32>} : memref<32768xf32, #tpu.memory_space<vmem>>, vector<16xf32>,
      tpu.vector_store %arg9[%parallel_loop3A_133], %parallel_loop3A_130 {strides = array<i32>} : memref<32768xf32, #tpu.memory_space<vmem>>, vector<16xf32>,
      %parallel_loop3A_135 = arith.constant 32 : i32
      %parallel_loop3A_136 = arith.addi %parallel_loop3A_104, %parallel_loop3A_135 : i32
      %parallel_loop3A_137 = arith.index_cast %parallel_loop3A_136 : i32 to index
      %parallel_loop3A_138 = tpu.vector_load %arg7[%parallel_loop3A_137] {strides = array<i32>} : memref<28672xf32, #tpu.memory_space<vmem>>, vector<16xf32>,
      %parallel_loop3A_139 = arith.constant 32 : i32
      %parallel_loop3A_140 = arith.addi %parallel_loop3A_118, %parallel_loop3A_139 : i32
      %parallel_loop3A_141 = arith.index_cast %parallel_loop3A_140 : i32 to index
      %parallel_loop3A_142 = tpu.vector_load %arg9[%parallel_loop3A_141] {strides = array<i32>} : memref<32768xf32, #tpu.memory_space<vmem>>, vector<16xf32>,
      tpu.vector_store %arg9[%parallel_loop3A_141], %parallel_loop3A_138 {strides = array<i32>} : memref<32768xf32, #tpu.memory_space<vmem>>, vector<16xf32>,
      %parallel_loop3A_143 = arith.constant 48 : i32
      %parallel_loop3A_144 = arith.addi %parallel_loop3A_104, %parallel_loop3A_143 : i32
      %parallel_loop3A_145 = arith.index_cast %parallel_loop3A_144 : i32 to index
      %parallel_loop3A_146 = tpu.vector_load %arg7[%parallel_loop3A_145] {strides = array<i32>} : memref<28672xf32, #tpu.memory_space<vmem>>, vector<16xf32>,
      %parallel_loop3A_147 = arith.constant 48 : i32
      %parallel_loop3A_148 = arith.addi %parallel_loop3A_118, %parallel_loop3A_147 : i32
      %parallel_loop3A_149 = arith.index_cast %parallel_loop3A_148 : i32 to index
      %parallel_loop3A_150 = tpu.vector_load %arg9[%parallel_loop3A_149] {strides = array<i32>} : memref<32768xf32, #tpu.memory_space<vmem>>, vector<16xf32>,
      tpu.vector_store %arg9[%parallel_loop3A_149], %parallel_loop3A_146 {strides = array<i32>} : memref<32768xf32, #tpu.memory_space<vmem>>, vector<16xf32>,
      %parallel_loop3A_151 = arith.constant 64 : i32
      %parallel_loop3A_152 = arith.addi %parallel_loop3A_104, %parallel_loop3A_151 : i32
      %parallel_loop3A_153 = arith.index_cast %parallel_loop3A_152 : i32 to index
      %parallel_loop3A_154 = tpu.vector_load %arg7[%parallel_loop3A_153] {strides = array<i32>} : memref<28672xf32, #tpu.memory_space<vmem>>, vector<16xf32>,
      %parallel_loop3A_155 = arith.constant 64 : i32
      %parallel_loop3A_156 = arith.addi %parallel_loop3A_118, %parallel_loop3A_155 : i32
      %parallel_loop3A_157 = arith.index_cast %parallel_loop3A_156 : i32 to index
      %parallel_loop3A_158 = tpu.vector_load %arg9[%parallel_loop3A_157] {strides = array<i32>} : memref<32768xf32, #tpu.memory_space<vmem>>, vector<16xf32>,
      tpu.vector_store %arg9[%parallel_loop3A_157], %parallel_loop3A_154 {strides = array<i32>} : memref<32768xf32, #tpu.memory_space<vmem>>, vector<16xf32>,
      %parallel_loop3A_159 = arith.constant 80 : i32
      %parallel_loop3A_160 = arith.addi %parallel_loop3A_104, %parallel_loop3A_159 : i32
      %parallel_loop3A_161 = arith.index_cast %parallel_loop3A_160 : i32 to index
      %parallel_loop3A_162 = tpu.vector_load %arg7[%parallel_loop3A_161] {strides = array<i32>} : memref<28672xf32, #tpu.memory_space<vmem>>, vector<16xf32>,
      %parallel_loop3A_163 = arith.constant 80 : i32
      %parallel_loop3A_164 = arith.addi %parallel_loop3A_110, %parallel_loop3A_163 : i32
      %parallel_loop3A_165 = arith.index_cast %parallel_loop3A_164 : i32 to index
      %parallel_loop3A_166 = tpu.vector_load %arg7[%parallel_loop3A_165] {strides = array<i32>} : memref<28672xf32, #tpu.memory_space<vmem>>, vector<16xf32>,
      %parallel_loop3A_167 = arith.constant 6 : i32
      %parallel_loop3A_168 = vector.broadcast %parallel_loop3A_167 : i32 to vector<16xi32>
      %parallel_loop3A_169 = arith.cmpi slt, %iota3A, %parallel_loop3A_168 : vector<16xi32>
      %parallel_loop3A_170 = arith.select %parallel_loop3A_169, %parallel_loop3A_162, %parallel_loop3A_166 : vector<16xi1>, vector<16xf32>
      %parallel_loop3A_171 = arith.constant 80 : i32
      %parallel_loop3A_172 = arith.addi %parallel_loop3A_118, %parallel_loop3A_171 : i32
      %parallel_loop3A_173 = arith.index_cast %parallel_loop3A_172 : i32 to index
      %parallel_loop3A_174 = tpu.vector_load %arg9[%parallel_loop3A_173] {strides = array<i32>} : memref<32768xf32, #tpu.memory_space<vmem>>, vector<16xf32>,
      tpu.vector_store %arg9[%parallel_loop3A_173], %parallel_loop3A_170 {strides = array<i32>} : memref<32768xf32, #tpu.memory_space<vmem>>, vector<16xf32>,
      %parallel_loop3A_175 = arith.constant 96 : i32
      %parallel_loop3A_176 = arith.addi %parallel_loop3A_110, %parallel_loop3A_175 : i32
      %parallel_loop3A_177 = arith.index_cast %parallel_loop3A_176 : i32 to index
      %parallel_loop3A_178 = tpu.vector_load %arg7[%parallel_loop3A_177] {strides = array<i32>} : memref<28672xf32, #tpu.memory_space<vmem>>, vector<16xf32>,
      %parallel_loop3A_179 = arith.constant 96 : i32
      %parallel_loop3A_180 = arith.addi %parallel_loop3A_118, %parallel_loop3A_179 : i32
      %parallel_loop3A_181 = arith.index_cast %parallel_loop3A_180 : i32 to index
      %parallel_loop3A_182 = tpu.vector_load %arg9[%parallel_loop3A_181] {strides = array<i32>} : memref<32768xf32, #tpu.memory_space<vmem>>, vector<16xf32>,
      tpu.vector_store %arg9[%parallel_loop3A_181], %parallel_loop3A_178 {strides = array<i32>} : memref<32768xf32, #tpu.memory_space<vmem>>, vector<16xf32>,
      %parallel_loop3A_183 = arith.constant 112 : i32
      %parallel_loop3A_184 = arith.addi %parallel_loop3A_110, %parallel_loop3A_183 : i32
      %parallel_loop3A_185 = arith.index_cast %parallel_loop3A_184 : i32 to index
      %parallel_loop3A_186 = tpu.vector_load %arg7[%parallel_loop3A_185] {strides = array<i32>} : memref<28672xf32, #tpu.memory_space<vmem>>, vector<16xf32>,
      %parallel_loop3A_187 = arith.constant 112 : i32
      %parallel_loop3A_188 = arith.addi %parallel_loop3A_118, %parallel_loop3A_187 : i32
      %parallel_loop3A_189 = arith.index_cast %parallel_loop3A_188 : i32 to index
      %parallel_loop3A_190 = tpu.vector_load %arg9[%parallel_loop3A_189] {strides = array<i32>} : memref<32768xf32, #tpu.memory_space<vmem>>, vector<16xf32>,
      tpu.vector_store %arg9[%parallel_loop3A_189], %parallel_loop3A_186 {strides = array<i32>} : memref<32768xf32, #tpu.memory_space<vmem>>, vector<16xf32>,
      %parallel_loop3A_191 = arith.constant 128 : i32
      %parallel_loop3A_192 = arith.addi %parallel_loop3A_110, %parallel_loop3A_191 : i32
      %parallel_loop3A_193 = arith.index_cast %parallel_loop3A_192 : i32 to index
      %parallel_loop3A_194 = tpu.vector_load %arg7[%parallel_loop3A_193] {strides = array<i32>} : memref<28672xf32, #tpu.memory_space<vmem>>, vector<16xf32>,
      %parallel_loop3A_195 = arith.constant 128 : i32
      %parallel_loop3A_196 = arith.addi %parallel_loop3A_118, %parallel_loop3A_195 : i32
      %parallel_loop3A_197 = arith.index_cast %parallel_loop3A_196 : i32 to index
      %parallel_loop3A_198 = tpu.vector_load %arg9[%parallel_loop3A_197] {strides = array<i32>} : memref<32768xf32, #tpu.memory_space<vmem>>, vector<16xf32>,
      tpu.vector_store %arg9[%parallel_loop3A_197], %parallel_loop3A_194 {strides = array<i32>} : memref<32768xf32, #tpu.memory_space<vmem>>, vector<16xf32>,
      %parallel_loop3A_199 = arith.constant 144 : i32
      %parallel_loop3A_200 = arith.addi %parallel_loop3A_110, %parallel_loop3A_199 : i32
      %parallel_loop3A_201 = arith.index_cast %parallel_loop3A_200 : i32 to index
      %parallel_loop3A_202 = tpu.vector_load %arg7[%parallel_loop3A_201] {strides = array<i32>} : memref<28672xf32, #tpu.memory_space<vmem>>, vector<16xf32>,
      %parallel_loop3A_203 = arith.constant 144 : i32
      %parallel_loop3A_204 = arith.addi %parallel_loop3A_118, %parallel_loop3A_203 : i32
      %parallel_loop3A_205 = arith.index_cast %parallel_loop3A_204 : i32 to index
      %parallel_loop3A_206 = tpu.vector_load %arg9[%parallel_loop3A_205] {strides = array<i32>} : memref<32768xf32, #tpu.memory_space<vmem>>, vector<16xf32>,
      tpu.vector_store %arg9[%parallel_loop3A_205], %parallel_loop3A_202 {strides = array<i32>} : memref<32768xf32, #tpu.memory_space<vmem>>, vector<16xf32>,
      %parallel_loop3A_207 = arith.constant 160 : i32
      %parallel_loop3A_208 = arith.addi %parallel_loop3A_110, %parallel_loop3A_207 : i32
      %parallel_loop3A_209 = arith.index_cast %parallel_loop3A_208 : i32 to index
      %parallel_loop3A_210 = tpu.vector_load %arg7[%parallel_loop3A_209] {strides = array<i32>} : memref<28672xf32, #tpu.memory_space<vmem>>, vector<16xf32>,
      %parallel_loop3A_211 = arith.constant 160 : i32
      %parallel_loop3A_212 = arith.addi %parallel_loop3A_116, %parallel_loop3A_211 : i32
      %parallel_loop3A_213 = arith.index_cast %parallel_loop3A_212 : i32 to index
      %parallel_loop3A_214 = tpu.vector_load %arg7[%parallel_loop3A_213] {strides = array<i32>} : memref<28672xf32, #tpu.memory_space<vmem>>, vector<16xf32>,
      %parallel_loop3A_215 = arith.constant 12 : i32
      %parallel_loop3A_216 = vector.broadcast %parallel_loop3A_215 : i32 to vector<16xi32>
      %parallel_loop3A_217 = arith.cmpi slt, %iota3A, %parallel_loop3A_216 : vector<16xi32>
      %parallel_loop3A_218 = arith.select %parallel_loop3A_217, %parallel_loop3A_210, %parallel_loop3A_214 : vector<16xi1>, vector<16xf32>
      %parallel_loop3A_219 = arith.constant 160 : i32
      %parallel_loop3A_220 = arith.addi %parallel_loop3A_118, %parallel_loop3A_219 : i32
      %parallel_loop3A_221 = arith.index_cast %parallel_loop3A_220 : i32 to index
      %parallel_loop3A_222 = tpu.vector_load %arg9[%parallel_loop3A_221] {strides = array<i32>} : memref<32768xf32, #tpu.memory_space<vmem>>, vector<16xf32>,
      tpu.vector_store %arg9[%parallel_loop3A_221], %parallel_loop3A_218 {strides = array<i32>} : memref<32768xf32, #tpu.memory_space<vmem>>, vector<16xf32>,
      %parallel_loop3A_223 = arith.constant 176 : i32
      %parallel_loop3A_224 = arith.addi %parallel_loop3A_116, %parallel_loop3A_223 : i32
      %parallel_loop3A_225 = arith.index_cast %parallel_loop3A_224 : i32 to index
      %parallel_loop3A_226 = tpu.vector_load %arg7[%parallel_loop3A_225] {strides = array<i32>} : memref<28672xf32, #tpu.memory_space<vmem>>, vector<16xf32>,
      %parallel_loop3A_227 = arith.constant 176 : i32
      %parallel_loop3A_228 = arith.addi %parallel_loop3A_118, %parallel_loop3A_227 : i32
      %parallel_loop3A_229 = arith.index_cast %parallel_loop3A_228 : i32 to index
      %parallel_loop3A_230 = tpu.vector_load %arg9[%parallel_loop3A_229] {strides = array<i32>} : memref<32768xf32, #tpu.memory_space<vmem>>, vector<16xf32>,
      tpu.vector_store %arg9[%parallel_loop3A_229], %parallel_loop3A_226 {strides = array<i32>} : memref<32768xf32, #tpu.memory_space<vmem>>, vector<16xf32>,
      %parallel_loop3A_231 = arith.constant 192 : i32
      %parallel_loop3A_232 = arith.addi %parallel_loop3A_116, %parallel_loop3A_231 : i32
      %parallel_loop3A_233 = arith.index_cast %parallel_loop3A_232 : i32 to index
      %parallel_loop3A_234 = tpu.vector_load %arg7[%parallel_loop3A_233] {strides = array<i32>} : memref<28672xf32, #tpu.memory_space<vmem>>, vector<16xf32>,
      %parallel_loop3A_235 = arith.constant 192 : i32
      %parallel_loop3A_236 = arith.addi %parallel_loop3A_118, %parallel_loop3A_235 : i32
      %parallel_loop3A_237 = arith.index_cast %parallel_loop3A_236 : i32 to index
      %parallel_loop3A_238 = tpu.vector_load %arg9[%parallel_loop3A_237] {strides = array<i32>} : memref<32768xf32, #tpu.memory_space<vmem>>, vector<16xf32>,
      tpu.vector_store %arg9[%parallel_loop3A_237], %parallel_loop3A_234 {strides = array<i32>} : memref<32768xf32, #tpu.memory_space<vmem>>, vector<16xf32>,
      %parallel_loop3A_239 = arith.constant 208 : i32
      %parallel_loop3A_240 = arith.addi %parallel_loop3A_116, %parallel_loop3A_239 : i32
      %parallel_loop3A_241 = arith.index_cast %parallel_loop3A_240 : i32 to index
      %parallel_loop3A_242 = tpu.vector_load %arg7[%parallel_loop3A_241] {strides = array<i32>} : memref<28672xf32, #tpu.memory_space<vmem>>, vector<16xf32>,
      %parallel_loop3A_243 = arith.constant 208 : i32
      %parallel_loop3A_244 = arith.addi %parallel_loop3A_118, %parallel_loop3A_243 : i32
      %parallel_loop3A_245 = arith.index_cast %parallel_loop3A_244 : i32 to index
      %parallel_loop3A_246 = tpu.vector_load %arg9[%parallel_loop3A_245] {strides = array<i32>} : memref<32768xf32, #tpu.memory_space<vmem>>, vector<16xf32>,
      tpu.vector_store %arg9[%parallel_loop3A_245], %parallel_loop3A_242 {strides = array<i32>} : memref<32768xf32, #tpu.memory_space<vmem>>, vector<16xf32>,
      %parallel_loop3A_247 = arith.constant 224 : i32
      %parallel_loop3A_248 = arith.addi %parallel_loop3A_116, %parallel_loop3A_247 : i32
      %parallel_loop3A_249 = arith.index_cast %parallel_loop3A_248 : i32 to index
      %parallel_loop3A_250 = tpu.vector_load %arg7[%parallel_loop3A_249] {strides = array<i32>} : memref<28672xf32, #tpu.memory_space<vmem>>, vector<16xf32>,
      %parallel_loop3A_251 = arith.constant 224 : i32
      %parallel_loop3A_252 = arith.addi %parallel_loop3A_118, %parallel_loop3A_251 : i32
      %parallel_loop3A_253 = arith.index_cast %parallel_loop3A_252 : i32 to index
      %parallel_loop3A_254 = tpu.vector_load %arg9[%parallel_loop3A_253] {strides = array<i32>} : memref<32768xf32, #tpu.memory_space<vmem>>, vector<16xf32>,
      tpu.vector_store %arg9[%parallel_loop3A_253], %parallel_loop3A_250 {strides = array<i32>} : memref<32768xf32, #tpu.memory_space<vmem>>, vector<16xf32>,
      %parallel_loop3A_255 = arith.constant 240 : i32
      %parallel_loop3A_256 = arith.addi %parallel_loop3A_116, %parallel_loop3A_255 : i32
      %parallel_loop3A_257 = arith.index_cast %parallel_loop3A_256 : i32 to index
      %parallel_loop3A_258 = tpu.vector_load %arg7[%parallel_loop3A_257] {strides = array<i32>} : memref<28672xf32, #tpu.memory_space<vmem>>, vector<16xf32>,
      %parallel_loop3A_259 = arith.constant 240 : i32
      %parallel_loop3A_260 = arith.addi %parallel_loop3A_118, %parallel_loop3A_259 : i32
      %parallel_loop3A_261 = arith.index_cast %parallel_loop3A_260 : i32 to index
      %parallel_loop3A_262 = tpu.vector_load %arg9[%parallel_loop3A_261] {strides = array<i32>} : memref<32768xf32, #tpu.memory_space<vmem>>, vector<16xf32>,
      tpu.vector_store %arg9[%parallel_loop3A_261], %parallel_loop3A_258 {strides = array<i32>} : memref<32768xf32, #tpu.memory_space<vmem>>, vector<16xf32>,
    } {sc.loop_unroll_factor = 1 : i64, sc.parallel_access}
    %mul3A_16 = arith.constant 128 : i32
    %mul3A_17 = arith.muli %add3A_11, %mul3A_16 : i32
    %add3A_18 = arith.addi %add3A_7, %mul3A_17 : i32
    %mul3A_19 = arith.constant 256 : i32
    %mul3A_20 = arith.muli %add3A_18, %mul3A_19 : i32
    %dma_start3A = tpu.memref_slice %arg6[%mul3A_20] : memref<47104000xf32, #tpu.memory_space<hbm>> -> memref<32768xf32, #tpu.memory_space<hbm>>
    %dma_start3A_21 = tpu.memref_slice %arg6[%mul3A_20] : memref<47104000xf32, #tpu.memory_space<hbm>> -> memref<32768xf32, #tpu.memory_space<hbm>>
    tpu.enqueue_dma source(%arg9 : memref<32768xf32, #tpu.memory_space<vmem>>) target(%dma_start3A_21 : memref<32768xf32, #tpu.memory_space<hbm>>) target_semaphore(%arg11 : memref<!tpu.dma_semaphore, #tpu.memory_space<semaphore_mem>>)
    %mul3A_22 = arith.constant 2 : i32
    %mul3A_23 = arith.muli %scan3A, %mul3A_22 : i32
    %add3A_24 = arith.constant 1 : i32
    %add3A_25 = arith.addi %mul3A_23, %add3A_24 : i32
    %gt3A_26 = arith.constant 0 : i32
    %gt3A_27 = arith.cmpi sgt, %scan3A, %gt3A_26 : i32
    %convert_element_type3A_28 = arith.extui %gt3A_27 : i1 to i32
    %cond3A_29 = arith.constant 0 : i32
    %cond3A_30 = arith.cmpi ne, %convert_element_type3A_28, %cond3A_29 : i32
    scf.if %cond3A_30 {
      %dma_wait3A_91 = arith.constant 0 : i32
      %dma_wait3A_92 = tpu.memref_slice %arg6[%dma_wait3A_91] : memref<47104000xf32, #tpu.memory_space<hbm>> -> memref<32768xf32, #tpu.memory_space<hbm>>
      %dma_wait3A_93 = arith.constant 0 : i32
      %dma_wait3A_94 = tpu.memref_slice %arg6[%dma_wait3A_93] : memref<47104000xf32, #tpu.memory_space<hbm>> -> memref<32768xf32, #tpu.memory_space<hbm>>
      tpu.wait_dma2 semaphore(%arg12 : memref<!tpu.dma_semaphore, #tpu.memory_space<semaphore_mem>>) src(%arg10 : memref<32768xf32, #tpu.memory_space<vmem>>) dst(%dma_wait3A_94 : memref<32768xf32, #tpu.memory_space<hbm>>)
    } else {
    }
    %parallel_loop3A_31 = arith.constant 0 : i32
    %parallel_loop3A_32 = arith.constant 128 : i32
    %parallel_loop3A_33 = arith.constant 1 : i32
    scf.for %parallel_loop3A_91 = %parallel_loop3A_31 to %parallel_loop3A_32 step %parallel_loop3A_33  : i32 {
      %parallel_loop3A_92 = arith.constant 384 : i32
      %parallel_loop3A_93 = arith.muli %add3A_25, %parallel_loop3A_92 : i32
      %parallel_loop3A_94 = arith.constant 3 : i32
      %parallel_loop3A_95 = arith.muli %parallel_loop3A_91, %parallel_loop3A_94 : i32
      %parallel_loop3A_96 = arith.addi %parallel_loop3A_93, %parallel_loop3A_95 : i32
      %parallel_loop3A_97 = arith.index_cast %parallel_loop3A_96 : i32 to index
      %parallel_loop3A_98 = tpu.vector_load %arg8[%parallel_loop3A_97] {strides = array<i32>} : memref<14608xi32, #tpu.memory_space<vmem>>, vector<16xi32>,
      %parallel_loop3A_99 = vector.extract_strided_slice %parallel_loop3A_98 {offsets = [0], sizes = [1], strides = [1]} : vector<16xi32> to vector<1xi32>
      %parallel_loop3A_100 = vector.extract %parallel_loop3A_99[0] : i32 from vector<1xi32>
      %parallel_loop3A_101 = arith.constant 0 : i32
      %parallel_loop3A_102 = arith.addi %parallel_loop3A_100, %parallel_loop3A_101 : i32
      %parallel_loop3A_103 = arith.constant 256 : i32
      %parallel_loop3A_104 = arith.muli %parallel_loop3A_102, %parallel_loop3A_103 : i32
      %parallel_loop3A_105 = vector.extract_strided_slice %parallel_loop3A_98 {offsets = [1], sizes = [1], strides = [1]} : vector<16xi32> to vector<1xi32>
      %parallel_loop3A_106 = vector.extract %parallel_loop3A_105[0] : i32 from vector<1xi32>
      %parallel_loop3A_107 = arith.constant 0 : i32
      %parallel_loop3A_108 = arith.addi %parallel_loop3A_106, %parallel_loop3A_107 : i32
      %parallel_loop3A_109 = arith.constant 256 : i32
      %parallel_loop3A_110 = arith.muli %parallel_loop3A_108, %parallel_loop3A_109 : i32
      %parallel_loop3A_111 = vector.extract_strided_slice %parallel_loop3A_98 {offsets = [2], sizes = [1], strides = [1]} : vector<16xi32> to vector<1xi32>
      %parallel_loop3A_112 = vector.extract %parallel_loop3A_111[0] : i32 from vector<1xi32>
      %parallel_loop3A_113 = arith.constant 0 : i32
      %parallel_loop3A_114 = arith.addi %parallel_loop3A_112, %parallel_loop3A_113 : i32
      %parallel_loop3A_115 = arith.constant 256 : i32
      %parallel_loop3A_116 = arith.muli %parallel_loop3A_114, %parallel_loop3A_115 : i32
      %parallel_loop3A_117 = arith.constant 256 : i32
      %parallel_loop3A_118 = arith.muli %parallel_loop3A_91, %parallel_loop3A_117 : i32
      %parallel_loop3A_119 = arith.constant 0 : i32
      %parallel_loop3A_120 = arith.addi %parallel_loop3A_104, %parallel_loop3A_119 : i32
      %parallel_loop3A_121 = arith.index_cast %parallel_loop3A_120 : i32 to index
      %parallel_loop3A_122 = tpu.vector_load %arg7[%parallel_loop3A_121] {strides = array<i32>} : memref<28672xf32, #tpu.memory_space<vmem>>, vector<16xf32>,
      %parallel_loop3A_123 = arith.constant 0 : i32
      %parallel_loop3A_124 = arith.addi %parallel_loop3A_118, %parallel_loop3A_123 : i32
      %parallel_loop3A_125 = arith.index_cast %parallel_loop3A_124 : i32 to index
      %parallel_loop3A_126 = tpu.vector_load %arg10[%parallel_loop3A_125] {strides = array<i32>} : memref<32768xf32, #tpu.memory_space<vmem>>, vector<16xf32>,
      tpu.vector_store %arg10[%parallel_loop3A_125], %parallel_loop3A_122 {strides = array<i32>} : memref<32768xf32, #tpu.memory_space<vmem>>, vector<16xf32>,
      %parallel_loop3A_127 = arith.constant 16 : i32
      %parallel_loop3A_128 = arith.addi %parallel_loop3A_104, %parallel_loop3A_127 : i32
      %parallel_loop3A_129 = arith.index_cast %parallel_loop3A_128 : i32 to index
      %parallel_loop3A_130 = tpu.vector_load %arg7[%parallel_loop3A_129] {strides = array<i32>} : memref<28672xf32, #tpu.memory_space<vmem>>, vector<16xf32>,
      %parallel_loop3A_131 = arith.constant 16 : i32
      %parallel_loop3A_132 = arith.addi %parallel_loop3A_118, %parallel_loop3A_131 : i32
      %parallel_loop3A_133 = arith.index_cast %parallel_loop3A_132 : i32 to index
      %parallel_loop3A_134 = tpu.vector_load %arg10[%parallel_loop3A_133] {strides = array<i32>} : memref<32768xf32, #tpu.memory_space<vmem>>, vector<16xf32>,
      tpu.vector_store %arg10[%parallel_loop3A_133], %parallel_loop3A_130 {strides = array<i32>} : memref<32768xf32, #tpu.memory_space<vmem>>, vector<16xf32>,
      %parallel_loop3A_135 = arith.constant 32 : i32
      %parallel_loop3A_136 = arith.addi %parallel_loop3A_104, %parallel_loop3A_135 : i32
      %parallel_loop3A_137 = arith.index_cast %parallel_loop3A_136 : i32 to index
      %parallel_loop3A_138 = tpu.vector_load %arg7[%parallel_loop3A_137] {strides = array<i32>} : memref<28672xf32, #tpu.memory_space<vmem>>, vector<16xf32>,
      %parallel_loop3A_139 = arith.constant 32 : i32
      %parallel_loop3A_140 = arith.addi %parallel_loop3A_118, %parallel_loop3A_139 : i32
      %parallel_loop3A_141 = arith.index_cast %parallel_loop3A_140 : i32 to index
      %parallel_loop3A_142 = tpu.vector_load %arg10[%parallel_loop3A_141] {strides = array<i32>} : memref<32768xf32, #tpu.memory_space<vmem>>, vector<16xf32>,
      tpu.vector_store %arg10[%parallel_loop3A_141], %parallel_loop3A_138 {strides = array<i32>} : memref<32768xf32, #tpu.memory_space<vmem>>, vector<16xf32>,
      %parallel_loop3A_143 = arith.constant 48 : i32
      %parallel_loop3A_144 = arith.addi %parallel_loop3A_104, %parallel_loop3A_143 : i32
      %parallel_loop3A_145 = arith.index_cast %parallel_loop3A_144 : i32 to index
      %parallel_loop3A_146 = tpu.vector_load %arg7[%parallel_loop3A_145] {strides = array<i32>} : memref<28672xf32, #tpu.memory_space<vmem>>, vector<16xf32>,
      %parallel_loop3A_147 = arith.constant 48 : i32
      %parallel_loop3A_148 = arith.addi %parallel_loop3A_118, %parallel_loop3A_147 : i32
      %parallel_loop3A_149 = arith.index_cast %parallel_loop3A_148 : i32 to index
      %parallel_loop3A_150 = tpu.vector_load %arg10[%parallel_loop3A_149] {strides = array<i32>} : memref<32768xf32, #tpu.memory_space<vmem>>, vector<16xf32>,
      tpu.vector_store %arg10[%parallel_loop3A_149], %parallel_loop3A_146 {strides = array<i32>} : memref<32768xf32, #tpu.memory_space<vmem>>, vector<16xf32>,
      %parallel_loop3A_151 = arith.constant 64 : i32
      %parallel_loop3A_152 = arith.addi %parallel_loop3A_104, %parallel_loop3A_151 : i32
      %parallel_loop3A_153 = arith.index_cast %parallel_loop3A_152 : i32 to index
      %parallel_loop3A_154 = tpu.vector_load %arg7[%parallel_loop3A_153] {strides = array<i32>} : memref<28672xf32, #tpu.memory_space<vmem>>, vector<16xf32>,
      %parallel_loop3A_155 = arith.constant 64 : i32
      %parallel_loop3A_156 = arith.addi %parallel_loop3A_118, %parallel_loop3A_155 : i32
      %parallel_loop3A_157 = arith.index_cast %parallel_loop3A_156 : i32 to index
      %parallel_loop3A_158 = tpu.vector_load %arg10[%parallel_loop3A_157] {strides = array<i32>} : memref<32768xf32, #tpu.memory_space<vmem>>, vector<16xf32>,
      tpu.vector_store %arg10[%parallel_loop3A_157], %parallel_loop3A_154 {strides = array<i32>} : memref<32768xf32, #tpu.memory_space<vmem>>, vector<16xf32>,
      %parallel_loop3A_159 = arith.constant 80 : i32
      %parallel_loop3A_160 = arith.addi %parallel_loop3A_104, %parallel_loop3A_159 : i32
      %parallel_loop3A_161 = arith.index_cast %parallel_loop3A_160 : i32 to index
      %parallel_loop3A_162 = tpu.vector_load %arg7[%parallel_loop3A_161] {strides = array<i32>} : memref<28672xf32, #tpu.memory_space<vmem>>, vector<16xf32>,
      %parallel_loop3A_163 = arith.constant 80 : i32
      %parallel_loop3A_164 = arith.addi %parallel_loop3A_110, %parallel_loop3A_163 : i32
      %parallel_loop3A_165 = arith.index_cast %parallel_loop3A_164 : i32 to index
      %parallel_loop3A_166 = tpu.vector_load %arg7[%parallel_loop3A_165] {strides = array<i32>} : memref<28672xf32, #tpu.memory_space<vmem>>, vector<16xf32>,
      %parallel_loop3A_167 = arith.constant 6 : i32
      %parallel_loop3A_168 = vector.broadcast %parallel_loop3A_167 : i32 to vector<16xi32>
      %parallel_loop3A_169 = arith.cmpi slt, %iota3A, %parallel_loop3A_168 : vector<16xi32>
      %parallel_loop3A_170 = arith.select %parallel_loop3A_169, %parallel_loop3A_162, %parallel_loop3A_166 : vector<16xi1>, vector<16xf32>
      %parallel_loop3A_171 = arith.constant 80 : i32
      %parallel_loop3A_172 = arith.addi %parallel_loop3A_118, %parallel_loop3A_171 : i32
      %parallel_loop3A_173 = arith.index_cast %parallel_loop3A_172 : i32 to index
      %parallel_loop3A_174 = tpu.vector_load %arg10[%parallel_loop3A_173] {strides = array<i32>} : memref<32768xf32, #tpu.memory_space<vmem>>, vector<16xf32>,
      tpu.vector_store %arg10[%parallel_loop3A_173], %parallel_loop3A_170 {strides = array<i32>} : memref<32768xf32, #tpu.memory_space<vmem>>, vector<16xf32>,
      %parallel_loop3A_175 = arith.constant 96 : i32
      %parallel_loop3A_176 = arith.addi %parallel_loop3A_110, %parallel_loop3A_175 : i32
      %parallel_loop3A_177 = arith.index_cast %parallel_loop3A_176 : i32 to index
      %parallel_loop3A_178 = tpu.vector_load %arg7[%parallel_loop3A_177] {strides = array<i32>} : memref<28672xf32, #tpu.memory_space<vmem>>, vector<16xf32>,
      %parallel_loop3A_179 = arith.constant 96 : i32
      %parallel_loop3A_180 = arith.addi %parallel_loop3A_118, %parallel_loop3A_179 : i32
      %parallel_loop3A_181 = arith.index_cast %parallel_loop3A_180 : i32 to index
      %parallel_loop3A_182 = tpu.vector_load %arg10[%parallel_loop3A_181] {strides = array<i32>} : memref<32768xf32, #tpu.memory_space<vmem>>, vector<16xf32>,
      tpu.vector_store %arg10[%parallel_loop3A_181], %parallel_loop3A_178 {strides = array<i32>} : memref<32768xf32, #tpu.memory_space<vmem>>, vector<16xf32>,
      %parallel_loop3A_183 = arith.constant 112 : i32
      %parallel_loop3A_184 = arith.addi %parallel_loop3A_110, %parallel_loop3A_183 : i32
      %parallel_loop3A_185 = arith.index_cast %parallel_loop3A_184 : i32 to index
      %parallel_loop3A_186 = tpu.vector_load %arg7[%parallel_loop3A_185] {strides = array<i32>} : memref<28672xf32, #tpu.memory_space<vmem>>, vector<16xf32>,
      %parallel_loop3A_187 = arith.constant 112 : i32
      %parallel_loop3A_188 = arith.addi %parallel_loop3A_118, %parallel_loop3A_187 : i32
      %parallel_loop3A_189 = arith.index_cast %parallel_loop3A_188 : i32 to index
      %parallel_loop3A_190 = tpu.vector_load %arg10[%parallel_loop3A_189] {strides = array<i32>} : memref<32768xf32, #tpu.memory_space<vmem>>, vector<16xf32>,
      tpu.vector_store %arg10[%parallel_loop3A_189], %parallel_loop3A_186 {strides = array<i32>} : memref<32768xf32, #tpu.memory_space<vmem>>, vector<16xf32>,
      %parallel_loop3A_191 = arith.constant 128 : i32
      %parallel_loop3A_192 = arith.addi %parallel_loop3A_110, %parallel_loop3A_191 : i32
      %parallel_loop3A_193 = arith.index_cast %parallel_loop3A_192 : i32 to index
      %parallel_loop3A_194 = tpu.vector_load %arg7[%parallel_loop3A_193] {strides = array<i32>} : memref<28672xf32, #tpu.memory_space<vmem>>, vector<16xf32>,
      %parallel_loop3A_195 = arith.constant 128 : i32
      %parallel_loop3A_196 = arith.addi %parallel_loop3A_118, %parallel_loop3A_195 : i32
      %parallel_loop3A_197 = arith.index_cast %parallel_loop3A_196 : i32 to index
      %parallel_loop3A_198 = tpu.vector_load %arg10[%parallel_loop3A_197] {strides = array<i32>} : memref<32768xf32, #tpu.memory_space<vmem>>, vector<16xf32>,
      tpu.vector_store %arg10[%parallel_loop3A_197], %parallel_loop3A_194 {strides = array<i32>} : memref<32768xf32, #tpu.memory_space<vmem>>, vector<16xf32>,
      %parallel_loop3A_199 = arith.constant 144 : i32
      %parallel_loop3A_200 = arith.addi %parallel_loop3A_110, %parallel_loop3A_199 : i32
      %parallel_loop3A_201 = arith.index_cast %parallel_loop3A_200 : i32 to index
      %parallel_loop3A_202 = tpu.vector_load %arg7[%parallel_loop3A_201] {strides = array<i32>} : memref<28672xf32, #tpu.memory_space<vmem>>, vector<16xf32>,
      %parallel_loop3A_203 = arith.constant 144 : i32
      %parallel_loop3A_204 = arith.addi %parallel_loop3A_118, %parallel_loop3A_203 : i32
      %parallel_loop3A_205 = arith.index_cast %parallel_loop3A_204 : i32 to index
      %parallel_loop3A_206 = tpu.vector_load %arg10[%parallel_loop3A_205] {strides = array<i32>} : memref<32768xf32, #tpu.memory_space<vmem>>, vector<16xf32>,
      tpu.vector_store %arg10[%parallel_loop3A_205], %parallel_loop3A_202 {strides = array<i32>} : memref<32768xf32, #tpu.memory_space<vmem>>, vector<16xf32>,
      %parallel_loop3A_207 = arith.constant 160 : i32
      %parallel_loop3A_208 = arith.addi %parallel_loop3A_110, %parallel_loop3A_207 : i32
      %parallel_loop3A_209 = arith.index_cast %parallel_loop3A_208 : i32 to index
      %parallel_loop3A_210 = tpu.vector_load %arg7[%parallel_loop3A_209] {strides = array<i32>} : memref<28672xf32, #tpu.memory_space<vmem>>, vector<16xf32>,
      %parallel_loop3A_211 = arith.constant 160 : i32
      %parallel_loop3A_212 = arith.addi %parallel_loop3A_116, %parallel_loop3A_211 : i32
      %parallel_loop3A_213 = arith.index_cast %parallel_loop3A_212 : i32 to index
      %parallel_loop3A_214 = tpu.vector_load %arg7[%parallel_loop3A_213] {strides = array<i32>} : memref<28672xf32, #tpu.memory_space<vmem>>, vector<16xf32>,
      %parallel_loop3A_215 = arith.constant 12 : i32
      %parallel_loop3A_216 = vector.broadcast %parallel_loop3A_215 : i32 to vector<16xi32>
      %parallel_loop3A_217 = arith.cmpi slt, %iota3A, %parallel_loop3A_216 : vector<16xi32>
      %parallel_loop3A_218 = arith.select %parallel_loop3A_217, %parallel_loop3A_210, %parallel_loop3A_214 : vector<16xi1>, vector<16xf32>
      %parallel_loop3A_219 = arith.constant 160 : i32
      %parallel_loop3A_220 = arith.addi %parallel_loop3A_118, %parallel_loop3A_219 : i32
      %parallel_loop3A_221 = arith.index_cast %parallel_loop3A_220 : i32 to index
      %parallel_loop3A_222 = tpu.vector_load %arg10[%parallel_loop3A_221] {strides = array<i32>} : memref<32768xf32, #tpu.memory_space<vmem>>, vector<16xf32>,
      tpu.vector_store %arg10[%parallel_loop3A_221], %parallel_loop3A_218 {strides = array<i32>} : memref<32768xf32, #tpu.memory_space<vmem>>, vector<16xf32>,
      %parallel_loop3A_223 = arith.constant 176 : i32
      %parallel_loop3A_224 = arith.addi %parallel_loop3A_116, %parallel_loop3A_223 : i32
      %parallel_loop3A_225 = arith.index_cast %parallel_loop3A_224 : i32 to index
      %parallel_loop3A_226 = tpu.vector_load %arg7[%parallel_loop3A_225] {strides = array<i32>} : memref<28672xf32, #tpu.memory_space<vmem>>, vector<16xf32>,
      %parallel_loop3A_227 = arith.constant 176 : i32
      %parallel_loop3A_228 = arith.addi %parallel_loop3A_118, %parallel_loop3A_227 : i32
      %parallel_loop3A_229 = arith.index_cast %parallel_loop3A_228 : i32 to index
      %parallel_loop3A_230 = tpu.vector_load %arg10[%parallel_loop3A_229] {strides = array<i32>} : memref<32768xf32, #tpu.memory_space<vmem>>, vector<16xf32>,
      tpu.vector_store %arg10[%parallel_loop3A_229], %parallel_loop3A_226 {strides = array<i32>} : memref<32768xf32, #tpu.memory_space<vmem>>, vector<16xf32>,
      %parallel_loop3A_231 = arith.constant 192 : i32
      %parallel_loop3A_232 = arith.addi %parallel_loop3A_116, %parallel_loop3A_231 : i32
      %parallel_loop3A_233 = arith.index_cast %parallel_loop3A_232 : i32 to index
      %parallel_loop3A_234 = tpu.vector_load %arg7[%parallel_loop3A_233] {strides = array<i32>} : memref<28672xf32, #tpu.memory_space<vmem>>, vector<16xf32>,
      %parallel_loop3A_235 = arith.constant 192 : i32
      %parallel_loop3A_236 = arith.addi %parallel_loop3A_118, %parallel_loop3A_235 : i32
      %parallel_loop3A_237 = arith.index_cast %parallel_loop3A_236 : i32 to index
      %parallel_loop3A_238 = tpu.vector_load %arg10[%parallel_loop3A_237] {strides = array<i32>} : memref<32768xf32, #tpu.memory_space<vmem>>, vector<16xf32>,
      tpu.vector_store %arg10[%parallel_loop3A_237], %parallel_loop3A_234 {strides = array<i32>} : memref<32768xf32, #tpu.memory_space<vmem>>, vector<16xf32>,
      %parallel_loop3A_239 = arith.constant 208 : i32
      %parallel_loop3A_240 = arith.addi %parallel_loop3A_116, %parallel_loop3A_239 : i32
      %parallel_loop3A_241 = arith.index_cast %parallel_loop3A_240 : i32 to index
      %parallel_loop3A_242 = tpu.vector_load %arg7[%parallel_loop3A_241] {strides = array<i32>} : memref<28672xf32, #tpu.memory_space<vmem>>, vector<16xf32>,
      %parallel_loop3A_243 = arith.constant 208 : i32
      %parallel_loop3A_244 = arith.addi %parallel_loop3A_118, %parallel_loop3A_243 : i32
      %parallel_loop3A_245 = arith.index_cast %parallel_loop3A_244 : i32 to index
      %parallel_loop3A_246 = tpu.vector_load %arg10[%parallel_loop3A_245] {strides = array<i32>} : memref<32768xf32, #tpu.memory_space<vmem>>, vector<16xf32>,
      tpu.vector_store %arg10[%parallel_loop3A_245], %parallel_loop3A_242 {strides = array<i32>} : memref<32768xf32, #tpu.memory_space<vmem>>, vector<16xf32>,
      %parallel_loop3A_247 = arith.constant 224 : i32
      %parallel_loop3A_248 = arith.addi %parallel_loop3A_116, %parallel_loop3A_247 : i32
      %parallel_loop3A_249 = arith.index_cast %parallel_loop3A_248 : i32 to index
      %parallel_loop3A_250 = tpu.vector_load %arg7[%parallel_loop3A_249] {strides = array<i32>} : memref<28672xf32, #tpu.memory_space<vmem>>, vector<16xf32>,
      %parallel_loop3A_251 = arith.constant 224 : i32
      %parallel_loop3A_252 = arith.addi %parallel_loop3A_118, %parallel_loop3A_251 : i32
      %parallel_loop3A_253 = arith.index_cast %parallel_loop3A_252 : i32 to index
      %parallel_loop3A_254 = tpu.vector_load %arg10[%parallel_loop3A_253] {strides = array<i32>} : memref<32768xf32, #tpu.memory_space<vmem>>, vector<16xf32>,
      tpu.vector_store %arg10[%parallel_loop3A_253], %parallel_loop3A_250 {strides = array<i32>} : memref<32768xf32, #tpu.memory_space<vmem>>, vector<16xf32>,
      %parallel_loop3A_255 = arith.constant 240 : i32
      %parallel_loop3A_256 = arith.addi %parallel_loop3A_116, %parallel_loop3A_255 : i32
      %parallel_loop3A_257 = arith.index_cast %parallel_loop3A_256 : i32 to index
      %parallel_loop3A_258 = tpu.vector_load %arg7[%parallel_loop3A_257] {strides = array<i32>} : memref<28672xf32, #tpu.memory_space<vmem>>, vector<16xf32>,
      %parallel_loop3A_259 = arith.constant 240 : i32
      %parallel_loop3A_260 = arith.addi %parallel_loop3A_118, %parallel_loop3A_259 : i32
      %parallel_loop3A_261 = arith.index_cast %parallel_loop3A_260 : i32 to index
      %parallel_loop3A_262 = tpu.vector_load %arg10[%parallel_loop3A_261] {strides = array<i32>} : memref<32768xf32, #tpu.memory_space<vmem>>, vector<16xf32>,
      tpu.vector_store %arg10[%parallel_loop3A_261], %parallel_loop3A_258 {strides = array<i32>} : memref<32768xf32, #tpu.memory_space<vmem>>, vector<16xf32>,
    } {sc.loop_unroll_factor = 1 : i64, sc.parallel_access}
    %mul3A_34 = arith.constant 128 : i32
    %mul3A_35 = arith.muli %add3A_25, %mul3A_34 : i32
    %add3A_36 = arith.addi %add3A_7, %mul3A_35 : i32
    %mul3A_37 = arith.constant 256 : i32
    %mul3A_38 = arith.muli %add3A_36, %mul3A_37 : i32
    %dma_start3A_39 = tpu.memref_slice %arg6[%mul3A_38] : memref<47104000xf32, #tpu.memory_space<hbm>> -> memref<32768xf32, #tpu.memory_space<hbm>>
    %dma_start3A_40 = tpu.memref_slice %arg6[%mul3A_38] : memref<47104000xf32, #tpu.memory_space<hbm>> -> memref<32768xf32, #tpu.memory_space<hbm>>
    tpu.enqueue_dma source(%arg10 : memref<32768xf32, #tpu.memory_space<vmem>>) target(%dma_start3A_40 : memref<32768xf32, #tpu.memory_space<hbm>>) target_semaphore(%arg12 : memref<!tpu.dma_semaphore, #tpu.memory_space<semaphore_mem>>)
    %scan3A_41 = arith.constant 1 : i32
    %dma_wait3A = arith.constant 0 : i32
    %dma_wait3A_42 = tpu.memref_slice %arg6[%dma_wait3A] : memref<47104000xf32, #tpu.memory_space<hbm>> -> memref<32768xf32, #tpu.memory_space<hbm>>
    %dma_wait3A_43 = arith.constant 0 : i32
    %dma_wait3A_44 = tpu.memref_slice %arg6[%dma_wait3A_43] : memref<47104000xf32, #tpu.memory_space<hbm>> -> memref<32768xf32, #tpu.memory_space<hbm>>
    tpu.wait_dma2 semaphore(%arg11 : memref<!tpu.dma_semaphore, #tpu.memory_space<semaphore_mem>>) src(%arg9 : memref<32768xf32, #tpu.memory_space<vmem>>) dst(%dma_wait3A_44 : memref<32768xf32, #tpu.memory_space<hbm>>)
    %dma_wait3A_45 = arith.constant 0 : i32
    %dma_wait3A_46 = tpu.memref_slice %arg6[%dma_wait3A_45] : memref<47104000xf32, #tpu.memory_space<hbm>> -> memref<32768xf32, #tpu.memory_space<hbm>>
    %dma_wait3A_47 = arith.constant 0 : i32
    %dma_wait3A_48 = tpu.memref_slice %arg6[%dma_wait3A_47] : memref<47104000xf32, #tpu.memory_space<hbm>> -> memref<32768xf32, #tpu.memory_space<hbm>>
    tpu.wait_dma2 semaphore(%arg12 : memref<!tpu.dma_semaphore, #tpu.memory_space<semaphore_mem>>) src(%arg10 : memref<32768xf32, #tpu.memory_space<vmem>>) dst(%dma_wait3A_48 : memref<32768xf32, #tpu.memory_space<hbm>>)
    %mul3A_49 = arith.constant 1024 : i32
    %mul3A_50 = arith.muli %add3A, %mul3A_49 : i32
    %min3A_51 = arith.constant 28976 : i32
    %min3A_52 = arith.minsi %mul3A_50, %min3A_51 : i32
    %mul3A_53 = arith.constant 3 : i32
    %mul3A_54 = arith.muli %min3A_52, %mul3A_53 : i32
    "tpu.region"() ({
      %run_scoped3A = tpu.sem_alloc : memref<!tpu.dma_semaphore, #tpu.memory_space<semaphore_mem>>
      %dma_start3A_91 = arith.constant 0 : i32
      %dma_start3A_92 = tpu.memref_slice %arg8[%dma_start3A_91] : memref<14608xi32, #tpu.memory_space<vmem>> -> memref<3072xi32, #tpu.memory_space<vmem>>
      %dma_start3A_93 = tpu.memref_slice %arg3[%mul3A_54] : memref<90000xi32, #tpu.memory_space<hbm>> -> memref<3072xi32, #tpu.memory_space<hbm>>
      %dma_start3A_94 = arith.constant 0 : i32
      %dma_start3A_95 = tpu.memref_slice %arg8[%dma_start3A_94] : memref<14608xi32, #tpu.memory_space<vmem>> -> memref<3072xi32, #tpu.memory_space<vmem>>
      %dma_start3A_96 = tpu.memref_slice %arg3[%mul3A_54] : memref<90000xi32, #tpu.memory_space<hbm>> -> memref<3072xi32, #tpu.memory_space<hbm>>
      tpu.enqueue_dma source(%dma_start3A_96 : memref<3072xi32, #tpu.memory_space<hbm>>) target(%dma_start3A_95 : memref<3072xi32, #tpu.memory_space<vmem>>) target_semaphore(%run_scoped3A : memref<!tpu.dma_semaphore, #tpu.memory_space<semaphore_mem>>)
      %dma_wait3A_97 = arith.constant 0 : i32
      %dma_wait3A_98 = tpu.memref_slice %arg8[%dma_wait3A_97] : memref<14608xi32, #tpu.memory_space<vmem>> -> memref<3072xi32, #tpu.memory_space<vmem>>
      %dma_wait3A_99 = tpu.memref_slice %arg3[%mul3A_54] : memref<90000xi32, #tpu.memory_space<hbm>> -> memref<3072xi32, #tpu.memory_space<hbm>>
      %dma_wait3A_100 = arith.constant 0 : i32
      %dma_wait3A_101 = tpu.memref_slice %arg8[%dma_wait3A_100] : memref<14608xi32, #tpu.memory_space<vmem>> -> memref<3072xi32, #tpu.memory_space<vmem>>
      %dma_wait3A_102 = tpu.memref_slice %arg3[%mul3A_54] : memref<90000xi32, #tpu.memory_space<hbm>> -> memref<3072xi32, #tpu.memory_space<hbm>>
      tpu.wait_dma2 semaphore(%run_scoped3A : memref<!tpu.dma_semaphore, #tpu.memory_space<semaphore_mem>>) src(%dma_wait3A_102 : memref<3072xi32, #tpu.memory_space<hbm>>) dst(%dma_wait3A_101 : memref<3072xi32, #tpu.memory_space<vmem>>)
      tpu.yield
    }) : () -> ()
    %add3A_55 = arith.constant 4000 : i32
    %add3A_56 = arith.addi %add3A_55, %min3A_52 : i32
    %scan3A_57 = arith.constant 0 : i32
    %scan3A_58 = arith.constant 4 : i32
    %scan3A_59 = arith.addi %scan3A_57, %scan3A_58 : i32
    %scan3A_60 = arith.constant 1 : i32
    scf.for %scan3A_91 = %scan3A_57 to %scan3A_59 step %scan3A_60  : i32 {
      %mul3A_92 = arith.constant 2 : i32
      %mul3A_93 = arith.muli %scan3A_91, %mul3A_92 : i32
      %add3A_94 = arith.constant 0 : i32
      %add3A_95 = arith.addi %mul3A_93, %add3A_94 : i32
      %gt3A_96 = arith.constant 0 : i32
      %gt3A_97 = arith.cmpi sgt, %scan3A_91, %gt3A_96 : i32
      %convert_element_type3A_98 = arith.extui %gt3A_97 : i1 to i32
      %cond3A_99 = arith.constant 0 : i32
      %cond3A_100 = arith.cmpi ne, %convert_element_type3A_98, %cond3A_99 : i32
      scf.if %cond3A_100 {
        %dma_wait3A_130 = arith.constant 0 : i32
        %dma_wait3A_131 = tpu.memref_slice %arg6[%dma_wait3A_130] : memref<47104000xf32, #tpu.memory_space<hbm>> -> memref<32768xf32, #tpu.memory_space<hbm>>
        %dma_wait3A_132 = arith.constant 0 : i32
        %dma_wait3A_133 = tpu.memref_slice %arg6[%dma_wait3A_132] : memref<47104000xf32, #tpu.memory_space<hbm>> -> memref<32768xf32, #tpu.memory_space<hbm>>
        tpu.wait_dma2 semaphore(%arg11 : memref<!tpu.dma_semaphore, #tpu.memory_space<semaphore_mem>>) src(%arg9 : memref<32768xf32, #tpu.memory_space<vmem>>) dst(%dma_wait3A_133 : memref<32768xf32, #tpu.memory_space<hbm>>)
      } else {
      }
      %parallel_loop3A_101 = arith.constant 0 : i32
      %parallel_loop3A_102 = arith.constant 128 : i32
      %parallel_loop3A_103 = arith.constant 1 : i32
      scf.for %parallel_loop3A_130 = %parallel_loop3A_101 to %parallel_loop3A_102 step %parallel_loop3A_103  : i32 {
        %parallel_loop3A_131 = arith.constant 384 : i32
        %parallel_loop3A_132 = arith.muli %add3A_95, %parallel_loop3A_131 : i32
        %parallel_loop3A_133 = arith.constant 3 : i32
        %parallel_loop3A_134 = arith.muli %parallel_loop3A_130, %parallel_loop3A_133 : i32
        %parallel_loop3A_135 = arith.addi %parallel_loop3A_132, %parallel_loop3A_134 : i32
        %parallel_loop3A_136 = arith.index_cast %parallel_loop3A_135 : i32 to index
        %parallel_loop3A_137 = tpu.vector_load %arg8[%parallel_loop3A_136] {strides = array<i32>} : memref<14608xi32, #tpu.memory_space<vmem>>, vector<16xi32>,
        %parallel_loop3A_138 = vector.extract_strided_slice %parallel_loop3A_137 {offsets = [0], sizes = [1], strides = [1]} : vector<16xi32> to vector<1xi32>
        %parallel_loop3A_139 = vector.extract %parallel_loop3A_138[0] : i32 from vector<1xi32>
        %parallel_loop3A_140 = arith.constant 16 : i32
        %parallel_loop3A_141 = arith.addi %parallel_loop3A_139, %parallel_loop3A_140 : i32
        %parallel_loop3A_142 = arith.constant 256 : i32
        %parallel_loop3A_143 = arith.muli %parallel_loop3A_141, %parallel_loop3A_142 : i32
        %parallel_loop3A_144 = vector.extract_strided_slice %parallel_loop3A_137 {offsets = [1], sizes = [1], strides = [1]} : vector<16xi32> to vector<1xi32>
        %parallel_loop3A_145 = vector.extract %parallel_loop3A_144[0] : i32 from vector<1xi32>
        %parallel_loop3A_146 = arith.constant 16 : i32
        %parallel_loop3A_147 = arith.addi %parallel_loop3A_145, %parallel_loop3A_146 : i32
        %parallel_loop3A_148 = arith.constant 256 : i32
        %parallel_loop3A_149 = arith.muli %parallel_loop3A_147, %parallel_loop3A_148 : i32
        %parallel_loop3A_150 = vector.extract_strided_slice %parallel_loop3A_137 {offsets = [2], sizes = [1], strides = [1]} : vector<16xi32> to vector<1xi32>
        %parallel_loop3A_151 = vector.extract %parallel_loop3A_150[0] : i32 from vector<1xi32>
        %parallel_loop3A_152 = arith.constant 16 : i32
        %parallel_loop3A_153 = arith.addi %parallel_loop3A_151, %parallel_loop3A_152 : i32
        %parallel_loop3A_154 = arith.constant 256 : i32
        %parallel_loop3A_155 = arith.muli %parallel_loop3A_153, %parallel_loop3A_154 : i32
        %parallel_loop3A_156 = arith.constant 256 : i32
        %parallel_loop3A_157 = arith.muli %parallel_loop3A_130, %parallel_loop3A_156 : i32
        %parallel_loop3A_158 = arith.constant 0 : i32
        %parallel_loop3A_159 = arith.addi %parallel_loop3A_143, %parallel_loop3A_158 : i32
        %parallel_loop3A_160 = arith.index_cast %parallel_loop3A_159 : i32 to index
        %parallel_loop3A_161 = tpu.vector_load %arg7[%parallel_loop3A_160] {strides = array<i32>} : memref<28672xf32, #tpu.memory_space<vmem>>, vector<16xf32>,
        %parallel_loop3A_162 = arith.constant 0 : i32
        %parallel_loop3A_163 = arith.addi %parallel_loop3A_157, %parallel_loop3A_162 : i32
        %parallel_loop3A_164 = arith.index_cast %parallel_loop3A_163 : i32 to index
        %parallel_loop3A_165 = tpu.vector_load %arg9[%parallel_loop3A_164] {strides = array<i32>} : memref<32768xf32, #tpu.memory_space<vmem>>, vector<16xf32>,
        tpu.vector_store %arg9[%parallel_loop3A_164], %parallel_loop3A_161 {strides = array<i32>} : memref<32768xf32, #tpu.memory_space<vmem>>, vector<16xf32>,
        %parallel_loop3A_166 = arith.constant 16 : i32
        %parallel_loop3A_167 = arith.addi %parallel_loop3A_143, %parallel_loop3A_166 : i32
        %parallel_loop3A_168 = arith.index_cast %parallel_loop3A_167 : i32 to index
        %parallel_loop3A_169 = tpu.vector_load %arg7[%parallel_loop3A_168] {strides = array<i32>} : memref<28672xf32, #tpu.memory_space<vmem>>, vector<16xf32>,
        %parallel_loop3A_170 = arith.constant 16 : i32
        %parallel_loop3A_171 = arith.addi %parallel_loop3A_157, %parallel_loop3A_170 : i32
        %parallel_loop3A_172 = arith.index_cast %parallel_loop3A_171 : i32 to index
        %parallel_loop3A_173 = tpu.vector_load %arg9[%parallel_loop3A_172] {strides = array<i32>} : memref<32768xf32, #tpu.memory_space<vmem>>, vector<16xf32>,
        tpu.vector_store %arg9[%parallel_loop3A_172], %parallel_loop3A_169 {strides = array<i32>} : memref<32768xf32, #tpu.memory_space<vmem>>, vector<16xf32>,
        %parallel_loop3A_174 = arith.constant 32 : i32
        %parallel_loop3A_175 = arith.addi %parallel_loop3A_143, %parallel_loop3A_174 : i32
        %parallel_loop3A_176 = arith.index_cast %parallel_loop3A_175 : i32 to index
        %parallel_loop3A_177 = tpu.vector_load %arg7[%parallel_loop3A_176] {strides = array<i32>} : memref<28672xf32, #tpu.memory_space<vmem>>, vector<16xf32>,
        %parallel_loop3A_178 = arith.constant 32 : i32
        %parallel_loop3A_179 = arith.addi %parallel_loop3A_157, %parallel_loop3A_178 : i32
        %parallel_loop3A_180 = arith.index_cast %parallel_loop3A_179 : i32 to index
        %parallel_loop3A_181 = tpu.vector_load %arg9[%parallel_loop3A_180] {strides = array<i32>} : memref<32768xf32, #tpu.memory_space<vmem>>, vector<16xf32>,
        tpu.vector_store %arg9[%parallel_loop3A_180], %parallel_loop3A_177 {strides = array<i32>} : memref<32768xf32, #tpu.memory_space<vmem>>, vector<16xf32>,
        %parallel_loop3A_182 = arith.constant 48 : i32
        %parallel_loop3A_183 = arith.addi %parallel_loop3A_143, %parallel_loop3A_182 : i32
        %parallel_loop3A_184 = arith.index_cast %parallel_loop3A_183 : i32 to index
        %parallel_loop3A_185 = tpu.vector_load %arg7[%parallel_loop3A_184] {strides = array<i32>} : memref<28672xf32, #tpu.memory_space<vmem>>, vector<16xf32>,
        %parallel_loop3A_186 = arith.constant 48 : i32
        %parallel_loop3A_187 = arith.addi %parallel_loop3A_157, %parallel_loop3A_186 : i32
        %parallel_loop3A_188 = arith.index_cast %parallel_loop3A_187 : i32 to index
        %parallel_loop3A_189 = tpu.vector_load %arg9[%parallel_loop3A_188] {strides = array<i32>} : memref<32768xf32, #tpu.memory_space<vmem>>, vector<16xf32>,
        tpu.vector_store %arg9[%parallel_loop3A_188], %parallel_loop3A_185 {strides = array<i32>} : memref<32768xf32, #tpu.memory_space<vmem>>, vector<16xf32>,
        %parallel_loop3A_190 = arith.constant 64 : i32
        %parallel_loop3A_191 = arith.addi %parallel_loop3A_143, %parallel_loop3A_190 : i32
        %parallel_loop3A_192 = arith.index_cast %parallel_loop3A_191 : i32 to index
        %parallel_loop3A_193 = tpu.vector_load %arg7[%parallel_loop3A_192] {strides = array<i32>} : memref<28672xf32, #tpu.memory_space<vmem>>, vector<16xf32>,
        %parallel_loop3A_194 = arith.constant 64 : i32
        %parallel_loop3A_195 = arith.addi %parallel_loop3A_157, %parallel_loop3A_194 : i32
        %parallel_loop3A_196 = arith.index_cast %parallel_loop3A_195 : i32 to index
        %parallel_loop3A_197 = tpu.vector_load %arg9[%parallel_loop3A_196] {strides = array<i32>} : memref<32768xf32, #tpu.memory_space<vmem>>, vector<16xf32>,
        tpu.vector_store %arg9[%parallel_loop3A_196], %parallel_loop3A_193 {strides = array<i32>} : memref<32768xf32, #tpu.memory_space<vmem>>, vector<16xf32>,
        %parallel_loop3A_198 = arith.constant 80 : i32
        %parallel_loop3A_199 = arith.addi %parallel_loop3A_143, %parallel_loop3A_198 : i32
        %parallel_loop3A_200 = arith.index_cast %parallel_loop3A_199 : i32 to index
        %parallel_loop3A_201 = tpu.vector_load %arg7[%parallel_loop3A_200] {strides = array<i32>} : memref<28672xf32, #tpu.memory_space<vmem>>, vector<16xf32>,
        %parallel_loop3A_202 = arith.constant 80 : i32
        %parallel_loop3A_203 = arith.addi %parallel_loop3A_149, %parallel_loop3A_202 : i32
        %parallel_loop3A_204 = arith.index_cast %parallel_loop3A_203 : i32 to index
        %parallel_loop3A_205 = tpu.vector_load %arg7[%parallel_loop3A_204] {strides = array<i32>} : memref<28672xf32, #tpu.memory_space<vmem>>, vector<16xf32>,
        %parallel_loop3A_206 = arith.constant 6 : i32
        %parallel_loop3A_207 = vector.broadcast %parallel_loop3A_206 : i32 to vector<16xi32>
        %parallel_loop3A_208 = arith.cmpi slt, %iota3A, %parallel_loop3A_207 : vector<16xi32>
        %parallel_loop3A_209 = arith.select %parallel_loop3A_208, %parallel_loop3A_201, %parallel_loop3A_205 : vector<16xi1>, vector<16xf32>
        %parallel_loop3A_210 = arith.constant 80 : i32
        %parallel_loop3A_211 = arith.addi %parallel_loop3A_157, %parallel_loop3A_210 : i32
        %parallel_loop3A_212 = arith.index_cast %parallel_loop3A_211 : i32 to index
        %parallel_loop3A_213 = tpu.vector_load %arg9[%parallel_loop3A_212] {strides = array<i32>} : memref<32768xf32, #tpu.memory_space<vmem>>, vector<16xf32>,
        tpu.vector_store %arg9[%parallel_loop3A_212], %parallel_loop3A_209 {strides = array<i32>} : memref<32768xf32, #tpu.memory_space<vmem>>, vector<16xf32>,
        %parallel_loop3A_214 = arith.constant 96 : i32
        %parallel_loop3A_215 = arith.addi %parallel_loop3A_149, %parallel_loop3A_214 : i32
        %parallel_loop3A_216 = arith.index_cast %parallel_loop3A_215 : i32 to index
        %parallel_loop3A_217 = tpu.vector_load %arg7[%parallel_loop3A_216] {strides = array<i32>} : memref<28672xf32, #tpu.memory_space<vmem>>, vector<16xf32>,
        %parallel_loop3A_218 = arith.constant 96 : i32
        %parallel_loop3A_219 = arith.addi %parallel_loop3A_157, %parallel_loop3A_218 : i32
        %parallel_loop3A_220 = arith.index_cast %parallel_loop3A_219 : i32 to index
        %parallel_loop3A_221 = tpu.vector_load %arg9[%parallel_loop3A_220] {strides = array<i32>} : memref<32768xf32, #tpu.memory_space<vmem>>, vector<16xf32>,
        tpu.vector_store %arg9[%parallel_loop3A_220], %parallel_loop3A_217 {strides = array<i32>} : memref<32768xf32, #tpu.memory_space<vmem>>, vector<16xf32>,
        %parallel_loop3A_222 = arith.constant 112 : i32
        %parallel_loop3A_223 = arith.addi %parallel_loop3A_149, %parallel_loop3A_222 : i32
        %parallel_loop3A_224 = arith.index_cast %parallel_loop3A_223 : i32 to index
        %parallel_loop3A_225 = tpu.vector_load %arg7[%parallel_loop3A_224] {strides = array<i32>} : memref<28672xf32, #tpu.memory_space<vmem>>, vector<16xf32>,
        %parallel_loop3A_226 = arith.constant 112 : i32
        %parallel_loop3A_227 = arith.addi %parallel_loop3A_157, %parallel_loop3A_226 : i32
        %parallel_loop3A_228 = arith.index_cast %parallel_loop3A_227 : i32 to index
        %parallel_loop3A_229 = tpu.vector_load %arg9[%parallel_loop3A_228] {strides = array<i32>} : memref<32768xf32, #tpu.memory_space<vmem>>, vector<16xf32>,
        tpu.vector_store %arg9[%parallel_loop3A_228], %parallel_loop3A_225 {strides = array<i32>} : memref<32768xf32, #tpu.memory_space<vmem>>, vector<16xf32>,
        %parallel_loop3A_230 = arith.constant 128 : i32
        %parallel_loop3A_231 = arith.addi %parallel_loop3A_149, %parallel_loop3A_230 : i32
        %parallel_loop3A_232 = arith.index_cast %parallel_loop3A_231 : i32 to index
        %parallel_loop3A_233 = tpu.vector_load %arg7[%parallel_loop3A_232] {strides = array<i32>} : memref<28672xf32, #tpu.memory_space<vmem>>, vector<16xf32>,
        %parallel_loop3A_234 = arith.constant 128 : i32
        %parallel_loop3A_235 = arith.addi %parallel_loop3A_157, %parallel_loop3A_234 : i32
        %parallel_loop3A_236 = arith.index_cast %parallel_loop3A_235 : i32 to index
        %parallel_loop3A_237 = tpu.vector_load %arg9[%parallel_loop3A_236] {strides = array<i32>} : memref<32768xf32, #tpu.memory_space<vmem>>, vector<16xf32>,
        tpu.vector_store %arg9[%parallel_loop3A_236], %parallel_loop3A_233 {strides = array<i32>} : memref<32768xf32, #tpu.memory_space<vmem>>, vector<16xf32>,
        %parallel_loop3A_238 = arith.constant 144 : i32
        %parallel_loop3A_239 = arith.addi %parallel_loop3A_149, %parallel_loop3A_238 : i32
        %parallel_loop3A_240 = arith.index_cast %parallel_loop3A_239 : i32 to index
        %parallel_loop3A_241 = tpu.vector_load %arg7[%parallel_loop3A_240] {strides = array<i32>} : memref<28672xf32, #tpu.memory_space<vmem>>, vector<16xf32>,
        %parallel_loop3A_242 = arith.constant 144 : i32
        %parallel_loop3A_243 = arith.addi %parallel_loop3A_157, %parallel_loop3A_242 : i32
        %parallel_loop3A_244 = arith.index_cast %parallel_loop3A_243 : i32 to index
        %parallel_loop3A_245 = tpu.vector_load %arg9[%parallel_loop3A_244] {strides = array<i32>} : memref<32768xf32, #tpu.memory_space<vmem>>, vector<16xf32>,
        tpu.vector_store %arg9[%parallel_loop3A_244], %parallel_loop3A_241 {strides = array<i32>} : memref<32768xf32, #tpu.memory_space<vmem>>, vector<16xf32>,
        %parallel_loop3A_246 = arith.constant 160 : i32
        %parallel_loop3A_247 = arith.addi %parallel_loop3A_149, %parallel_loop3A_246 : i32
        %parallel_loop3A_248 = arith.index_cast %parallel_loop3A_247 : i32 to index
        %parallel_loop3A_249 = tpu.vector_load %arg7[%parallel_loop3A_248] {strides = array<i32>} : memref<28672xf32, #tpu.memory_space<vmem>>, vector<16xf32>,
        %parallel_loop3A_250 = arith.constant 160 : i32
        %parallel_loop3A_251 = arith.addi %parallel_loop3A_155, %parallel_loop3A_250 : i32
        %parallel_loop3A_252 = arith.index_cast %parallel_loop3A_251 : i32 to index
        %parallel_loop3A_253 = tpu.vector_load %arg7[%parallel_loop3A_252] {strides = array<i32>} : memref<28672xf32, #tpu.memory_space<vmem>>, vector<16xf32>,
        %parallel_loop3A_254 = arith.constant 12 : i32
        %parallel_loop3A_255 = vector.broadcast %parallel_loop3A_254 : i32 to vector<16xi32>
        %parallel_loop3A_256 = arith.cmpi slt, %iota3A, %parallel_loop3A_255 : vector<16xi32>
        %parallel_loop3A_257 = arith.select %parallel_loop3A_256, %parallel_loop3A_249, %parallel_loop3A_253 : vector<16xi1>, vector<16xf32>
        %parallel_loop3A_258 = arith.constant 160 : i32
        %parallel_loop3A_259 = arith.addi %parallel_loop3A_157, %parallel_loop3A_258 : i32
        %parallel_loop3A_260 = arith.index_cast %parallel_loop3A_259 : i32 to index
        %parallel_loop3A_261 = tpu.vector_load %arg9[%parallel_loop3A_260] {strides = array<i32>} : memref<32768xf32, #tpu.memory_space<vmem>>, vector<16xf32>,
        tpu.vector_store %arg9[%parallel_loop3A_260], %parallel_loop3A_257 {strides = array<i32>} : memref<32768xf32, #tpu.memory_space<vmem>>, vector<16xf32>,
        %parallel_loop3A_262 = arith.constant 176 : i32
        %parallel_loop3A_263 = arith.addi %parallel_loop3A_155, %parallel_loop3A_262 : i32
        %parallel_loop3A_264 = arith.index_cast %parallel_loop3A_263 : i32 to index
        %parallel_loop3A_265 = tpu.vector_load %arg7[%parallel_loop3A_264] {strides = array<i32>} : memref<28672xf32, #tpu.memory_space<vmem>>, vector<16xf32>,
        %parallel_loop3A_266 = arith.constant 176 : i32
        %parallel_loop3A_267 = arith.addi %parallel_loop3A_157, %parallel_loop3A_266 : i32
        %parallel_loop3A_268 = arith.index_cast %parallel_loop3A_267 : i32 to index
        %parallel_loop3A_269 = tpu.vector_load %arg9[%parallel_loop3A_268] {strides = array<i32>} : memref<32768xf32, #tpu.memory_space<vmem>>, vector<16xf32>,
        tpu.vector_store %arg9[%parallel_loop3A_268], %parallel_loop3A_265 {strides = array<i32>} : memref<32768xf32, #tpu.memory_space<vmem>>, vector<16xf32>,
        %parallel_loop3A_270 = arith.constant 192 : i32
        %parallel_loop3A_271 = arith.addi %parallel_loop3A_155, %parallel_loop3A_270 : i32
        %parallel_loop3A_272 = arith.index_cast %parallel_loop3A_271 : i32 to index
        %parallel_loop3A_273 = tpu.vector_load %arg7[%parallel_loop3A_272] {strides = array<i32>} : memref<28672xf32, #tpu.memory_space<vmem>>, vector<16xf32>,
        %parallel_loop3A_274 = arith.constant 192 : i32
        %parallel_loop3A_275 = arith.addi %parallel_loop3A_157, %parallel_loop3A_274 : i32
        %parallel_loop3A_276 = arith.index_cast %parallel_loop3A_275 : i32 to index
        %parallel_loop3A_277 = tpu.vector_load %arg9[%parallel_loop3A_276] {strides = array<i32>} : memref<32768xf32, #tpu.memory_space<vmem>>, vector<16xf32>,
        tpu.vector_store %arg9[%parallel_loop3A_276], %parallel_loop3A_273 {strides = array<i32>} : memref<32768xf32, #tpu.memory_space<vmem>>, vector<16xf32>,
        %parallel_loop3A_278 = arith.constant 208 : i32
        %parallel_loop3A_279 = arith.addi %parallel_loop3A_155, %parallel_loop3A_278 : i32
        %parallel_loop3A_280 = arith.index_cast %parallel_loop3A_279 : i32 to index
        %parallel_loop3A_281 = tpu.vector_load %arg7[%parallel_loop3A_280] {strides = array<i32>} : memref<28672xf32, #tpu.memory_space<vmem>>, vector<16xf32>,
        %parallel_loop3A_282 = arith.constant 208 : i32
        %parallel_loop3A_283 = arith.addi %parallel_loop3A_157, %parallel_loop3A_282 : i32
        %parallel_loop3A_284 = arith.index_cast %parallel_loop3A_283 : i32 to index
        %parallel_loop3A_285 = tpu.vector_load %arg9[%parallel_loop3A_284] {strides = array<i32>} : memref<32768xf32, #tpu.memory_space<vmem>>, vector<16xf32>,
        tpu.vector_store %arg9[%parallel_loop3A_284], %parallel_loop3A_281 {strides = array<i32>} : memref<32768xf32, #tpu.memory_space<vmem>>, vector<16xf32>,
        %parallel_loop3A_286 = arith.constant 224 : i32
        %parallel_loop3A_287 = arith.addi %parallel_loop3A_155, %parallel_loop3A_286 : i32
        %parallel_loop3A_288 = arith.index_cast %parallel_loop3A_287 : i32 to index
        %parallel_loop3A_289 = tpu.vector_load %arg7[%parallel_loop3A_288] {strides = array<i32>} : memref<28672xf32, #tpu.memory_space<vmem>>, vector<16xf32>,
        %parallel_loop3A_290 = arith.constant 224 : i32
        %parallel_loop3A_291 = arith.addi %parallel_loop3A_157, %parallel_loop3A_290 : i32
        %parallel_loop3A_292 = arith.index_cast %parallel_loop3A_291 : i32 to index
        %parallel_loop3A_293 = tpu.vector_load %arg9[%parallel_loop3A_292] {strides = array<i32>} : memref<32768xf32, #tpu.memory_space<vmem>>, vector<16xf32>,
        tpu.vector_store %arg9[%parallel_loop3A_292], %parallel_loop3A_289 {strides = array<i32>} : memref<32768xf32, #tpu.memory_space<vmem>>, vector<16xf32>,
        %parallel_loop3A_294 = arith.constant 240 : i32
        %parallel_loop3A_295 = arith.addi %parallel_loop3A_155, %parallel_loop3A_294 : i32
        %parallel_loop3A_296 = arith.index_cast %parallel_loop3A_295 : i32 to index
        %parallel_loop3A_297 = tpu.vector_load %arg7[%parallel_loop3A_296] {strides = array<i32>} : memref<28672xf32, #tpu.memory_space<vmem>>, vector<16xf32>,
        %parallel_loop3A_298 = arith.constant 240 : i32
        %parallel_loop3A_299 = arith.addi %parallel_loop3A_157, %parallel_loop3A_298 : i32
        %parallel_loop3A_300 = arith.index_cast %parallel_loop3A_299 : i32 to index
        %parallel_loop3A_301 = tpu.vector_load %arg9[%parallel_loop3A_300] {strides = array<i32>} : memref<32768xf32, #tpu.memory_space<vmem>>, vector<16xf32>,
        tpu.vector_store %arg9[%parallel_loop3A_300], %parallel_loop3A_297 {strides = array<i32>} : memref<32768xf32, #tpu.memory_space<vmem>>, vector<16xf32>,
      } {sc.loop_unroll_factor = 1 : i64, sc.parallel_access}
      %mul3A_104 = arith.constant 128 : i32
      %mul3A_105 = arith.muli %add3A_95, %mul3A_104 : i32
      %add3A_106 = arith.addi %add3A_56, %mul3A_105 : i32
      %mul3A_107 = arith.constant 256 : i32
      %mul3A_108 = arith.muli %add3A_106, %mul3A_107 : i32
      %dma_start3A_109 = tpu.memref_slice %arg6[%mul3A_108] : memref<47104000xf32, #tpu.memory_space<hbm>> -> memref<32768xf32, #tpu.memory_space<hbm>>
      %dma_start3A_110 = tpu.memref_slice %arg6[%mul3A_108] : memref<47104000xf32, #tpu.memory_space<hbm>> -> memref<32768xf32, #tpu.memory_space<hbm>>
      tpu.enqueue_dma source(%arg9 : memref<32768xf32, #tpu.memory_space<vmem>>) target(%dma_start3A_110 : memref<32768xf32, #tpu.memory_space<hbm>>) target_semaphore(%arg11 : memref<!tpu.dma_semaphore, #tpu.memory_space<semaphore_mem>>)
      %mul3A_111 = arith.constant 2 : i32
      %mul3A_112 = arith.muli %scan3A_91, %mul3A_111 : i32
      %add3A_113 = arith.constant 1 : i32
      %add3A_114 = arith.addi %mul3A_112, %add3A_113 : i32
      %gt3A_115 = arith.constant 0 : i32
      %gt3A_116 = arith.cmpi sgt, %scan3A_91, %gt3A_115 : i32
      %convert_element_type3A_117 = arith.extui %gt3A_116 : i1 to i32
      %cond3A_118 = arith.constant 0 : i32
      %cond3A_119 = arith.cmpi ne, %convert_element_type3A_117, %cond3A_118 : i32
      scf.if %cond3A_119 {
        %dma_wait3A_130 = arith.constant 0 : i32
        %dma_wait3A_131 = tpu.memref_slice %arg6[%dma_wait3A_130] : memref<47104000xf32, #tpu.memory_space<hbm>> -> memref<32768xf32, #tpu.memory_space<hbm>>
        %dma_wait3A_132 = arith.constant 0 : i32
        %dma_wait3A_133 = tpu.memref_slice %arg6[%dma_wait3A_132] : memref<47104000xf32, #tpu.memory_space<hbm>> -> memref<32768xf32, #tpu.memory_space<hbm>>
        tpu.wait_dma2 semaphore(%arg12 : memref<!tpu.dma_semaphore, #tpu.memory_space<semaphore_mem>>) src(%arg10 : memref<32768xf32, #tpu.memory_space<vmem>>) dst(%dma_wait3A_133 : memref<32768xf32, #tpu.memory_space<hbm>>)
      } else {
      }
      %parallel_loop3A_120 = arith.constant 0 : i32
      %parallel_loop3A_121 = arith.constant 128 : i32
      %parallel_loop3A_122 = arith.constant 1 : i32
      scf.for %parallel_loop3A_130 = %parallel_loop3A_120 to %parallel_loop3A_121 step %parallel_loop3A_122  : i32 {
        %parallel_loop3A_131 = arith.constant 384 : i32
        %parallel_loop3A_132 = arith.muli %add3A_114, %parallel_loop3A_131 : i32
        %parallel_loop3A_133 = arith.constant 3 : i32
        %parallel_loop3A_134 = arith.muli %parallel_loop3A_130, %parallel_loop3A_133 : i32
        %parallel_loop3A_135 = arith.addi %parallel_loop3A_132, %parallel_loop3A_134 : i32
        %parallel_loop3A_136 = arith.index_cast %parallel_loop3A_135 : i32 to index
        %parallel_loop3A_137 = tpu.vector_load %arg8[%parallel_loop3A_136] {strides = array<i32>} : memref<14608xi32, #tpu.memory_space<vmem>>, vector<16xi32>,
        %parallel_loop3A_138 = vector.extract_strided_slice %parallel_loop3A_137 {offsets = [0], sizes = [1], strides = [1]} : vector<16xi32> to vector<1xi32>
        %parallel_loop3A_139 = vector.extract %parallel_loop3A_138[0] : i32 from vector<1xi32>
        %parallel_loop3A_140 = arith.constant 16 : i32
        %parallel_loop3A_141 = arith.addi %parallel_loop3A_139, %parallel_loop3A_140 : i32
        %parallel_loop3A_142 = arith.constant 256 : i32
        %parallel_loop3A_143 = arith.muli %parallel_loop3A_141, %parallel_loop3A_142 : i32
        %parallel_loop3A_144 = vector.extract_strided_slice %parallel_loop3A_137 {offsets = [1], sizes = [1], strides = [1]} : vector<16xi32> to vector<1xi32>
        %parallel_loop3A_145 = vector.extract %parallel_loop3A_144[0] : i32 from vector<1xi32>
        %parallel_loop3A_146 = arith.constant 16 : i32
        %parallel_loop3A_147 = arith.addi %parallel_loop3A_145, %parallel_loop3A_146 : i32
        %parallel_loop3A_148 = arith.constant 256 : i32
        %parallel_loop3A_149 = arith.muli %parallel_loop3A_147, %parallel_loop3A_148 : i32
        %parallel_loop3A_150 = vector.extract_strided_slice %parallel_loop3A_137 {offsets = [2], sizes = [1], strides = [1]} : vector<16xi32> to vector<1xi32>
        %parallel_loop3A_151 = vector.extract %parallel_loop3A_150[0] : i32 from vector<1xi32>
        %parallel_loop3A_152 = arith.constant 16 : i32
        %parallel_loop3A_153 = arith.addi %parallel_loop3A_151, %parallel_loop3A_152 : i32
        %parallel_loop3A_154 = arith.constant 256 : i32
        %parallel_loop3A_155 = arith.muli %parallel_loop3A_153, %parallel_loop3A_154 : i32
        %parallel_loop3A_156 = arith.constant 256 : i32
        %parallel_loop3A_157 = arith.muli %parallel_loop3A_130, %parallel_loop3A_156 : i32
        %parallel_loop3A_158 = arith.constant 0 : i32
        %parallel_loop3A_159 = arith.addi %parallel_loop3A_143, %parallel_loop3A_158 : i32
        %parallel_loop3A_160 = arith.index_cast %parallel_loop3A_159 : i32 to index
        %parallel_loop3A_161 = tpu.vector_load %arg7[%parallel_loop3A_160] {strides = array<i32>} : memref<28672xf32, #tpu.memory_space<vmem>>, vector<16xf32>,
        %parallel_loop3A_162 = arith.constant 0 : i32
        %parallel_loop3A_163 = arith.addi %parallel_loop3A_157, %parallel_loop3A_162 : i32
        %parallel_loop3A_164 = arith.index_cast %parallel_loop3A_163 : i32 to index
        %parallel_loop3A_165 = tpu.vector_load %arg10[%parallel_loop3A_164] {strides = array<i32>} : memref<32768xf32, #tpu.memory_space<vmem>>, vector<16xf32>,
        tpu.vector_store %arg10[%parallel_loop3A_164], %parallel_loop3A_161 {strides = array<i32>} : memref<32768xf32, #tpu.memory_space<vmem>>, vector<16xf32>,
        %parallel_loop3A_166 = arith.constant 16 : i32
        %parallel_loop3A_167 = arith.addi %parallel_loop3A_143, %parallel_loop3A_166 : i32
        %parallel_loop3A_168 = arith.index_cast %parallel_loop3A_167 : i32 to index
        %parallel_loop3A_169 = tpu.vector_load %arg7[%parallel_loop3A_168] {strides = array<i32>} : memref<28672xf32, #tpu.memory_space<vmem>>, vector<16xf32>,
        %parallel_loop3A_170 = arith.constant 16 : i32
        %parallel_loop3A_171 = arith.addi %parallel_loop3A_157, %parallel_loop3A_170 : i32
        %parallel_loop3A_172 = arith.index_cast %parallel_loop3A_171 : i32 to index
        %parallel_loop3A_173 = tpu.vector_load %arg10[%parallel_loop3A_172] {strides = array<i32>} : memref<32768xf32, #tpu.memory_space<vmem>>, vector<16xf32>,
        tpu.vector_store %arg10[%parallel_loop3A_172], %parallel_loop3A_169 {strides = array<i32>} : memref<32768xf32, #tpu.memory_space<vmem>>, vector<16xf32>,
        %parallel_loop3A_174 = arith.constant 32 : i32
        %parallel_loop3A_175 = arith.addi %parallel_loop3A_143, %parallel_loop3A_174 : i32
        %parallel_loop3A_176 = arith.index_cast %parallel_loop3A_175 : i32 to index
        %parallel_loop3A_177 = tpu.vector_load %arg7[%parallel_loop3A_176] {strides = array<i32>} : memref<28672xf32, #tpu.memory_space<vmem>>, vector<16xf32>,
        %parallel_loop3A_178 = arith.constant 32 : i32
        %parallel_loop3A_179 = arith.addi %parallel_loop3A_157, %parallel_loop3A_178 : i32
        %parallel_loop3A_180 = arith.index_cast %parallel_loop3A_179 : i32 to index
        %parallel_loop3A_181 = tpu.vector_load %arg10[%parallel_loop3A_180] {strides = array<i32>} : memref<32768xf32, #tpu.memory_space<vmem>>, vector<16xf32>,
        tpu.vector_store %arg10[%parallel_loop3A_180], %parallel_loop3A_177 {strides = array<i32>} : memref<32768xf32, #tpu.memory_space<vmem>>, vector<16xf32>,
        %parallel_loop3A_182 = arith.constant 48 : i32
        %parallel_loop3A_183 = arith.addi %parallel_loop3A_143, %parallel_loop3A_182 : i32
        %parallel_loop3A_184 = arith.index_cast %parallel_loop3A_183 : i32 to index
        %parallel_loop3A_185 = tpu.vector_load %arg7[%parallel_loop3A_184] {strides = array<i32>} : memref<28672xf32, #tpu.memory_space<vmem>>, vector<16xf32>,
        %parallel_loop3A_186 = arith.constant 48 : i32
        %parallel_loop3A_187 = arith.addi %parallel_loop3A_157, %parallel_loop3A_186 : i32
        %parallel_loop3A_188 = arith.index_cast %parallel_loop3A_187 : i32 to index
        %parallel_loop3A_189 = tpu.vector_load %arg10[%parallel_loop3A_188] {strides = array<i32>} : memref<32768xf32, #tpu.memory_space<vmem>>, vector<16xf32>,
        tpu.vector_store %arg10[%parallel_loop3A_188], %parallel_loop3A_185 {strides = array<i32>} : memref<32768xf32, #tpu.memory_space<vmem>>, vector<16xf32>,
        %parallel_loop3A_190 = arith.constant 64 : i32
        %parallel_loop3A_191 = arith.addi %parallel_loop3A_143, %parallel_loop3A_190 : i32
        %parallel_loop3A_192 = arith.index_cast %parallel_loop3A_191 : i32 to index
        %parallel_loop3A_193 = tpu.vector_load %arg7[%parallel_loop3A_192] {strides = array<i32>} : memref<28672xf32, #tpu.memory_space<vmem>>, vector<16xf32>,
        %parallel_loop3A_194 = arith.constant 64 : i32
        %parallel_loop3A_195 = arith.addi %parallel_loop3A_157, %parallel_loop3A_194 : i32
        %parallel_loop3A_196 = arith.index_cast %parallel_loop3A_195 : i32 to index
        %parallel_loop3A_197 = tpu.vector_load %arg10[%parallel_loop3A_196] {strides = array<i32>} : memref<32768xf32, #tpu.memory_space<vmem>>, vector<16xf32>,
        tpu.vector_store %arg10[%parallel_loop3A_196], %parallel_loop3A_193 {strides = array<i32>} : memref<32768xf32, #tpu.memory_space<vmem>>, vector<16xf32>,
        %parallel_loop3A_198 = arith.constant 80 : i32
        %parallel_loop3A_199 = arith.addi %parallel_loop3A_143, %parallel_loop3A_198 : i32
        %parallel_loop3A_200 = arith.index_cast %parallel_loop3A_199 : i32 to index
        %parallel_loop3A_201 = tpu.vector_load %arg7[%parallel_loop3A_200] {strides = array<i32>} : memref<28672xf32, #tpu.memory_space<vmem>>, vector<16xf32>,
        %parallel_loop3A_202 = arith.constant 80 : i32
        %parallel_loop3A_203 = arith.addi %parallel_loop3A_149, %parallel_loop3A_202 : i32
        %parallel_loop3A_204 = arith.index_cast %parallel_loop3A_203 : i32 to index
        %parallel_loop3A_205 = tpu.vector_load %arg7[%parallel_loop3A_204] {strides = array<i32>} : memref<28672xf32, #tpu.memory_space<vmem>>, vector<16xf32>,
        %parallel_loop3A_206 = arith.constant 6 : i32
        %parallel_loop3A_207 = vector.broadcast %parallel_loop3A_206 : i32 to vector<16xi32>
        %parallel_loop3A_208 = arith.cmpi slt, %iota3A, %parallel_loop3A_207 : vector<16xi32>
        %parallel_loop3A_209 = arith.select %parallel_loop3A_208, %parallel_loop3A_201, %parallel_loop3A_205 : vector<16xi1>, vector<16xf32>
        %parallel_loop3A_210 = arith.constant 80 : i32
        %parallel_loop3A_211 = arith.addi %parallel_loop3A_157, %parallel_loop3A_210 : i32
        %parallel_loop3A_212 = arith.index_cast %parallel_loop3A_211 : i32 to index
        %parallel_loop3A_213 = tpu.vector_load %arg10[%parallel_loop3A_212] {strides = array<i32>} : memref<32768xf32, #tpu.memory_space<vmem>>, vector<16xf32>,
        tpu.vector_store %arg10[%parallel_loop3A_212], %parallel_loop3A_209 {strides = array<i32>} : memref<32768xf32, #tpu.memory_space<vmem>>, vector<16xf32>,
        %parallel_loop3A_214 = arith.constant 96 : i32
        %parallel_loop3A_215 = arith.addi %parallel_loop3A_149, %parallel_loop3A_214 : i32
        %parallel_loop3A_216 = arith.index_cast %parallel_loop3A_215 : i32 to index
        %parallel_loop3A_217 = tpu.vector_load %arg7[%parallel_loop3A_216] {strides = array<i32>} : memref<28672xf32, #tpu.memory_space<vmem>>, vector<16xf32>,
        %parallel_loop3A_218 = arith.constant 96 : i32
        %parallel_loop3A_219 = arith.addi %parallel_loop3A_157, %parallel_loop3A_218 : i32
        %parallel_loop3A_220 = arith.index_cast %parallel_loop3A_219 : i32 to index
        %parallel_loop3A_221 = tpu.vector_load %arg10[%parallel_loop3A_220] {strides = array<i32>} : memref<32768xf32, #tpu.memory_space<vmem>>, vector<16xf32>,
        tpu.vector_store %arg10[%parallel_loop3A_220], %parallel_loop3A_217 {strides = array<i32>} : memref<32768xf32, #tpu.memory_space<vmem>>, vector<16xf32>,
        %parallel_loop3A_222 = arith.constant 112 : i32
        %parallel_loop3A_223 = arith.addi %parallel_loop3A_149, %parallel_loop3A_222 : i32
        %parallel_loop3A_224 = arith.index_cast %parallel_loop3A_223 : i32 to index
        %parallel_loop3A_225 = tpu.vector_load %arg7[%parallel_loop3A_224] {strides = array<i32>} : memref<28672xf32, #tpu.memory_space<vmem>>, vector<16xf32>,
        %parallel_loop3A_226 = arith.constant 112 : i32
        %parallel_loop3A_227 = arith.addi %parallel_loop3A_157, %parallel_loop3A_226 : i32
        %parallel_loop3A_228 = arith.index_cast %parallel_loop3A_227 : i32 to index
        %parallel_loop3A_229 = tpu.vector_load %arg10[%parallel_loop3A_228] {strides = array<i32>} : memref<32768xf32, #tpu.memory_space<vmem>>, vector<16xf32>,
        tpu.vector_store %arg10[%parallel_loop3A_228], %parallel_loop3A_225 {strides = array<i32>} : memref<32768xf32, #tpu.memory_space<vmem>>, vector<16xf32>,
        %parallel_loop3A_230 = arith.constant 128 : i32
        %parallel_loop3A_231 = arith.addi %parallel_loop3A_149, %parallel_loop3A_230 : i32
        %parallel_loop3A_232 = arith.index_cast %parallel_loop3A_231 : i32 to index
        %parallel_loop3A_233 = tpu.vector_load %arg7[%parallel_loop3A_232] {strides = array<i32>} : memref<28672xf32, #tpu.memory_space<vmem>>, vector<16xf32>,
        %parallel_loop3A_234 = arith.constant 128 : i32
        %parallel_loop3A_235 = arith.addi %parallel_loop3A_157, %parallel_loop3A_234 : i32
        %parallel_loop3A_236 = arith.index_cast %parallel_loop3A_235 : i32 to index
        %parallel_loop3A_237 = tpu.vector_load %arg10[%parallel_loop3A_236] {strides = array<i32>} : memref<32768xf32, #tpu.memory_space<vmem>>, vector<16xf32>,
        tpu.vector_store %arg10[%parallel_loop3A_236], %parallel_loop3A_233 {strides = array<i32>} : memref<32768xf32, #tpu.memory_space<vmem>>, vector<16xf32>,
        %parallel_loop3A_238 = arith.constant 144 : i32
        %parallel_loop3A_239 = arith.addi %parallel_loop3A_149, %parallel_loop3A_238 : i32
        %parallel_loop3A_240 = arith.index_cast %parallel_loop3A_239 : i32 to index
        %parallel_loop3A_241 = tpu.vector_load %arg7[%parallel_loop3A_240] {strides = array<i32>} : memref<28672xf32, #tpu.memory_space<vmem>>, vector<16xf32>,
        %parallel_loop3A_242 = arith.constant 144 : i32
        %parallel_loop3A_243 = arith.addi %parallel_loop3A_157, %parallel_loop3A_242 : i32
        %parallel_loop3A_244 = arith.index_cast %parallel_loop3A_243 : i32 to index
        %parallel_loop3A_245 = tpu.vector_load %arg10[%parallel_loop3A_244] {strides = array<i32>} : memref<32768xf32, #tpu.memory_space<vmem>>, vector<16xf32>,
        tpu.vector_store %arg10[%parallel_loop3A_244], %parallel_loop3A_241 {strides = array<i32>} : memref<32768xf32, #tpu.memory_space<vmem>>, vector<16xf32>,
        %parallel_loop3A_246 = arith.constant 160 : i32
        %parallel_loop3A_247 = arith.addi %parallel_loop3A_149, %parallel_loop3A_246 : i32
        %parallel_loop3A_248 = arith.index_cast %parallel_loop3A_247 : i32 to index
        %parallel_loop3A_249 = tpu.vector_load %arg7[%parallel_loop3A_248] {strides = array<i32>} : memref<28672xf32, #tpu.memory_space<vmem>>, vector<16xf32>,
        %parallel_loop3A_250 = arith.constant 160 : i32
        %parallel_loop3A_251 = arith.addi %parallel_loop3A_155, %parallel_loop3A_250 : i32
        %parallel_loop3A_252 = arith.index_cast %parallel_loop3A_251 : i32 to index
        %parallel_loop3A_253 = tpu.vector_load %arg7[%parallel_loop3A_252] {strides = array<i32>} : memref<28672xf32, #tpu.memory_space<vmem>>, vector<16xf32>,
        %parallel_loop3A_254 = arith.constant 12 : i32
        %parallel_loop3A_255 = vector.broadcast %parallel_loop3A_254 : i32 to vector<16xi32>
        %parallel_loop3A_256 = arith.cmpi slt, %iota3A, %parallel_loop3A_255 : vector<16xi32>
        %parallel_loop3A_257 = arith.select %parallel_loop3A_256, %parallel_loop3A_249, %parallel_loop3A_253 : vector<16xi1>, vector<16xf32>
        %parallel_loop3A_258 = arith.constant 160 : i32
        %parallel_loop3A_259 = arith.addi %parallel_loop3A_157, %parallel_loop3A_258 : i32
        %parallel_loop3A_260 = arith.index_cast %parallel_loop3A_259 : i32 to index
        %parallel_loop3A_261 = tpu.vector_load %arg10[%parallel_loop3A_260] {strides = array<i32>} : memref<32768xf32, #tpu.memory_space<vmem>>, vector<16xf32>,
        tpu.vector_store %arg10[%parallel_loop3A_260], %parallel_loop3A_257 {strides = array<i32>} : memref<32768xf32, #tpu.memory_space<vmem>>, vector<16xf32>,
        %parallel_loop3A_262 = arith.constant 176 : i32
        %parallel_loop3A_263 = arith.addi %parallel_loop3A_155, %parallel_loop3A_262 : i32
        %parallel_loop3A_264 = arith.index_cast %parallel_loop3A_263 : i32 to index
        %parallel_loop3A_265 = tpu.vector_load %arg7[%parallel_loop3A_264] {strides = array<i32>} : memref<28672xf32, #tpu.memory_space<vmem>>, vector<16xf32>,
        %parallel_loop3A_266 = arith.constant 176 : i32
        %parallel_loop3A_267 = arith.addi %parallel_loop3A_157, %parallel_loop3A_266 : i32
        %parallel_loop3A_268 = arith.index_cast %parallel_loop3A_267 : i32 to index
        %parallel_loop3A_269 = tpu.vector_load %arg10[%parallel_loop3A_268] {strides = array<i32>} : memref<32768xf32, #tpu.memory_space<vmem>>, vector<16xf32>,
        tpu.vector_store %arg10[%parallel_loop3A_268], %parallel_loop3A_265 {strides = array<i32>} : memref<32768xf32, #tpu.memory_space<vmem>>, vector<16xf32>,
        %parallel_loop3A_270 = arith.constant 192 : i32
        %parallel_loop3A_271 = arith.addi %parallel_loop3A_155, %parallel_loop3A_270 : i32
        %parallel_loop3A_272 = arith.index_cast %parallel_loop3A_271 : i32 to index
        %parallel_loop3A_273 = tpu.vector_load %arg7[%parallel_loop3A_272] {strides = array<i32>} : memref<28672xf32, #tpu.memory_space<vmem>>, vector<16xf32>,
        %parallel_loop3A_274 = arith.constant 192 : i32
        %parallel_loop3A_275 = arith.addi %parallel_loop3A_157, %parallel_loop3A_274 : i32
        %parallel_loop3A_276 = arith.index_cast %parallel_loop3A_275 : i32 to index
        %parallel_loop3A_277 = tpu.vector_load %arg10[%parallel_loop3A_276] {strides = array<i32>} : memref<32768xf32, #tpu.memory_space<vmem>>, vector<16xf32>,
        tpu.vector_store %arg10[%parallel_loop3A_276], %parallel_loop3A_273 {strides = array<i32>} : memref<32768xf32, #tpu.memory_space<vmem>>, vector<16xf32>,
        %parallel_loop3A_278 = arith.constant 208 : i32
        %parallel_loop3A_279 = arith.addi %parallel_loop3A_155, %parallel_loop3A_278 : i32
        %parallel_loop3A_280 = arith.index_cast %parallel_loop3A_279 : i32 to index
        %parallel_loop3A_281 = tpu.vector_load %arg7[%parallel_loop3A_280] {strides = array<i32>} : memref<28672xf32, #tpu.memory_space<vmem>>, vector<16xf32>,
        %parallel_loop3A_282 = arith.constant 208 : i32
        %parallel_loop3A_283 = arith.addi %parallel_loop3A_157, %parallel_loop3A_282 : i32
        %parallel_loop3A_284 = arith.index_cast %parallel_loop3A_283 : i32 to index
        %parallel_loop3A_285 = tpu.vector_load %arg10[%parallel_loop3A_284] {strides = array<i32>} : memref<32768xf32, #tpu.memory_space<vmem>>, vector<16xf32>,
        tpu.vector_store %arg10[%parallel_loop3A_284], %parallel_loop3A_281 {strides = array<i32>} : memref<32768xf32, #tpu.memory_space<vmem>>, vector<16xf32>,
        %parallel_loop3A_286 = arith.constant 224 : i32
        %parallel_loop3A_287 = arith.addi %parallel_loop3A_155, %parallel_loop3A_286 : i32
        %parallel_loop3A_288 = arith.index_cast %parallel_loop3A_287 : i32 to index
        %parallel_loop3A_289 = tpu.vector_load %arg7[%parallel_loop3A_288] {strides = array<i32>} : memref<28672xf32, #tpu.memory_space<vmem>>, vector<16xf32>,
        %parallel_loop3A_290 = arith.constant 224 : i32
        %parallel_loop3A_291 = arith.addi %parallel_loop3A_157, %parallel_loop3A_290 : i32
        %parallel_loop3A_292 = arith.index_cast %parallel_loop3A_291 : i32 to index
        %parallel_loop3A_293 = tpu.vector_load %arg10[%parallel_loop3A_292] {strides = array<i32>} : memref<32768xf32, #tpu.memory_space<vmem>>, vector<16xf32>,
        tpu.vector_store %arg10[%parallel_loop3A_292], %parallel_loop3A_289 {strides = array<i32>} : memref<32768xf32, #tpu.memory_space<vmem>>, vector<16xf32>,
        %parallel_loop3A_294 = arith.constant 240 : i32
        %parallel_loop3A_295 = arith.addi %parallel_loop3A_155, %parallel_loop3A_294 : i32
        %parallel_loop3A_296 = arith.index_cast %parallel_loop3A_295 : i32 to index
        %parallel_loop3A_297 = tpu.vector_load %arg7[%parallel_loop3A_296] {strides = array<i32>} : memref<28672xf32, #tpu.memory_space<vmem>>, vector<16xf32>,
        %parallel_loop3A_298 = arith.constant 240 : i32
        %parallel_loop3A_299 = arith.addi %parallel_loop3A_157, %parallel_loop3A_298 : i32
        %parallel_loop3A_300 = arith.index_cast %parallel_loop3A_299 : i32 to index
        %parallel_loop3A_301 = tpu.vector_load %arg10[%parallel_loop3A_300] {strides = array<i32>} : memref<32768xf32, #tpu.memory_space<vmem>>, vector<16xf32>,
        tpu.vector_store %arg10[%parallel_loop3A_300], %parallel_loop3A_297 {strides = array<i32>} : memref<32768xf32, #tpu.memory_space<vmem>>, vector<16xf32>,
      } {sc.loop_unroll_factor = 1 : i64, sc.parallel_access}
      %mul3A_123 = arith.constant 128 : i32
      %mul3A_124 = arith.muli %add3A_114, %mul3A_123 : i32
      %add3A_125 = arith.addi %add3A_56, %mul3A_124 : i32
      %mul3A_126 = arith.constant 256 : i32
      %mul3A_127 = arith.muli %add3A_125, %mul3A_126 : i32
      %dma_start3A_128 = tpu.memref_slice %arg6[%mul3A_127] : memref<47104000xf32, #tpu.memory_space<hbm>> -> memref<32768xf32, #tpu.memory_space<hbm>>
      %dma_start3A_129 = tpu.memref_slice %arg6[%mul3A_127] : memref<47104000xf32, #tpu.memory_space<hbm>> -> memref<32768xf32, #tpu.memory_space<hbm>>
      tpu.enqueue_dma source(%arg10 : memref<32768xf32, #tpu.memory_space<vmem>>) target(%dma_start3A_129 : memref<32768xf32, #tpu.memory_space<hbm>>) target_semaphore(%arg12 : memref<!tpu.dma_semaphore, #tpu.memory_space<semaphore_mem>>)
    }
    %scan3A_61 = arith.constant 4 : i32
    %dma_wait3A_62 = arith.constant 0 : i32
    %dma_wait3A_63 = tpu.memref_slice %arg6[%dma_wait3A_62] : memref<47104000xf32, #tpu.memory_space<hbm>> -> memref<32768xf32, #tpu.memory_space<hbm>>
    %dma_wait3A_64 = arith.constant 0 : i32
    %dma_wait3A_65 = tpu.memref_slice %arg6[%dma_wait3A_64] : memref<47104000xf32, #tpu.memory_space<hbm>> -> memref<32768xf32, #tpu.memory_space<hbm>>
    tpu.wait_dma2 semaphore(%arg11 : memref<!tpu.dma_semaphore, #tpu.memory_space<semaphore_mem>>) src(%arg9 : memref<32768xf32, #tpu.memory_space<vmem>>) dst(%dma_wait3A_65 : memref<32768xf32, #tpu.memory_space<hbm>>)
    %dma_wait3A_66 = arith.constant 0 : i32
    %dma_wait3A_67 = tpu.memref_slice %arg6[%dma_wait3A_66] : memref<47104000xf32, #tpu.memory_space<hbm>> -> memref<32768xf32, #tpu.memory_space<hbm>>
    %dma_wait3A_68 = arith.constant 0 : i32
    %dma_wait3A_69 = tpu.memref_slice %arg6[%dma_wait3A_68] : memref<47104000xf32, #tpu.memory_space<hbm>> -> memref<32768xf32, #tpu.memory_space<hbm>>
    tpu.wait_dma2 semaphore(%arg12 : memref<!tpu.dma_semaphore, #tpu.memory_space<semaphore_mem>>) src(%arg10 : memref<32768xf32, #tpu.memory_space<vmem>>) dst(%dma_wait3A_69 : memref<32768xf32, #tpu.memory_space<hbm>>)
    %mul3A_70 = arith.constant 4864 : i32
    %mul3A_71 = arith.muli %add3A, %mul3A_70 : i32
    %min3A_72 = arith.constant 145136 : i32
    %min3A_73 = arith.minsi %mul3A_71, %min3A_72 : i32
    %mul3A_74 = arith.constant 3 : i32
    %mul3A_75 = arith.muli %min3A_73, %mul3A_74 : i32
    "tpu.region"() ({
      %run_scoped3A = tpu.sem_alloc : memref<!tpu.dma_semaphore, #tpu.memory_space<semaphore_mem>>
      %dma_start3A_91 = arith.constant 0 : i32
      %dma_start3A_92 = tpu.memref_slice %arg8[%dma_start3A_91] : memref<14608xi32, #tpu.memory_space<vmem>> -> memref<14592xi32, #tpu.memory_space<vmem>>
      %dma_start3A_93 = tpu.memref_slice %arg4[%mul3A_75] : memref<450000xi32, #tpu.memory_space<hbm>> -> memref<14592xi32, #tpu.memory_space<hbm>>
      %dma_start3A_94 = arith.constant 0 : i32
      %dma_start3A_95 = tpu.memref_slice %arg8[%dma_start3A_94] : memref<14608xi32, #tpu.memory_space<vmem>> -> memref<14592xi32, #tpu.memory_space<vmem>>
      %dma_start3A_96 = tpu.memref_slice %arg4[%mul3A_75] : memref<450000xi32, #tpu.memory_space<hbm>> -> memref<14592xi32, #tpu.memory_space<hbm>>
      tpu.enqueue_dma source(%dma_start3A_96 : memref<14592xi32, #tpu.memory_space<hbm>>) target(%dma_start3A_95 : memref<14592xi32, #tpu.memory_space<vmem>>) target_semaphore(%run_scoped3A : memref<!tpu.dma_semaphore, #tpu.memory_space<semaphore_mem>>)
      %dma_wait3A_97 = arith.constant 0 : i32
      %dma_wait3A_98 = tpu.memref_slice %arg8[%dma_wait3A_97] : memref<14608xi32, #tpu.memory_space<vmem>> -> memref<14592xi32, #tpu.memory_space<vmem>>
      %dma_wait3A_99 = tpu.memref_slice %arg4[%mul3A_75] : memref<450000xi32, #tpu.memory_space<hbm>> -> memref<14592xi32, #tpu.memory_space<hbm>>
      %dma_wait3A_100 = arith.constant 0 : i32
      %dma_wait3A_101 = tpu.memref_slice %arg8[%dma_wait3A_100] : memref<14608xi32, #tpu.memory_space<vmem>> -> memref<14592xi32, #tpu.memory_space<vmem>>
      %dma_wait3A_102 = tpu.memref_slice %arg4[%mul3A_75] : memref<450000xi32, #tpu.memory_space<hbm>> -> memref<14592xi32, #tpu.memory_space<hbm>>
      tpu.wait_dma2 semaphore(%run_scoped3A : memref<!tpu.dma_semaphore, #tpu.memory_space<semaphore_mem>>) src(%dma_wait3A_102 : memref<14592xi32, #tpu.memory_space<hbm>>) dst(%dma_wait3A_101 : memref<14592xi32, #tpu.memory_space<vmem>>)
      tpu.yield
    }) : () -> ()
    %add3A_76 = arith.constant 34000 : i32
    %add3A_77 = arith.addi %add3A_76, %min3A_73 : i32
    %scan3A_78 = arith.constant 0 : i32
    %scan3A_79 = arith.constant 19 : i32
    %scan3A_80 = arith.addi %scan3A_78, %scan3A_79 : i32
    %scan3A_81 = arith.constant 1 : i32
    scf.for %scan3A_91 = %scan3A_78 to %scan3A_80 step %scan3A_81  : i32 {
      %mul3A_92 = arith.constant 2 : i32
      %mul3A_93 = arith.muli %scan3A_91, %mul3A_92 : i32
      %add3A_94 = arith.constant 0 : i32
      %add3A_95 = arith.addi %mul3A_93, %add3A_94 : i32
      %gt3A_96 = arith.constant 0 : i32
      %gt3A_97 = arith.cmpi sgt, %scan3A_91, %gt3A_96 : i32
      %convert_element_type3A_98 = arith.extui %gt3A_97 : i1 to i32
      %cond3A_99 = arith.constant 0 : i32
      %cond3A_100 = arith.cmpi ne, %convert_element_type3A_98, %cond3A_99 : i32
      scf.if %cond3A_100 {
        %dma_wait3A_130 = arith.constant 0 : i32
        %dma_wait3A_131 = tpu.memref_slice %arg6[%dma_wait3A_130] : memref<47104000xf32, #tpu.memory_space<hbm>> -> memref<32768xf32, #tpu.memory_space<hbm>>
        %dma_wait3A_132 = arith.constant 0 : i32
        %dma_wait3A_133 = tpu.memref_slice %arg6[%dma_wait3A_132] : memref<47104000xf32, #tpu.memory_space<hbm>> -> memref<32768xf32, #tpu.memory_space<hbm>>
        tpu.wait_dma2 semaphore(%arg11 : memref<!tpu.dma_semaphore, #tpu.memory_space<semaphore_mem>>) src(%arg9 : memref<32768xf32, #tpu.memory_space<vmem>>) dst(%dma_wait3A_133 : memref<32768xf32, #tpu.memory_space<hbm>>)
      } else {
      }
      %parallel_loop3A_101 = arith.constant 0 : i32
      %parallel_loop3A_102 = arith.constant 128 : i32
      %parallel_loop3A_103 = arith.constant 1 : i32
      scf.for %parallel_loop3A_130 = %parallel_loop3A_101 to %parallel_loop3A_102 step %parallel_loop3A_103  : i32 {
        %parallel_loop3A_131 = arith.constant 384 : i32
        %parallel_loop3A_132 = arith.muli %add3A_95, %parallel_loop3A_131 : i32
        %parallel_loop3A_133 = arith.constant 3 : i32
        %parallel_loop3A_134 = arith.muli %parallel_loop3A_130, %parallel_loop3A_133 : i32
        %parallel_loop3A_135 = arith.addi %parallel_loop3A_132, %parallel_loop3A_134 : i32
        %parallel_loop3A_136 = arith.index_cast %parallel_loop3A_135 : i32 to index
        %parallel_loop3A_137 = tpu.vector_load %arg8[%parallel_loop3A_136] {strides = array<i32>} : memref<14608xi32, #tpu.memory_space<vmem>>, vector<16xi32>,
        %parallel_loop3A_138 = vector.extract_strided_slice %parallel_loop3A_137 {offsets = [0], sizes = [1], strides = [1]} : vector<16xi32> to vector<1xi32>
        %parallel_loop3A_139 = vector.extract %parallel_loop3A_138[0] : i32 from vector<1xi32>
        %parallel_loop3A_140 = arith.constant 48 : i32
        %parallel_loop3A_141 = arith.addi %parallel_loop3A_139, %parallel_loop3A_140 : i32
        %parallel_loop3A_142 = arith.constant 256 : i32
        %parallel_loop3A_143 = arith.muli %parallel_loop3A_141, %parallel_loop3A_142 : i32
        %parallel_loop3A_144 = vector.extract_strided_slice %parallel_loop3A_137 {offsets = [1], sizes = [1], strides = [1]} : vector<16xi32> to vector<1xi32>
        %parallel_loop3A_145 = vector.extract %parallel_loop3A_144[0] : i32 from vector<1xi32>
        %parallel_loop3A_146 = arith.constant 48 : i32
        %parallel_loop3A_147 = arith.addi %parallel_loop3A_145, %parallel_loop3A_146 : i32
        %parallel_loop3A_148 = arith.constant 256 : i32
        %parallel_loop3A_149 = arith.muli %parallel_loop3A_147, %parallel_loop3A_148 : i32
        %parallel_loop3A_150 = vector.extract_strided_slice %parallel_loop3A_137 {offsets = [2], sizes = [1], strides = [1]} : vector<16xi32> to vector<1xi32>
        %parallel_loop3A_151 = vector.extract %parallel_loop3A_150[0] : i32 from vector<1xi32>
        %parallel_loop3A_152 = arith.constant 48 : i32
        %parallel_loop3A_153 = arith.addi %parallel_loop3A_151, %parallel_loop3A_152 : i32
        %parallel_loop3A_154 = arith.constant 256 : i32
        %parallel_loop3A_155 = arith.muli %parallel_loop3A_153, %parallel_loop3A_154 : i32
        %parallel_loop3A_156 = arith.constant 256 : i32
        %parallel_loop3A_157 = arith.muli %parallel_loop3A_130, %parallel_loop3A_156 : i32
        %parallel_loop3A_158 = arith.constant 0 : i32
        %parallel_loop3A_159 = arith.addi %parallel_loop3A_143, %parallel_loop3A_158 : i32
        %parallel_loop3A_160 = arith.index_cast %parallel_loop3A_159 : i32 to index
        %parallel_loop3A_161 = tpu.vector_load %arg7[%parallel_loop3A_160] {strides = array<i32>} : memref<28672xf32, #tpu.memory_space<vmem>>, vector<16xf32>,
        %parallel_loop3A_162 = arith.constant 0 : i32
        %parallel_loop3A_163 = arith.addi %parallel_loop3A_157, %parallel_loop3A_162 : i32
        %parallel_loop3A_164 = arith.index_cast %parallel_loop3A_163 : i32 to index
        %parallel_loop3A_165 = tpu.vector_load %arg9[%parallel_loop3A_164] {strides = array<i32>} : memref<32768xf32, #tpu.memory_space<vmem>>, vector<16xf32>,
        tpu.vector_store %arg9[%parallel_loop3A_164], %parallel_loop3A_161 {strides = array<i32>} : memref<32768xf32, #tpu.memory_space<vmem>>, vector<16xf32>,
        %parallel_loop3A_166 = arith.constant 16 : i32
        %parallel_loop3A_167 = arith.addi %parallel_loop3A_143, %parallel_loop3A_166 : i32
        %parallel_loop3A_168 = arith.index_cast %parallel_loop3A_167 : i32 to index
        %parallel_loop3A_169 = tpu.vector_load %arg7[%parallel_loop3A_168] {strides = array<i32>} : memref<28672xf32, #tpu.memory_space<vmem>>, vector<16xf32>,
        %parallel_loop3A_170 = arith.constant 16 : i32
        %parallel_loop3A_171 = arith.addi %parallel_loop3A_157, %parallel_loop3A_170 : i32
        %parallel_loop3A_172 = arith.index_cast %parallel_loop3A_171 : i32 to index
        %parallel_loop3A_173 = tpu.vector_load %arg9[%parallel_loop3A_172] {strides = array<i32>} : memref<32768xf32, #tpu.memory_space<vmem>>, vector<16xf32>,
        tpu.vector_store %arg9[%parallel_loop3A_172], %parallel_loop3A_169 {strides = array<i32>} : memref<32768xf32, #tpu.memory_space<vmem>>, vector<16xf32>,
        %parallel_loop3A_174 = arith.constant 32 : i32
        %parallel_loop3A_175 = arith.addi %parallel_loop3A_143, %parallel_loop3A_174 : i32
        %parallel_loop3A_176 = arith.index_cast %parallel_loop3A_175 : i32 to index
        %parallel_loop3A_177 = tpu.vector_load %arg7[%parallel_loop3A_176] {strides = array<i32>} : memref<28672xf32, #tpu.memory_space<vmem>>, vector<16xf32>,
        %parallel_loop3A_178 = arith.constant 32 : i32
        %parallel_loop3A_179 = arith.addi %parallel_loop3A_157, %parallel_loop3A_178 : i32
        %parallel_loop3A_180 = arith.index_cast %parallel_loop3A_179 : i32 to index
        %parallel_loop3A_181 = tpu.vector_load %arg9[%parallel_loop3A_180] {strides = array<i32>} : memref<32768xf32, #tpu.memory_space<vmem>>, vector<16xf32>,
        tpu.vector_store %arg9[%parallel_loop3A_180], %parallel_loop3A_177 {strides = array<i32>} : memref<32768xf32, #tpu.memory_space<vmem>>, vector<16xf32>,
        %parallel_loop3A_182 = arith.constant 48 : i32
        %parallel_loop3A_183 = arith.addi %parallel_loop3A_143, %parallel_loop3A_182 : i32
        %parallel_loop3A_184 = arith.index_cast %parallel_loop3A_183 : i32 to index
        %parallel_loop3A_185 = tpu.vector_load %arg7[%parallel_loop3A_184] {strides = array<i32>} : memref<28672xf32, #tpu.memory_space<vmem>>, vector<16xf32>,
        %parallel_loop3A_186 = arith.constant 48 : i32
        %parallel_loop3A_187 = arith.addi %parallel_loop3A_157, %parallel_loop3A_186 : i32
        %parallel_loop3A_188 = arith.index_cast %parallel_loop3A_187 : i32 to index
        %parallel_loop3A_189 = tpu.vector_load %arg9[%parallel_loop3A_188] {strides = array<i32>} : memref<32768xf32, #tpu.memory_space<vmem>>, vector<16xf32>,
        tpu.vector_store %arg9[%parallel_loop3A_188], %parallel_loop3A_185 {strides = array<i32>} : memref<32768xf32, #tpu.memory_space<vmem>>, vector<16xf32>,
        %parallel_loop3A_190 = arith.constant 64 : i32
        %parallel_loop3A_191 = arith.addi %parallel_loop3A_143, %parallel_loop3A_190 : i32
        %parallel_loop3A_192 = arith.index_cast %parallel_loop3A_191 : i32 to index
        %parallel_loop3A_193 = tpu.vector_load %arg7[%parallel_loop3A_192] {strides = array<i32>} : memref<28672xf32, #tpu.memory_space<vmem>>, vector<16xf32>,
        %parallel_loop3A_194 = arith.constant 64 : i32
        %parallel_loop3A_195 = arith.addi %parallel_loop3A_157, %parallel_loop3A_194 : i32
        %parallel_loop3A_196 = arith.index_cast %parallel_loop3A_195 : i32 to index
        %parallel_loop3A_197 = tpu.vector_load %arg9[%parallel_loop3A_196] {strides = array<i32>} : memref<32768xf32, #tpu.memory_space<vmem>>, vector<16xf32>,
        tpu.vector_store %arg9[%parallel_loop3A_196], %parallel_loop3A_193 {strides = array<i32>} : memref<32768xf32, #tpu.memory_space<vmem>>, vector<16xf32>,
        %parallel_loop3A_198 = arith.constant 80 : i32
        %parallel_loop3A_199 = arith.addi %parallel_loop3A_143, %parallel_loop3A_198 : i32
        %parallel_loop3A_200 = arith.index_cast %parallel_loop3A_199 : i32 to index
        %parallel_loop3A_201 = tpu.vector_load %arg7[%parallel_loop3A_200] {strides = array<i32>} : memref<28672xf32, #tpu.memory_space<vmem>>, vector<16xf32>,
        %parallel_loop3A_202 = arith.constant 80 : i32
        %parallel_loop3A_203 = arith.addi %parallel_loop3A_149, %parallel_loop3A_202 : i32
        %parallel_loop3A_204 = arith.index_cast %parallel_loop3A_203 : i32 to index
        %parallel_loop3A_205 = tpu.vector_load %arg7[%parallel_loop3A_204] {strides = array<i32>} : memref<28672xf32, #tpu.memory_space<vmem>>, vector<16xf32>,
        %parallel_loop3A_206 = arith.constant 6 : i32
        %parallel_loop3A_207 = vector.broadcast %parallel_loop3A_206 : i32 to vector<16xi32>
        %parallel_loop3A_208 = arith.cmpi slt, %iota3A, %parallel_loop3A_207 : vector<16xi32>
        %parallel_loop3A_209 = arith.select %parallel_loop3A_208, %parallel_loop3A_201, %parallel_loop3A_205 : vector<16xi1>, vector<16xf32>
        %parallel_loop3A_210 = arith.constant 80 : i32
        %parallel_loop3A_211 = arith.addi %parallel_loop3A_157, %parallel_loop3A_210 : i32
        %parallel_loop3A_212 = arith.index_cast %parallel_loop3A_211 : i32 to index
        %parallel_loop3A_213 = tpu.vector_load %arg9[%parallel_loop3A_212] {strides = array<i32>} : memref<32768xf32, #tpu.memory_space<vmem>>, vector<16xf32>,
        tpu.vector_store %arg9[%parallel_loop3A_212], %parallel_loop3A_209 {strides = array<i32>} : memref<32768xf32, #tpu.memory_space<vmem>>, vector<16xf32>,
        %parallel_loop3A_214 = arith.constant 96 : i32
        %parallel_loop3A_215 = arith.addi %parallel_loop3A_149, %parallel_loop3A_214 : i32
        %parallel_loop3A_216 = arith.index_cast %parallel_loop3A_215 : i32 to index
        %parallel_loop3A_217 = tpu.vector_load %arg7[%parallel_loop3A_216] {strides = array<i32>} : memref<28672xf32, #tpu.memory_space<vmem>>, vector<16xf32>,
        %parallel_loop3A_218 = arith.constant 96 : i32
        %parallel_loop3A_219 = arith.addi %parallel_loop3A_157, %parallel_loop3A_218 : i32
        %parallel_loop3A_220 = arith.index_cast %parallel_loop3A_219 : i32 to index
        %parallel_loop3A_221 = tpu.vector_load %arg9[%parallel_loop3A_220] {strides = array<i32>} : memref<32768xf32, #tpu.memory_space<vmem>>, vector<16xf32>,
        tpu.vector_store %arg9[%parallel_loop3A_220], %parallel_loop3A_217 {strides = array<i32>} : memref<32768xf32, #tpu.memory_space<vmem>>, vector<16xf32>,
        %parallel_loop3A_222 = arith.constant 112 : i32
        %parallel_loop3A_223 = arith.addi %parallel_loop3A_149, %parallel_loop3A_222 : i32
        %parallel_loop3A_224 = arith.index_cast %parallel_loop3A_223 : i32 to index
        %parallel_loop3A_225 = tpu.vector_load %arg7[%parallel_loop3A_224] {strides = array<i32>} : memref<28672xf32, #tpu.memory_space<vmem>>, vector<16xf32>,
        %parallel_loop3A_226 = arith.constant 112 : i32
        %parallel_loop3A_227 = arith.addi %parallel_loop3A_157, %parallel_loop3A_226 : i32
        %parallel_loop3A_228 = arith.index_cast %parallel_loop3A_227 : i32 to index
        %parallel_loop3A_229 = tpu.vector_load %arg9[%parallel_loop3A_228] {strides = array<i32>} : memref<32768xf32, #tpu.memory_space<vmem>>, vector<16xf32>,
        tpu.vector_store %arg9[%parallel_loop3A_228], %parallel_loop3A_225 {strides = array<i32>} : memref<32768xf32, #tpu.memory_space<vmem>>, vector<16xf32>,
        %parallel_loop3A_230 = arith.constant 128 : i32
        %parallel_loop3A_231 = arith.addi %parallel_loop3A_149, %parallel_loop3A_230 : i32
        %parallel_loop3A_232 = arith.index_cast %parallel_loop3A_231 : i32 to index
        %parallel_loop3A_233 = tpu.vector_load %arg7[%parallel_loop3A_232] {strides = array<i32>} : memref<28672xf32, #tpu.memory_space<vmem>>, vector<16xf32>,
        %parallel_loop3A_234 = arith.constant 128 : i32
        %parallel_loop3A_235 = arith.addi %parallel_loop3A_157, %parallel_loop3A_234 : i32
        %parallel_loop3A_236 = arith.index_cast %parallel_loop3A_235 : i32 to index
        %parallel_loop3A_237 = tpu.vector_load %arg9[%parallel_loop3A_236] {strides = array<i32>} : memref<32768xf32, #tpu.memory_space<vmem>>, vector<16xf32>,
        tpu.vector_store %arg9[%parallel_loop3A_236], %parallel_loop3A_233 {strides = array<i32>} : memref<32768xf32, #tpu.memory_space<vmem>>, vector<16xf32>,
        %parallel_loop3A_238 = arith.constant 144 : i32
        %parallel_loop3A_239 = arith.addi %parallel_loop3A_149, %parallel_loop3A_238 : i32
        %parallel_loop3A_240 = arith.index_cast %parallel_loop3A_239 : i32 to index
        %parallel_loop3A_241 = tpu.vector_load %arg7[%parallel_loop3A_240] {strides = array<i32>} : memref<28672xf32, #tpu.memory_space<vmem>>, vector<16xf32>,
        %parallel_loop3A_242 = arith.constant 144 : i32
        %parallel_loop3A_243 = arith.addi %parallel_loop3A_157, %parallel_loop3A_242 : i32
        %parallel_loop3A_244 = arith.index_cast %parallel_loop3A_243 : i32 to index
        %parallel_loop3A_245 = tpu.vector_load %arg9[%parallel_loop3A_244] {strides = array<i32>} : memref<32768xf32, #tpu.memory_space<vmem>>, vector<16xf32>,
        tpu.vector_store %arg9[%parallel_loop3A_244], %parallel_loop3A_241 {strides = array<i32>} : memref<32768xf32, #tpu.memory_space<vmem>>, vector<16xf32>,
        %parallel_loop3A_246 = arith.constant 160 : i32
        %parallel_loop3A_247 = arith.addi %parallel_loop3A_149, %parallel_loop3A_246 : i32
        %parallel_loop3A_248 = arith.index_cast %parallel_loop3A_247 : i32 to index
        %parallel_loop3A_249 = tpu.vector_load %arg7[%parallel_loop3A_248] {strides = array<i32>} : memref<28672xf32, #tpu.memory_space<vmem>>, vector<16xf32>,
        %parallel_loop3A_250 = arith.constant 160 : i32
        %parallel_loop3A_251 = arith.addi %parallel_loop3A_155, %parallel_loop3A_250 : i32
        %parallel_loop3A_252 = arith.index_cast %parallel_loop3A_251 : i32 to index
        %parallel_loop3A_253 = tpu.vector_load %arg7[%parallel_loop3A_252] {strides = array<i32>} : memref<28672xf32, #tpu.memory_space<vmem>>, vector<16xf32>,
        %parallel_loop3A_254 = arith.constant 12 : i32
        %parallel_loop3A_255 = vector.broadcast %parallel_loop3A_254 : i32 to vector<16xi32>
        %parallel_loop3A_256 = arith.cmpi slt, %iota3A, %parallel_loop3A_255 : vector<16xi32>
        %parallel_loop3A_257 = arith.select %parallel_loop3A_256, %parallel_loop3A_249, %parallel_loop3A_253 : vector<16xi1>, vector<16xf32>
        %parallel_loop3A_258 = arith.constant 160 : i32
        %parallel_loop3A_259 = arith.addi %parallel_loop3A_157, %parallel_loop3A_258 : i32
        %parallel_loop3A_260 = arith.index_cast %parallel_loop3A_259 : i32 to index
        %parallel_loop3A_261 = tpu.vector_load %arg9[%parallel_loop3A_260] {strides = array<i32>} : memref<32768xf32, #tpu.memory_space<vmem>>, vector<16xf32>,
        tpu.vector_store %arg9[%parallel_loop3A_260], %parallel_loop3A_257 {strides = array<i32>} : memref<32768xf32, #tpu.memory_space<vmem>>, vector<16xf32>,
        %parallel_loop3A_262 = arith.constant 176 : i32
        %parallel_loop3A_263 = arith.addi %parallel_loop3A_155, %parallel_loop3A_262 : i32
        %parallel_loop3A_264 = arith.index_cast %parallel_loop3A_263 : i32 to index
        %parallel_loop3A_265 = tpu.vector_load %arg7[%parallel_loop3A_264] {strides = array<i32>} : memref<28672xf32, #tpu.memory_space<vmem>>, vector<16xf32>,
        %parallel_loop3A_266 = arith.constant 176 : i32
        %parallel_loop3A_267 = arith.addi %parallel_loop3A_157, %parallel_loop3A_266 : i32
        %parallel_loop3A_268 = arith.index_cast %parallel_loop3A_267 : i32 to index
        %parallel_loop3A_269 = tpu.vector_load %arg9[%parallel_loop3A_268] {strides = array<i32>} : memref<32768xf32, #tpu.memory_space<vmem>>, vector<16xf32>,
        tpu.vector_store %arg9[%parallel_loop3A_268], %parallel_loop3A_265 {strides = array<i32>} : memref<32768xf32, #tpu.memory_space<vmem>>, vector<16xf32>,
        %parallel_loop3A_270 = arith.constant 192 : i32
        %parallel_loop3A_271 = arith.addi %parallel_loop3A_155, %parallel_loop3A_270 : i32
        %parallel_loop3A_272 = arith.index_cast %parallel_loop3A_271 : i32 to index
        %parallel_loop3A_273 = tpu.vector_load %arg7[%parallel_loop3A_272] {strides = array<i32>} : memref<28672xf32, #tpu.memory_space<vmem>>, vector<16xf32>,
        %parallel_loop3A_274 = arith.constant 192 : i32
        %parallel_loop3A_275 = arith.addi %parallel_loop3A_157, %parallel_loop3A_274 : i32
        %parallel_loop3A_276 = arith.index_cast %parallel_loop3A_275 : i32 to index
        %parallel_loop3A_277 = tpu.vector_load %arg9[%parallel_loop3A_276] {strides = array<i32>} : memref<32768xf32, #tpu.memory_space<vmem>>, vector<16xf32>,
        tpu.vector_store %arg9[%parallel_loop3A_276], %parallel_loop3A_273 {strides = array<i32>} : memref<32768xf32, #tpu.memory_space<vmem>>, vector<16xf32>,
        %parallel_loop3A_278 = arith.constant 208 : i32
        %parallel_loop3A_279 = arith.addi %parallel_loop3A_155, %parallel_loop3A_278 : i32
        %parallel_loop3A_280 = arith.index_cast %parallel_loop3A_279 : i32 to index
        %parallel_loop3A_281 = tpu.vector_load %arg7[%parallel_loop3A_280] {strides = array<i32>} : memref<28672xf32, #tpu.memory_space<vmem>>, vector<16xf32>,
        %parallel_loop3A_282 = arith.constant 208 : i32
        %parallel_loop3A_283 = arith.addi %parallel_loop3A_157, %parallel_loop3A_282 : i32
        %parallel_loop3A_284 = arith.index_cast %parallel_loop3A_283 : i32 to index
        %parallel_loop3A_285 = tpu.vector_load %arg9[%parallel_loop3A_284] {strides = array<i32>} : memref<32768xf32, #tpu.memory_space<vmem>>, vector<16xf32>,
        tpu.vector_store %arg9[%parallel_loop3A_284], %parallel_loop3A_281 {strides = array<i32>} : memref<32768xf32, #tpu.memory_space<vmem>>, vector<16xf32>,
        %parallel_loop3A_286 = arith.constant 224 : i32
        %parallel_loop3A_287 = arith.addi %parallel_loop3A_155, %parallel_loop3A_286 : i32
        %parallel_loop3A_288 = arith.index_cast %parallel_loop3A_287 : i32 to index
        %parallel_loop3A_289 = tpu.vector_load %arg7[%parallel_loop3A_288] {strides = array<i32>} : memref<28672xf32, #tpu.memory_space<vmem>>, vector<16xf32>,
        %parallel_loop3A_290 = arith.constant 224 : i32
        %parallel_loop3A_291 = arith.addi %parallel_loop3A_157, %parallel_loop3A_290 : i32
        %parallel_loop3A_292 = arith.index_cast %parallel_loop3A_291 : i32 to index
        %parallel_loop3A_293 = tpu.vector_load %arg9[%parallel_loop3A_292] {strides = array<i32>} : memref<32768xf32, #tpu.memory_space<vmem>>, vector<16xf32>,
        tpu.vector_store %arg9[%parallel_loop3A_292], %parallel_loop3A_289 {strides = array<i32>} : memref<32768xf32, #tpu.memory_space<vmem>>, vector<16xf32>,
        %parallel_loop3A_294 = arith.constant 240 : i32
        %parallel_loop3A_295 = arith.addi %parallel_loop3A_155, %parallel_loop3A_294 : i32
        %parallel_loop3A_296 = arith.index_cast %parallel_loop3A_295 : i32 to index
        %parallel_loop3A_297 = tpu.vector_load %arg7[%parallel_loop3A_296] {strides = array<i32>} : memref<28672xf32, #tpu.memory_space<vmem>>, vector<16xf32>,
        %parallel_loop3A_298 = arith.constant 240 : i32
        %parallel_loop3A_299 = arith.addi %parallel_loop3A_157, %parallel_loop3A_298 : i32
        %parallel_loop3A_300 = arith.index_cast %parallel_loop3A_299 : i32 to index
        %parallel_loop3A_301 = tpu.vector_load %arg9[%parallel_loop3A_300] {strides = array<i32>} : memref<32768xf32, #tpu.memory_space<vmem>>, vector<16xf32>,
        tpu.vector_store %arg9[%parallel_loop3A_300], %parallel_loop3A_297 {strides = array<i32>} : memref<32768xf32, #tpu.memory_space<vmem>>, vector<16xf32>,
      } {sc.loop_unroll_factor = 1 : i64, sc.parallel_access}
      %mul3A_104 = arith.constant 128 : i32
      %mul3A_105 = arith.muli %add3A_95, %mul3A_104 : i32
      %add3A_106 = arith.addi %add3A_77, %mul3A_105 : i32
      %mul3A_107 = arith.constant 256 : i32
      %mul3A_108 = arith.muli %add3A_106, %mul3A_107 : i32
      %dma_start3A_109 = tpu.memref_slice %arg6[%mul3A_108] : memref<47104000xf32, #tpu.memory_space<hbm>> -> memref<32768xf32, #tpu.memory_space<hbm>>
      %dma_start3A_110 = tpu.memref_slice %arg6[%mul3A_108] : memref<47104000xf32, #tpu.memory_space<hbm>> -> memref<32768xf32, #tpu.memory_space<hbm>>
      tpu.enqueue_dma source(%arg9 : memref<32768xf32, #tpu.memory_space<vmem>>) target(%dma_start3A_110 : memref<32768xf32, #tpu.memory_space<hbm>>) target_semaphore(%arg11 : memref<!tpu.dma_semaphore, #tpu.memory_space<semaphore_mem>>)
      %mul3A_111 = arith.constant 2 : i32
      %mul3A_112 = arith.muli %scan3A_91, %mul3A_111 : i32
      %add3A_113 = arith.constant 1 : i32
      %add3A_114 = arith.addi %mul3A_112, %add3A_113 : i32
      %gt3A_115 = arith.constant 0 : i32
      %gt3A_116 = arith.cmpi sgt, %scan3A_91, %gt3A_115 : i32
      %convert_element_type3A_117 = arith.extui %gt3A_116 : i1 to i32
      %cond3A_118 = arith.constant 0 : i32
      %cond3A_119 = arith.cmpi ne, %convert_element_type3A_117, %cond3A_118 : i32
      scf.if %cond3A_119 {
        %dma_wait3A_130 = arith.constant 0 : i32
        %dma_wait3A_131 = tpu.memref_slice %arg6[%dma_wait3A_130] : memref<47104000xf32, #tpu.memory_space<hbm>> -> memref<32768xf32, #tpu.memory_space<hbm>>
        %dma_wait3A_132 = arith.constant 0 : i32
        %dma_wait3A_133 = tpu.memref_slice %arg6[%dma_wait3A_132] : memref<47104000xf32, #tpu.memory_space<hbm>> -> memref<32768xf32, #tpu.memory_space<hbm>>
        tpu.wait_dma2 semaphore(%arg12 : memref<!tpu.dma_semaphore, #tpu.memory_space<semaphore_mem>>) src(%arg10 : memref<32768xf32, #tpu.memory_space<vmem>>) dst(%dma_wait3A_133 : memref<32768xf32, #tpu.memory_space<hbm>>)
      } else {
      }
      %parallel_loop3A_120 = arith.constant 0 : i32
      %parallel_loop3A_121 = arith.constant 128 : i32
      %parallel_loop3A_122 = arith.constant 1 : i32
      scf.for %parallel_loop3A_130 = %parallel_loop3A_120 to %parallel_loop3A_121 step %parallel_loop3A_122  : i32 {
        %parallel_loop3A_131 = arith.constant 384 : i32
        %parallel_loop3A_132 = arith.muli %add3A_114, %parallel_loop3A_131 : i32
        %parallel_loop3A_133 = arith.constant 3 : i32
        %parallel_loop3A_134 = arith.muli %parallel_loop3A_130, %parallel_loop3A_133 : i32
        %parallel_loop3A_135 = arith.addi %parallel_loop3A_132, %parallel_loop3A_134 : i32
        %parallel_loop3A_136 = arith.index_cast %parallel_loop3A_135 : i32 to index
        %parallel_loop3A_137 = tpu.vector_load %arg8[%parallel_loop3A_136] {strides = array<i32>} : memref<14608xi32, #tpu.memory_space<vmem>>, vector<16xi32>,
        %parallel_loop3A_138 = vector.extract_strided_slice %parallel_loop3A_137 {offsets = [0], sizes = [1], strides = [1]} : vector<16xi32> to vector<1xi32>
        %parallel_loop3A_139 = vector.extract %parallel_loop3A_138[0] : i32 from vector<1xi32>
        %parallel_loop3A_140 = arith.constant 48 : i32
        %parallel_loop3A_141 = arith.addi %parallel_loop3A_139, %parallel_loop3A_140 : i32
        %parallel_loop3A_142 = arith.constant 256 : i32
        %parallel_loop3A_143 = arith.muli %parallel_loop3A_141, %parallel_loop3A_142 : i32
        %parallel_loop3A_144 = vector.extract_strided_slice %parallel_loop3A_137 {offsets = [1], sizes = [1], strides = [1]} : vector<16xi32> to vector<1xi32>
        %parallel_loop3A_145 = vector.extract %parallel_loop3A_144[0] : i32 from vector<1xi32>
        %parallel_loop3A_146 = arith.constant 48 : i32
        %parallel_loop3A_147 = arith.addi %parallel_loop3A_145, %parallel_loop3A_146 : i32
        %parallel_loop3A_148 = arith.constant 256 : i32
        %parallel_loop3A_149 = arith.muli %parallel_loop3A_147, %parallel_loop3A_148 : i32
        %parallel_loop3A_150 = vector.extract_strided_slice %parallel_loop3A_137 {offsets = [2], sizes = [1], strides = [1]} : vector<16xi32> to vector<1xi32>
        %parallel_loop3A_151 = vector.extract %parallel_loop3A_150[0] : i32 from vector<1xi32>
        %parallel_loop3A_152 = arith.constant 48 : i32
        %parallel_loop3A_153 = arith.addi %parallel_loop3A_151, %parallel_loop3A_152 : i32
        %parallel_loop3A_154 = arith.constant 256 : i32
        %parallel_loop3A_155 = arith.muli %parallel_loop3A_153, %parallel_loop3A_154 : i32
        %parallel_loop3A_156 = arith.constant 256 : i32
        %parallel_loop3A_157 = arith.muli %parallel_loop3A_130, %parallel_loop3A_156 : i32
        %parallel_loop3A_158 = arith.constant 0 : i32
        %parallel_loop3A_159 = arith.addi %parallel_loop3A_143, %parallel_loop3A_158 : i32
        %parallel_loop3A_160 = arith.index_cast %parallel_loop3A_159 : i32 to index
        %parallel_loop3A_161 = tpu.vector_load %arg7[%parallel_loop3A_160] {strides = array<i32>} : memref<28672xf32, #tpu.memory_space<vmem>>, vector<16xf32>,
        %parallel_loop3A_162 = arith.constant 0 : i32
        %parallel_loop3A_163 = arith.addi %parallel_loop3A_157, %parallel_loop3A_162 : i32
        %parallel_loop3A_164 = arith.index_cast %parallel_loop3A_163 : i32 to index
        %parallel_loop3A_165 = tpu.vector_load %arg10[%parallel_loop3A_164] {strides = array<i32>} : memref<32768xf32, #tpu.memory_space<vmem>>, vector<16xf32>,
        tpu.vector_store %arg10[%parallel_loop3A_164], %parallel_loop3A_161 {strides = array<i32>} : memref<32768xf32, #tpu.memory_space<vmem>>, vector<16xf32>,
        %parallel_loop3A_166 = arith.constant 16 : i32
        %parallel_loop3A_167 = arith.addi %parallel_loop3A_143, %parallel_loop3A_166 : i32
        %parallel_loop3A_168 = arith.index_cast %parallel_loop3A_167 : i32 to index
        %parallel_loop3A_169 = tpu.vector_load %arg7[%parallel_loop3A_168] {strides = array<i32>} : memref<28672xf32, #tpu.memory_space<vmem>>, vector<16xf32>,
        %parallel_loop3A_170 = arith.constant 16 : i32
        %parallel_loop3A_171 = arith.addi %parallel_loop3A_157, %parallel_loop3A_170 : i32
        %parallel_loop3A_172 = arith.index_cast %parallel_loop3A_171 : i32 to index
        %parallel_loop3A_173 = tpu.vector_load %arg10[%parallel_loop3A_172] {strides = array<i32>} : memref<32768xf32, #tpu.memory_space<vmem>>, vector<16xf32>,
        tpu.vector_store %arg10[%parallel_loop3A_172], %parallel_loop3A_169 {strides = array<i32>} : memref<32768xf32, #tpu.memory_space<vmem>>, vector<16xf32>,
        %parallel_loop3A_174 = arith.constant 32 : i32
        %parallel_loop3A_175 = arith.addi %parallel_loop3A_143, %parallel_loop3A_174 : i32
        %parallel_loop3A_176 = arith.index_cast %parallel_loop3A_175 : i32 to index
        %parallel_loop3A_177 = tpu.vector_load %arg7[%parallel_loop3A_176] {strides = array<i32>} : memref<28672xf32, #tpu.memory_space<vmem>>, vector<16xf32>,
        %parallel_loop3A_178 = arith.constant 32 : i32
        %parallel_loop3A_179 = arith.addi %parallel_loop3A_157, %parallel_loop3A_178 : i32
        %parallel_loop3A_180 = arith.index_cast %parallel_loop3A_179 : i32 to index
        %parallel_loop3A_181 = tpu.vector_load %arg10[%parallel_loop3A_180] {strides = array<i32>} : memref<32768xf32, #tpu.memory_space<vmem>>, vector<16xf32>,
        tpu.vector_store %arg10[%parallel_loop3A_180], %parallel_loop3A_177 {strides = array<i32>} : memref<32768xf32, #tpu.memory_space<vmem>>, vector<16xf32>,
        %parallel_loop3A_182 = arith.constant 48 : i32
        %parallel_loop3A_183 = arith.addi %parallel_loop3A_143, %parallel_loop3A_182 : i32
        %parallel_loop3A_184 = arith.index_cast %parallel_loop3A_183 : i32 to index
        %parallel_loop3A_185 = tpu.vector_load %arg7[%parallel_loop3A_184] {strides = array<i32>} : memref<28672xf32, #tpu.memory_space<vmem>>, vector<16xf32>,
        %parallel_loop3A_186 = arith.constant 48 : i32
        %parallel_loop3A_187 = arith.addi %parallel_loop3A_157, %parallel_loop3A_186 : i32
        %parallel_loop3A_188 = arith.index_cast %parallel_loop3A_187 : i32 to index
        %parallel_loop3A_189 = tpu.vector_load %arg10[%parallel_loop3A_188] {strides = array<i32>} : memref<32768xf32, #tpu.memory_space<vmem>>, vector<16xf32>,
        tpu.vector_store %arg10[%parallel_loop3A_188], %parallel_loop3A_185 {strides = array<i32>} : memref<32768xf32, #tpu.memory_space<vmem>>, vector<16xf32>,
        %parallel_loop3A_190 = arith.constant 64 : i32
        %parallel_loop3A_191 = arith.addi %parallel_loop3A_143, %parallel_loop3A_190 : i32
        %parallel_loop3A_192 = arith.index_cast %parallel_loop3A_191 : i32 to index
        %parallel_loop3A_193 = tpu.vector_load %arg7[%parallel_loop3A_192] {strides = array<i32>} : memref<28672xf32, #tpu.memory_space<vmem>>, vector<16xf32>,
        %parallel_loop3A_194 = arith.constant 64 : i32
        %parallel_loop3A_195 = arith.addi %parallel_loop3A_157, %parallel_loop3A_194 : i32
        %parallel_loop3A_196 = arith.index_cast %parallel_loop3A_195 : i32 to index
        %parallel_loop3A_197 = tpu.vector_load %arg10[%parallel_loop3A_196] {strides = array<i32>} : memref<32768xf32, #tpu.memory_space<vmem>>, vector<16xf32>,
        tpu.vector_store %arg10[%parallel_loop3A_196], %parallel_loop3A_193 {strides = array<i32>} : memref<32768xf32, #tpu.memory_space<vmem>>, vector<16xf32>,
        %parallel_loop3A_198 = arith.constant 80 : i32
        %parallel_loop3A_199 = arith.addi %parallel_loop3A_143, %parallel_loop3A_198 : i32
        %parallel_loop3A_200 = arith.index_cast %parallel_loop3A_199 : i32 to index
        %parallel_loop3A_201 = tpu.vector_load %arg7[%parallel_loop3A_200] {strides = array<i32>} : memref<28672xf32, #tpu.memory_space<vmem>>, vector<16xf32>,
        %parallel_loop3A_202 = arith.constant 80 : i32
        %parallel_loop3A_203 = arith.addi %parallel_loop3A_149, %parallel_loop3A_202 : i32
        %parallel_loop3A_204 = arith.index_cast %parallel_loop3A_203 : i32 to index
        %parallel_loop3A_205 = tpu.vector_load %arg7[%parallel_loop3A_204] {strides = array<i32>} : memref<28672xf32, #tpu.memory_space<vmem>>, vector<16xf32>,
        %parallel_loop3A_206 = arith.constant 6 : i32
        %parallel_loop3A_207 = vector.broadcast %parallel_loop3A_206 : i32 to vector<16xi32>
        %parallel_loop3A_208 = arith.cmpi slt, %iota3A, %parallel_loop3A_207 : vector<16xi32>
        %parallel_loop3A_209 = arith.select %parallel_loop3A_208, %parallel_loop3A_201, %parallel_loop3A_205 : vector<16xi1>, vector<16xf32>
        %parallel_loop3A_210 = arith.constant 80 : i32
        %parallel_loop3A_211 = arith.addi %parallel_loop3A_157, %parallel_loop3A_210 : i32
        %parallel_loop3A_212 = arith.index_cast %parallel_loop3A_211 : i32 to index
        %parallel_loop3A_213 = tpu.vector_load %arg10[%parallel_loop3A_212] {strides = array<i32>} : memref<32768xf32, #tpu.memory_space<vmem>>, vector<16xf32>,
        tpu.vector_store %arg10[%parallel_loop3A_212], %parallel_loop3A_209 {strides = array<i32>} : memref<32768xf32, #tpu.memory_space<vmem>>, vector<16xf32>,
        %parallel_loop3A_214 = arith.constant 96 : i32
        %parallel_loop3A_215 = arith.addi %parallel_loop3A_149, %parallel_loop3A_214 : i32
        %parallel_loop3A_216 = arith.index_cast %parallel_loop3A_215 : i32 to index
        %parallel_loop3A_217 = tpu.vector_load %arg7[%parallel_loop3A_216] {strides = array<i32>} : memref<28672xf32, #tpu.memory_space<vmem>>, vector<16xf32>,
        %parallel_loop3A_218 = arith.constant 96 : i32
        %parallel_loop3A_219 = arith.addi %parallel_loop3A_157, %parallel_loop3A_218 : i32
        %parallel_loop3A_220 = arith.index_cast %parallel_loop3A_219 : i32 to index
        %parallel_loop3A_221 = tpu.vector_load %arg10[%parallel_loop3A_220] {strides = array<i32>} : memref<32768xf32, #tpu.memory_space<vmem>>, vector<16xf32>,
        tpu.vector_store %arg10[%parallel_loop3A_220], %parallel_loop3A_217 {strides = array<i32>} : memref<32768xf32, #tpu.memory_space<vmem>>, vector<16xf32>,
        %parallel_loop3A_222 = arith.constant 112 : i32
        %parallel_loop3A_223 = arith.addi %parallel_loop3A_149, %parallel_loop3A_222 : i32
        %parallel_loop3A_224 = arith.index_cast %parallel_loop3A_223 : i32 to index
        %parallel_loop3A_225 = tpu.vector_load %arg7[%parallel_loop3A_224] {strides = array<i32>} : memref<28672xf32, #tpu.memory_space<vmem>>, vector<16xf32>,
        %parallel_loop3A_226 = arith.constant 112 : i32
        %parallel_loop3A_227 = arith.addi %parallel_loop3A_157, %parallel_loop3A_226 : i32
        %parallel_loop3A_228 = arith.index_cast %parallel_loop3A_227 : i32 to index
        %parallel_loop3A_229 = tpu.vector_load %arg10[%parallel_loop3A_228] {strides = array<i32>} : memref<32768xf32, #tpu.memory_space<vmem>>, vector<16xf32>,
        tpu.vector_store %arg10[%parallel_loop3A_228], %parallel_loop3A_225 {strides = array<i32>} : memref<32768xf32, #tpu.memory_space<vmem>>, vector<16xf32>,
        %parallel_loop3A_230 = arith.constant 128 : i32
        %parallel_loop3A_231 = arith.addi %parallel_loop3A_149, %parallel_loop3A_230 : i32
        %parallel_loop3A_232 = arith.index_cast %parallel_loop3A_231 : i32 to index
        %parallel_loop3A_233 = tpu.vector_load %arg7[%parallel_loop3A_232] {strides = array<i32>} : memref<28672xf32, #tpu.memory_space<vmem>>, vector<16xf32>,
        %parallel_loop3A_234 = arith.constant 128 : i32
        %parallel_loop3A_235 = arith.addi %parallel_loop3A_157, %parallel_loop3A_234 : i32
        %parallel_loop3A_236 = arith.index_cast %parallel_loop3A_235 : i32 to index
        %parallel_loop3A_237 = tpu.vector_load %arg10[%parallel_loop3A_236] {strides = array<i32>} : memref<32768xf32, #tpu.memory_space<vmem>>, vector<16xf32>,
        tpu.vector_store %arg10[%parallel_loop3A_236], %parallel_loop3A_233 {strides = array<i32>} : memref<32768xf32, #tpu.memory_space<vmem>>, vector<16xf32>,
        %parallel_loop3A_238 = arith.constant 144 : i32
        %parallel_loop3A_239 = arith.addi %parallel_loop3A_149, %parallel_loop3A_238 : i32
        %parallel_loop3A_240 = arith.index_cast %parallel_loop3A_239 : i32 to index
        %parallel_loop3A_241 = tpu.vector_load %arg7[%parallel_loop3A_240] {strides = array<i32>} : memref<28672xf32, #tpu.memory_space<vmem>>, vector<16xf32>,
        %parallel_loop3A_242 = arith.constant 144 : i32
        %parallel_loop3A_243 = arith.addi %parallel_loop3A_157, %parallel_loop3A_242 : i32
        %parallel_loop3A_244 = arith.index_cast %parallel_loop3A_243 : i32 to index
        %parallel_loop3A_245 = tpu.vector_load %arg10[%parallel_loop3A_244] {strides = array<i32>} : memref<32768xf32, #tpu.memory_space<vmem>>, vector<16xf32>,
        tpu.vector_store %arg10[%parallel_loop3A_244], %parallel_loop3A_241 {strides = array<i32>} : memref<32768xf32, #tpu.memory_space<vmem>>, vector<16xf32>,
        %parallel_loop3A_246 = arith.constant 160 : i32
        %parallel_loop3A_247 = arith.addi %parallel_loop3A_149, %parallel_loop3A_246 : i32
        %parallel_loop3A_248 = arith.index_cast %parallel_loop3A_247 : i32 to index
        %parallel_loop3A_249 = tpu.vector_load %arg7[%parallel_loop3A_248] {strides = array<i32>} : memref<28672xf32, #tpu.memory_space<vmem>>, vector<16xf32>,
        %parallel_loop3A_250 = arith.constant 160 : i32
        %parallel_loop3A_251 = arith.addi %parallel_loop3A_155, %parallel_loop3A_250 : i32
        %parallel_loop3A_252 = arith.index_cast %parallel_loop3A_251 : i32 to index
        %parallel_loop3A_253 = tpu.vector_load %arg7[%parallel_loop3A_252] {strides = array<i32>} : memref<28672xf32, #tpu.memory_space<vmem>>, vector<16xf32>,
        %parallel_loop3A_254 = arith.constant 12 : i32
        %parallel_loop3A_255 = vector.broadcast %parallel_loop3A_254 : i32 to vector<16xi32>
        %parallel_loop3A_256 = arith.cmpi slt, %iota3A, %parallel_loop3A_255 : vector<16xi32>
        %parallel_loop3A_257 = arith.select %parallel_loop3A_256, %parallel_loop3A_249, %parallel_loop3A_253 : vector<16xi1>, vector<16xf32>
        %parallel_loop3A_258 = arith.constant 160 : i32
        %parallel_loop3A_259 = arith.addi %parallel_loop3A_157, %parallel_loop3A_258 : i32
        %parallel_loop3A_260 = arith.index_cast %parallel_loop3A_259 : i32 to index
        %parallel_loop3A_261 = tpu.vector_load %arg10[%parallel_loop3A_260] {strides = array<i32>} : memref<32768xf32, #tpu.memory_space<vmem>>, vector<16xf32>,
        tpu.vector_store %arg10[%parallel_loop3A_260], %parallel_loop3A_257 {strides = array<i32>} : memref<32768xf32, #tpu.memory_space<vmem>>, vector<16xf32>,
        %parallel_loop3A_262 = arith.constant 176 : i32
        %parallel_loop3A_263 = arith.addi %parallel_loop3A_155, %parallel_loop3A_262 : i32
        %parallel_loop3A_264 = arith.index_cast %parallel_loop3A_263 : i32 to index
        %parallel_loop3A_265 = tpu.vector_load %arg7[%parallel_loop3A_264] {strides = array<i32>} : memref<28672xf32, #tpu.memory_space<vmem>>, vector<16xf32>,
        %parallel_loop3A_266 = arith.constant 176 : i32
        %parallel_loop3A_267 = arith.addi %parallel_loop3A_157, %parallel_loop3A_266 : i32
        %parallel_loop3A_268 = arith.index_cast %parallel_loop3A_267 : i32 to index
        %parallel_loop3A_269 = tpu.vector_load %arg10[%parallel_loop3A_268] {strides = array<i32>} : memref<32768xf32, #tpu.memory_space<vmem>>, vector<16xf32>,
        tpu.vector_store %arg10[%parallel_loop3A_268], %parallel_loop3A_265 {strides = array<i32>} : memref<32768xf32, #tpu.memory_space<vmem>>, vector<16xf32>,
        %parallel_loop3A_270 = arith.constant 192 : i32
        %parallel_loop3A_271 = arith.addi %parallel_loop3A_155, %parallel_loop3A_270 : i32
        %parallel_loop3A_272 = arith.index_cast %parallel_loop3A_271 : i32 to index
        %parallel_loop3A_273 = tpu.vector_load %arg7[%parallel_loop3A_272] {strides = array<i32>} : memref<28672xf32, #tpu.memory_space<vmem>>, vector<16xf32>,
        %parallel_loop3A_274 = arith.constant 192 : i32
        %parallel_loop3A_275 = arith.addi %parallel_loop3A_157, %parallel_loop3A_274 : i32
        %parallel_loop3A_276 = arith.index_cast %parallel_loop3A_275 : i32 to index
        %parallel_loop3A_277 = tpu.vector_load %arg10[%parallel_loop3A_276] {strides = array<i32>} : memref<32768xf32, #tpu.memory_space<vmem>>, vector<16xf32>,
        tpu.vector_store %arg10[%parallel_loop3A_276], %parallel_loop3A_273 {strides = array<i32>} : memref<32768xf32, #tpu.memory_space<vmem>>, vector<16xf32>,
        %parallel_loop3A_278 = arith.constant 208 : i32
        %parallel_loop3A_279 = arith.addi %parallel_loop3A_155, %parallel_loop3A_278 : i32
        %parallel_loop3A_280 = arith.index_cast %parallel_loop3A_279 : i32 to index
        %parallel_loop3A_281 = tpu.vector_load %arg7[%parallel_loop3A_280] {strides = array<i32>} : memref<28672xf32, #tpu.memory_space<vmem>>, vector<16xf32>,
        %parallel_loop3A_282 = arith.constant 208 : i32
        %parallel_loop3A_283 = arith.addi %parallel_loop3A_157, %parallel_loop3A_282 : i32
        %parallel_loop3A_284 = arith.index_cast %parallel_loop3A_283 : i32 to index
        %parallel_loop3A_285 = tpu.vector_load %arg10[%parallel_loop3A_284] {strides = array<i32>} : memref<32768xf32, #tpu.memory_space<vmem>>, vector<16xf32>,
        tpu.vector_store %arg10[%parallel_loop3A_284], %parallel_loop3A_281 {strides = array<i32>} : memref<32768xf32, #tpu.memory_space<vmem>>, vector<16xf32>,
        %parallel_loop3A_286 = arith.constant 224 : i32
        %parallel_loop3A_287 = arith.addi %parallel_loop3A_155, %parallel_loop3A_286 : i32
        %parallel_loop3A_288 = arith.index_cast %parallel_loop3A_287 : i32 to index
        %parallel_loop3A_289 = tpu.vector_load %arg7[%parallel_loop3A_288] {strides = array<i32>} : memref<28672xf32, #tpu.memory_space<vmem>>, vector<16xf32>,
        %parallel_loop3A_290 = arith.constant 224 : i32
        %parallel_loop3A_291 = arith.addi %parallel_loop3A_157, %parallel_loop3A_290 : i32
        %parallel_loop3A_292 = arith.index_cast %parallel_loop3A_291 : i32 to index
        %parallel_loop3A_293 = tpu.vector_load %arg10[%parallel_loop3A_292] {strides = array<i32>} : memref<32768xf32, #tpu.memory_space<vmem>>, vector<16xf32>,
        tpu.vector_store %arg10[%parallel_loop3A_292], %parallel_loop3A_289 {strides = array<i32>} : memref<32768xf32, #tpu.memory_space<vmem>>, vector<16xf32>,
        %parallel_loop3A_294 = arith.constant 240 : i32
        %parallel_loop3A_295 = arith.addi %parallel_loop3A_155, %parallel_loop3A_294 : i32
        %parallel_loop3A_296 = arith.index_cast %parallel_loop3A_295 : i32 to index
        %parallel_loop3A_297 = tpu.vector_load %arg7[%parallel_loop3A_296] {strides = array<i32>} : memref<28672xf32, #tpu.memory_space<vmem>>, vector<16xf32>,
        %parallel_loop3A_298 = arith.constant 240 : i32
        %parallel_loop3A_299 = arith.addi %parallel_loop3A_157, %parallel_loop3A_298 : i32
        %parallel_loop3A_300 = arith.index_cast %parallel_loop3A_299 : i32 to index
        %parallel_loop3A_301 = tpu.vector_load %arg10[%parallel_loop3A_300] {strides = array<i32>} : memref<32768xf32, #tpu.memory_space<vmem>>, vector<16xf32>,
        tpu.vector_store %arg10[%parallel_loop3A_300], %parallel_loop3A_297 {strides = array<i32>} : memref<32768xf32, #tpu.memory_space<vmem>>, vector<16xf32>,
      } {sc.loop_unroll_factor = 1 : i64, sc.parallel_access}
      %mul3A_123 = arith.constant 128 : i32
      %mul3A_124 = arith.muli %add3A_114, %mul3A_123 : i32
      %add3A_125 = arith.addi %add3A_77, %mul3A_124 : i32
      %mul3A_126 = arith.constant 256 : i32
      %mul3A_127 = arith.muli %add3A_125, %mul3A_126 : i32
      %dma_start3A_128 = tpu.memref_slice %arg6[%mul3A_127] : memref<47104000xf32, #tpu.memory_space<hbm>> -> memref<32768xf32, #tpu.memory_space<hbm>>
      %dma_start3A_129 = tpu.memref_slice %arg6[%mul3A_127] : memref<47104000xf32, #tpu.memory_space<hbm>> -> memref<32768xf32, #tpu.memory_space<hbm>>
      tpu.enqueue_dma source(%arg10 : memref<32768xf32, #tpu.memory_space<vmem>>) target(%dma_start3A_129 : memref<32768xf32, #tpu.memory_space<hbm>>) target_semaphore(%arg12 : memref<!tpu.dma_semaphore, #tpu.memory_space<semaphore_mem>>)
    }
    %scan3A_82 = arith.constant 19 : i32
    %dma_wait3A_83 = arith.constant 0 : i32
    %dma_wait3A_84 = tpu.memref_slice %arg6[%dma_wait3A_83] : memref<47104000xf32, #tpu.memory_space<hbm>> -> memref<32768xf32, #tpu.memory_space<hbm>>
    %dma_wait3A_85 = arith.constant 0 : i32
    %dma_wait3A_86 = tpu.memref_slice %arg6[%dma_wait3A_85] : memref<47104000xf32, #tpu.memory_space<hbm>> -> memref<32768xf32, #tpu.memory_space<hbm>>
    tpu.wait_dma2 semaphore(%arg11 : memref<!tpu.dma_semaphore, #tpu.memory_space<semaphore_mem>>) src(%arg9 : memref<32768xf32, #tpu.memory_space<vmem>>) dst(%dma_wait3A_86 : memref<32768xf32, #tpu.memory_space<hbm>>)
    %dma_wait3A_87 = arith.constant 0 : i32
    %dma_wait3A_88 = tpu.memref_slice %arg6[%dma_wait3A_87] : memref<47104000xf32, #tpu.memory_space<hbm>> -> memref<32768xf32, #tpu.memory_space<hbm>>
    %dma_wait3A_89 = arith.constant 0 : i32
    %dma_wait3A_90 = tpu.memref_slice %arg6[%dma_wait3A_89] : memref<47104000xf32, #tpu.memory_space<hbm>> -> memref<32768xf32, #tpu.memory_space<hbm>>
    tpu.wait_dma2 semaphore(%arg12 : memref<!tpu.dma_semaphore, #tpu.memory_space<semaphore_mem>>) src(%arg10 : memref<32768xf32, #tpu.memory_space<vmem>>) dst(%dma_wait3A_90 : memref<32768xf32, #tpu.memory_space<hbm>>)
    return
  }
}

</mosaic_0001>

<sc_bundles>
// kernel: kernel.3.cloned.1.call-start
scs
__scs_entry_jumppad:
0x0: {  	(pc) =	sbr.rel $0x88, $3  }
0x1: {  	(tag) =	ssettag $0x0;
	lr =	simm.s32 $0x1  }
0x2: {  	[smem:$0x3F9D] =	sst lr;
	_ =	strace $0xD0000000  }
0x3: {  	_ = 	snop  }
0x4: {  	_ = 	snop  }
0x5: {  	_ = 	snop  }
0x6: {  	_ = 	snop  }
0x7: {  	_ = 	snop  }
__scs_overlays_trampoline_lowered:
0x8: {  	[smem:$0x3FAC] =	sst s0  }
0x9: {  	[smem:$0x3FAD] =	sst s1  }
0xa: {  	[smem:$0x3FAE] =	sst s2  }
0xb: {  	[smem:$0x3FAF] =	sst s3  }
0xc: {  	[smem:$0x3FB0] =	sst s4  }
0xd: {  	[smem:$0x3FB1] =	sst s5  }
0xe: {  	[smem:$0x3FB2] =	sst s6  }
0xf: {  	[smem:$0x3FB3] =	sst s7  }
0x10: {  	[smem:$0x3FB4] =	sst s8  }
0x11: {  	[smem:$0x3FB5] =	sst s9;
	s0 =	simm.s32 @!p0 $0x0  }
0x12: {  	s1 =	sld [smem:$0x3F9B];
	s0 =	simm.s32 @p0 $0x1  }
0x13: {  	[smem:$0x3FB6] =	sst s0;
	s0 =	simm.s32 @!p1 $0x0  }
0x14: {  	s2 =	sld [smem:$0x3F9A];
	s0 =	simm.s32 @p1 $0x1  }
0x15: {  	[smem:$0x3FB7] =	sst s0;
	s0 =	simm.s32 @!p2 $0x0  }
0x16: {  	s3 =	sld [smem:$0x3FDB];
	s0 =	simm.s32 @p2 $0x1  }
0x17: {  	s4 =	simm.s32 $0x1BF5;
	[smem:$0x3FB9] =	sst s0  }
0x18: {  	s0 =	sld [smem:$0x3F9C];
	_ =	swait.ge [sflag:s4], $0x0  }
0x19: {  	s7 =	sld [smem:$0x3F9D]  }
0x1a: {  	s8 =	sadd.s32 $0xFFFFE003, lr  }
0x1b: {  	s9 =	sadd.s32 $0xFFFFFEF7, lr;
	s5 =	simm.s32 $0xFFFFFFFF;
	p2 =	slt.u32 s8, $0xFFFFF086  }
0x1c: {  	p1 =	slt.u32 s9, $0xF7A;
	s5 =	simm.s32 @!p2 $0x0  }
0x1d: {  	s5 =	simm.s32 @p1 $0x1;
	p0 =	seq.s32 s7, s2  }
0x1e: {  	s7 =	smul.u32 @!p0 $0xF7A, s2;
	p2 =	seq.s32 @!p0 s5, $0x0  }
0x1f: {  	s9 =	smul.u32 $0xF7A, s1;
	s8 =	simm.s32 @!p0 $0x1BF5;
	p2 =	por !p2, p0  }
0x20: {  	[sflag:s8] =	ssyncset.s32 @!p0 $0xFFFFF086;
	s6 =	sadd.s32 @!p0 s3, s7;
	s7 =	simm.s32 @!p0 $0x108  }
0x21: {  	s3 =	sadd.s32 s3, s9;
	s6 =	sadd.s32 @!p0 $0x88, s6;
	s7 =	simm.s32 @p2 $0x1082  }
0x22: {  	[simem:s7], [sflag:s8] =	dma.local @!p0 [hbm:s6], $0xF7A  }
0x23: {  	s9 =	sor.u32 $0xD0000000, s2;
	s6 =	simm.s32 $0x108;
	_ =	swait.ge @!p0 [sflag:s8], $0x0  }
0x24: {  	s3 =	sadd.s32 $0x88, s3;
	s6 =	simm.s32 @!p1 $0x1082;
	[sflag:s4] =	ssyncset.s32 $0xFFFFF086  }
0x25: {  	[simem:s6], [sflag:s4] =	dma.local [hbm:s3], $0xF7A  }
0x26: {  	[smem:$0x3F9D] =	sst s1;
	(tag) =	ssettag s2;
	_ =	strace s9  }
0x27: {  	s1 =	sld [smem:$0x3FAD]  }
0x28: {  	s2 =	sld [smem:$0x3FAE]  }
0x29: {  	s4 =	sld [smem:$0x3FB0]  }
0x2a: {  	p0 =	seq.s32 s5, $0x0;
	s5 =	sld [smem:$0x3FB1]  }
0x2b: {  	s6 =	sld [smem:$0x3FB2]  }
0x2c: {  	s7 =	sld [smem:$0x3FB3]  }
0x2d: {  	s3 =	simm.s32 $0x108;
	s8 =	sld [smem:$0x3FB4]  }
0x2e: {  	s3 =	simm.s32 @!p0 $0x1082;
	s9 =	sld [smem:$0x3FB5]  }
0x2f: {  	lr =	sadd.s32 s0, s3;
	s0 =	sld [smem:$0x3FAC]  }
0x30: {  	s3 =	sld [smem:$0x3FAF]  }
0x31: {  	[smem:$0x3FB8] =	sst s10  }
0x32: {  	s10 =	sld [smem:$0x3FB6];
	_ =	sdelay $0x3  }
0x33: {  	p0 =	seq.s32 s10, $0x1;
	s10 =	sld [smem:$0x3FB8];
	_ =	sdelay $0x3  }
0x34: {  	[smem:$0x3FB8] =	sst s10  }
0x35: {  	s10 =	sld [smem:$0x3FB7];
	_ =	sdelay $0x3  }
0x36: {  	p1 =	seq.s32 s10, $0x1;
	s10 =	sld [smem:$0x3FB8];
	_ =	sdelay $0x3  }
0x37: {  	[smem:$0x3FB8] =	sst s10  }
0x38: {  	s10 =	sld [smem:$0x3FB9]  }
0x39: {  	_ = 	snop;
	(pc) =	sbr.ind lr, $3  }
0x3a: {  	_ = 	snop  }
0x3b: {  	_ = 	snop  }
0x3c: {  	p2 =	seq.s32 s10, $0x1;
	s10 =	sld [smem:$0x3FB8]  }
0x3d: {  	_ =	shalt  }
0x3e: {  	_ =	shalt  }
0x3f: {  	_ =	shalt  }
0x40: {  	_ =	shalt  }
0x41: {  	_ =	shalt  }
0x42: {  	_ =	shalt  }
0x43: {  	_ =	shalt  }
0x44: {  	_ =	shalt  }
0x45: {  	_ =	shalt  }
0x46: {  	_ =	shalt  }
0x47: {  	_ =	shalt  }
0x48: {  	_ =	shalt  }
0x49: {  	_ =	shalt  }
0x4a: {  	_ =	shalt  }
0x4b: {  	_ =	shalt  }
0x4c: {  	_ =	shalt  }
0x4d: {  	_ =	shalt  }
0x4e: {  	_ =	shalt  }
0x4f: {  	_ =	shalt  }
0x50: {  	_ =	shalt  }
0x51: {  	_ =	shalt  }
0x52: {  	_ =	shalt  }
0x53: {  	_ =	shalt  }
0x54: {  	_ =	shalt  }
0x55: {  	_ =	shalt  }
0x56: {  	_ =	shalt  }
0x57: {  	_ =	shalt  }
0x58: {  	_ =	shalt  }
0x59: {  	_ =	shalt  }
0x5a: {  	_ =	shalt  }
0x5b: {  	_ =	shalt  }
0x5c: {  	_ =	shalt  }
0x5d: {  	_ =	shalt  }
0x5e: {  	_ =	shalt  }
0x5f: {  	_ =	shalt  }
0x60: {  	_ =	shalt  }
0x61: {  	_ =	shalt  }
0x62: {  	_ =	shalt  }
0x63: {  	_ =	shalt  }
0x64: {  	_ =	shalt  }
0x65: {  	_ =	shalt  }
0x66: {  	_ =	shalt  }
0x67: {  	_ =	shalt  }
0x68: {  	_ =	shalt  }
0x69: {  	_ =	shalt  }
0x6a: {  	_ =	shalt  }
0x6b: {  	_ =	shalt  }
0x6c: {  	_ =	shalt  }
0x6d: {  	_ =	shalt  }
0x6e: {  	_ =	shalt  }
0x6f: {  	_ =	shalt  }
0x70: {  	_ =	shalt  }
0x71: {  	_ =	shalt  }
0x72: {  	_ =	shalt  }
0x73: {  	_ =	shalt  }
0x74: {  	_ =	shalt  }
0x75: {  	_ =	shalt  }
0x76: {  	_ =	shalt  }
0x77: {  	_ =	shalt  }
0x78: {  	_ =	shalt  }
0x79: {  	_ =	shalt  }
0x7a: {  	_ =	shalt  }
0x7b: {  	_ =	shalt  }
0x7c: {  	_ =	shalt  }
0x7d: {  	_ =	shalt  }
0x7e: {  	_ =	shalt  }
0x7f: {  	_ =	shalt  }
0x80: {  	_ =	shalt  }
0x81: {  	_ =	shalt  }
0x82: {  	_ =	shalt  }
0x83: {  	_ =	shalt  }
0x84: {  	_ =	shalt  }
0x85: {  	_ =	shalt  }
0x86: {  	_ =	shalt  }
0x87: {  	_ =	shalt  }
.Lfunc_end0:
.L_simem_size_0:
called_computation_lowered:
.L_overlay_start_0:
0x88: {  	s2 =	sld [smem:$0x3FD9]  }
0x89: {  	s3 =	sld [smem:$0x3FFE];
	_ =	sdelay $0x1  }
0x8a: {  	s1 =	srdreg.scid  }
0x8b: {  	s0 =	sand.u32 $0x1, s1  }
0x8c: {  	s16 =	sshll.u32 s0, $0xA;
	s2 =	sadd.s32 s3, s2  }
0x8d: {  	s2 =	sadd.s32 s2, s16  }
0x8e: {  	[smem:$0x3FC4] =	sst s2  }
0x8f: {  	_ = 	snop  }
0x90: {  	(tm) =	ssettm $0x1  }
0x91: {  	s17 =	sld [smem:$0x3FFB];
	_ =	sdelay $0x3  }
0x92: {  	_ =	strace s17  }
0x93: {  	s2 =	sld [smem:$0x3FFC];
	_ =	sdelay $0x3  }
0x94: {  	_ =	strace s2  }
0x95: {  	s2 =	sld [smem:$0x3FFD];
	_ =	sdelay $0x3  }
0x96: {  	_ =	strace s2  }
0x97: {  	_ =	strace $0x8FFFFFFF  }
0x98: {  	s18 =	sld [smem:$0x3FDB];
	_ =	sdelay $0x1  }
0x99: {  	s19 =	simm.s32 $_scs_section_size  }
0x9a: {  	s4 =	simm.s32 $_size__tile_overlayer_lowered;
	s5 =	simm.s32 $_tile_overlayer_lowered  }
0x9b: {  	s22 =	simm.s32 $0x1BFF;
	s21 =	sshll.u32 s5, $0x1;
	s2 =	sadd.s32 s19, s18  }
0x9c: {  	s6 =	simm.s32 $0x0;
	s20 =	sshll.u32 s4, $0x1;
	s4 =	sadd.s32 s21, s2  }
0x9d: {  	[timem:s6], [sflag:s22] =	dma.local [hbm:s4], s20  }
0x9e: {  	_ =	swait.ge [sflag:s22], s20  }
0x9f: {  	s3 =	ssub.s32 $0x0, s20;
	[sflag:s22] =	ssyncset.done $0x0  }
0xa0: {  	[sflag:s22] =	ssyncadd.s32 s3;
	_ =	sdelay $0x1  }
0xa1: {  	s23 =	simm.s32 $0x1B8B  }
0xa2: {  	_ =	swait.ge [sflag:s23], $0x1  }
0xa3: {  	[sflag:s23] =	ssyncset.done $0x0  }
0xa4: {  	s25 =	simm.s32 $0x1B8E;
	s24 =	sld [smem:$0x3FFE];
	[sflag:s23] =	ssyncadd.s32 $0xFFFFFFFF  }
0xa5: {  	s26 =	simm.s32 $execute0_lowered;
	[smem:$0x3FD2] =	sst s25  }
0xa6: {  	s4 =	sshll.u32 s26, $0x1;
	_ =	strace $0x80000046;
	[dreg:$0x1] =	wrdreg $0xFFFFFFFF  }
0xa7: {  	s28 =	simm.s32 $_size_execute0_lowered;
	s2 =	sadd.s32 s2, s4;
	[dreg:$0x0] =	wrdreg $0x0  }
0xa8: {  	s4 =	sshll.u32 s28, $0x1;
	[dreg:$0x2] =	wrdreg s2  }
0xa9: {  	[dreg:$0x3] =	wrdreg s4  }
0xaa: {  	[dreg:$0x4] =	wrdreg $0xC0  }
0xab: {  	_ =	task [dreg:s6], $0x5FFFF  }
0xac: {  	[dreg:$0x1] =	wrdreg $0xFFFFFFFF  }
0xad: {  	[dreg:$0x0] =	wrdreg $0x60  }
0xae: {  	[dreg:$0x2] =	wrdreg s24  }
0xaf: {  	[dreg:$0x3] =	wrdreg $0x9  }
0xb0: {  	_ =	task.clear_ibuf [dreg:s6], $0x4FFFF;
	_ =	strace $0x90000046  }
0xb1: {  	s29 =	simm.s32 $0x9;
	_ =	strace $0x80000048  }
0xb2: {  	_ =	swait.ge [sflag:s29], $0x1  }
0xb3: {  	[sflag:s29] =	ssyncadd.s32 $0xFFFFFFFF  }
0xb4: {  	_ =	strace $0x90000048  }
0xb5: {  	_ =	sfence  }
0xb6: {  	s30 =	sld [smem:$0x0];
	_ =	sdelay $0x2  }
0xb7: {  	s31 =	sshll.u32 s1, $0xD;
	s1 =	sshrl.u32 s1, $0x2  }
0xb8: {  	s3 =	sand.u32 $0x4000, s31;
	s1 =	sadd.s32 s1, s30  }
0xb9: {  	s0 =	sor.u32 s3, s0;
	s1 =	sshll.u32 s1, $0x11  }
0xba: {  	s0 =	sor.u32 s1, s0  }
0xbb: {  	s0 =	sadd.s32 $0x8F2B, s0  }
0xbc: {  	[sflag:s0] =	ssyncadd.remote.s32 $0x1  }
0xbd: {  	_ =	sfence.sel $0xFFFF  }
0xbe: {  	[dreg:$0x0] =	wrdreg $0xFFFFFFFF;
	(pc) =	sbr.abs _section_cstart, $3  }
0xbf: {  	[dreg:$0x1] =	wrdreg $0xFFFFFFFF  }
0xc0: {  	_ =	task.clear_ibuf [dreg:s6], $0x2FFFF;
	_ =	strace $0x9FFFFFFF  }
0xc1: {  	(tm) =	ssettm $0x7FFFFFFF  }
tec
execute0_lowered:
.L_overlay_start_1:
0x0: {  	(tag) =	ssettag $0x1  }
0x1: {  	s0 =	srdreg.scid;
	s1 =	stileid.u32  }
0x2: {  	s3 =	rddreg [dreg:$0x0];
	s12 =	simm.s32 $0x3;
	s14 =	simm.s32 $0xA980  }
0x3: {  	s15 =	simm.s32 $0x12980;
	s0 =	sand.u32 $0x1, s0;
	s1 =	sshll.u32 s1, $0x1  }
0x4: {  	s18 =	simm.s32 $0x0;
	s10 =	sadd.s32 $0x12400, s3;
	s1 =	sor.u32 s0, s1  }
0x5: {  	s0 =	ssub.s32 $0x2, s0;
	s2 =	sshll.u32 s1, $0x8;
	s24 =	sshll.u32 s1, $0xA  }
0x6: {  	s1 =	smul.u32 $0x1300, s1;
	s25 =	sshrl.u32 s0, $0x1;
	s4 =	smin.u32 s2, $0xEA0  }
0x7: {  	s6 =	smin.u32 s24, $0x7130;
	s2 =	simm.s32 $0x0;
	s5 =	smul.u32 $0x3, s4  }
0x8: {  	s0 =	ssub.s32 s0, s25;
	s7 =	smul.u32 $0x3, s6;
	s1 =	smin.u32 s1, $0x236F0  }
0x9: {  	[smem:$0x7FF] =	sst s2;
	s4 =	sshll.u32 s4, $0x5;
	s0 =	smax.u32 s0, $0x1  }
0xa: {  	s8 =	smul.u32 $0x3, s1;
	_ =	strace $0x80000047;
	s26 =	sadd.s32 s10, s4  }
0xb: {  	[dreg:$0x8] =	wrdreg s0;
	s5 =	sshrl.u32 s5, $0x3;
	s7 =	sshrl.u32 s7, $0x3  }
0xc: {  	[dreg:$0x3] =	wrdreg s26;
	s5 =	sadd.s32 s5, s3;
	s8 =	sshrl.u32 s8, $0x3  }
0xd: {  	s7 =	sadd.s32 s7, s3;
	s9 =	sadd.s32 s8, s3;
	s3 =	sadd.s32 $0x800, s3  }
0xe: {  	s29 =	sshll.u32 s6, $0x5;
	s28 =	sadd.s32 $0x1600, s5;
	[dreg:$0x2] =	wrdreg s3  }
0xf: {  	s1 =	sshll.u32 s1, $0x5;
	s30 =	sadd.s32 $0x1C00, s7;
	[dreg:$0x4] =	wrdreg s28  }
0x10: {  	s1 =	sadd.s32 s10, s1;
	s3 =	sadd.s32 $0x1000, s26;
	[dreg:$0x6] =	wrdreg s30  }
0x11: {  	s31 =	sadd.s32 $0x4800, s9;
	[dreg:$0x5] =	wrdreg s3;
	s3 =	sadd.s32 s10, s29  }
0x12: {  	vm0 =	vmmov $0x3f;
	vm1 =	vmmov $0xfff;
	[dreg:$0x7] =	wrdreg s31;
	s10 =	sadd.s32 $0x109A00, s1;
	s8 =	sadd.s32 $0x1F400, s3  }
.LBB2_1:
0x13: {  	s0 =	rddreg [dreg:$0x2]  }
0x14: {  	[tilespmem:s2], [sflag:$0x3] =	stream.linear.gather [hbm4b:s0+s2], $0x7000, $0x38;
	[tilespmem:$0x1A980] =	vst v63  }
0x15: {  	_ =	swait.ge [sflag:s12], $0x7000  }
0x16: {  	[sflag:s12] =	ssyncset.done $0x0  }
0x17: {  	s1 =	simm.s32 $0x7000;
	s19 =	rddreg [dreg:$0x4];
	[sflag:s12] =	ssyncadd.s32 $0xFFFF9000  }
0x18: {  	[tilespmem:s1], [sflag:$0x3] =	stream.linear.gather [hbm4b:s19+s2], $0x300, $0x38;
	[tilespmem:$0x1A980] =	vst v63  }
0x19: {  	_ =	swait.ge [sflag:s12], $0x300  }
0x1a: {  	[sflag:s12] =	ssyncset.done $0x0  }
0x1b: {  	s20 =	simm.s32 $0x0;
	[sflag:s12] =	ssyncadd.s32 $0xFFFFFD00  }
0x1c: {  	v0 =	vld [tilespmem:s20+$0x7000];
	_ =	sdelay $0x4  }
0x1d: {  	v0 =	vshll.u32 v0, $0xA  }
0x1e: {  	v1 =	vshra.s32 v0, $0x2  }
0x1f: {  	(v2sf) =	vpush v1, $0x0;
	_ =	sdelay $0x6  }
0x20: {  	s21 =	simm.s32 $0x3  }
0x21: {  	v0 =	vld [tilespmem:s21+$0x7000];
	_ =	sdelay $0x4  }
0x22: {  	v0 =	vshll.u32 v0, $0xA  }
0x23: {  	v3 =	vshra.s32 v0, $0x2  }
0x24: {  	(v2sf) =	vpush v3, $0x0;
	s22 =	spop (v2sf)  }
0x25: {  	v0 =	vld [tilespmem:s22+$0x0];
	_ =	sdelay $0x3  }
0x26: {  	s23 =	simm.s32 $0x6;
	s21 =	simm.s32 $0xAA00  }
0x27: {  	v2 =	vld [tilespmem:s23+$0x7000];
	[tilespmem:s21+$0xFFFFFF80] =	vst v0  }
0x28: {  	v0 =	vld [tilespmem:s22+$0x10];
	_ =	sdelay $0x3  }
0x29: {  	v2 =	vshll.u32 v2, $0xA  }
0x2a: {  	v5 =	vshra.s32 v2, $0x2;
	(v2sf) =	vpush v1, $0x1;
	[tilespmem:s21+$0xFFFFFF90] =	vst v0  }
0x2b: {  	(v2sf) =	vpush v5, $0x0;
	v0 =	vld [tilespmem:s22+$0x20];
	_ =	sdelay $0x1  }
0x2c: {  	s24 =	spop (v2sf)  }
0x2d: {  	v4 =	vld [tilespmem:s24+$0x0];
	_ =	sdelay $0x1  }
0x2e: {  	[tilespmem:s21+$0xFFFFFFA0] =	vst v0  }
0x2f: {  	v0 =	vld [tilespmem:s22+$0x30]  }
0x30: {  	s19 =	simm.s32 $0xAB00  }
0x31: {  	[tilespmem:s19+$0xFFFFFF80] =	vst v4  }
0x32: {  	v2 =	vld [tilespmem:s24+$0x10];
	_ =	sdelay $0x1  }
0x33: {  	[tilespmem:s21+$0xFFFFFFB0] =	vst v0  }
0x34: {  	v0 =	vld [tilespmem:s22+$0x40];
	_ =	sdelay $0x1  }
0x35: {  	s25 =	spop (v2sf);
	[tilespmem:s19+$0xFFFFFF90] =	vst v2  }
0x36: {  	s26 =	spop (v2sf);
	v2 =	vld [tilespmem:s24+$0x20]  }
0x37: {  	s3 =	simm.s32 $0x9;
	v7 =	vld [tilespmem:s26+$0x0]  }
0x38: {  	[tilespmem:s21+$0xFFFFFFC0] =	vst v0;
	v0 =	vld [tilespmem:s3+$0x7000]  }
0x39: {  	(v2sf) =	vpush v3, $0x1;
	v4 =	vld [tilespmem:s22+$0x50]  }
0x3a: {  	v6 =	vld [tilespmem:s25+$0x50]  }
0x3b: {  	[tilespmem:s19+$0xFFFFFFA0] =	vst v2  }
0x3c: {  	v2 =	vld [tilespmem:s24+$0x30];
	_ =	sdelay $0x1  }
0x3d: {  	s20 =	simm.s32 $0xAC00  }
0x3e: {  	[tilespmem:s20+$0xFFFFFF80] =	vst v7;
	v0 =	vshll.u32 v0, $0xA;
	v4 =	vsel vm0, v4, v6  }
0x3f: {  	v0 =	vshra.s32 v0, $0x2;
	v6 =	vld [tilespmem:s26+$0x10];
	[tilespmem:s21+$0xFFFFFFD0] =	vst v4  }
0x40: {  	[tilespmem:s19+$0xFFFFFFB0] =	vst v2;
	(v2sf) =	vpush v0, $0x0;
	v4 =	vld [tilespmem:s25+$0x60]  }
0x41: {  	v2 =	vld [tilespmem:s24+$0x40];
	_ =	sdelay $0x2  }
0x42: {  	[tilespmem:s20+$0xFFFFFF90] =	vst v6  }
0x43: {  	v6 =	vld [tilespmem:s26+$0x20];
	[tilespmem:s21+$0xFFFFFFE0] =	vst v4  }
0x44: {  	[tilespmem:s19+$0xFFFFFFC0] =	vst v2;
	v4 =	vld [tilespmem:s25+$0x70]  }
0x45: {  	s28 =	spop (v2sf);
	v2 =	vld [tilespmem:s24+$0x50]  }
0x46: {  	(v2sf) =	vpush v1, $0x2;
	v1 =	vld [tilespmem:s28+$0x50]  }
0x47: {  	s4 =	simm.s32 $0xC  }
0x48: {  	v7 =	vld [tilespmem:s4+$0x7000];
	(v2sf) =	vpush v5, $0x1;
	[tilespmem:s20+$0xFFFFFFA0] =	vst v6  }
0x49: {  	v6 =	vld [tilespmem:s26+$0x30];
	[tilespmem:s21+$0xFFFFFFF0] =	vst v4  }
0x4a: {  	v4 =	vld [tilespmem:s25+$0x80]  }
0x4b: {  	v1 =	vsel vm0, v2, v1  }
0x4c: {  	[tilespmem:s19+$0xFFFFFFD0] =	vst v1  }
0x4d: {  	v1 =	vld [tilespmem:s28+$0x60];
	s29 =	spop (v2sf)  }
0x4e: {  	v2 =	vshll.u32 v7, $0xA;
	v8 =	vld [tilespmem:s29+$0x0];
	[tilespmem:s20+$0xFFFFFFB0] =	vst v6  }
0x4f: {  	v2 =	vshra.s32 v2, $0x2;
	v6 =	vld [tilespmem:s26+$0x40];
	[tilespmem:s21+$0x0] =	vst v4  }
0x50: {  	(v2sf) =	vpush v2, $0x0;
	v4 =	vld [tilespmem:s25+$0x90]  }
0x51: {  	s30 =	simm.s32 $0xF  }
0x52: {  	v9 =	vld [tilespmem:s30+$0x7000];
	s22 =	simm.s32 $0xAD00;
	[tilespmem:s19+$0xFFFFFFE0] =	vst v1  }
0x53: {  	v1 =	vld [tilespmem:s28+$0x70];
	[tilespmem:s22+$0xFFFFFF80] =	vst v8  }
0x54: {  	v7 =	vld [tilespmem:s29+$0x10];
	[tilespmem:s20+$0xFFFFFFC0] =	vst v6  }
0x55: {  	v6 =	vld [tilespmem:s26+$0x50];
	[tilespmem:s21+$0x10] =	vst v4  }
0x56: {  	s23 =	spop (v2sf);
	v4 =	vld [tilespmem:s25+$0xA0]  }
0x57: {  	s0 =	spop (v2sf);
	v8 =	vld [tilespmem:s23+$0xA0]  }
0x58: {  	(v2sf) =	vpush v3, $0x2;
	v3 =	vld [tilespmem:s0+$0x50];
	_ =	sdelay $0x2  }
0x59: {  	[tilespmem:s22+$0xFFFFFF90] =	vst v7  }
0x5a: {  	[tilespmem:s19+$0xFFFFFFF0] =	vst v1;
	v7 =	vld [tilespmem:s29+$0x20];
	v1 =	vsel vm1, v4, v8  }
0x5b: {  	[tilespmem:s21+$0x20] =	vst v1;
	v1 =	vsel vm0, v6, v3;
	v3 =	vshll.u32 v9, $0xA  }
0x5c: {  	(v2sf) =	vpush v0, $0x1;
	v10 =	vld [tilespmem:s28+$0x80];
	[tilespmem:s20+$0xFFFFFFD0] =	vst v1;
	v1 =	vshra.s32 v3, $0x2  }
0x5d: {  	s3 =	spop (v2sf);
	(v2sf) =	vpush v1, $0x0  }
0x5e: {  	v4 =	vld [tilespmem:s23+$0xB0]  }
0x5f: {  	v8 =	vld [tilespmem:s3+$0x0];
	[tilespmem:s22+$0xFFFFFFA0] =	vst v7  }
0x60: {  	v6 =	vld [tilespmem:s29+$0x30]  }
0x61: {  	[tilespmem:s19+$0x0] =	vst v10;
	v3 =	vld [tilespmem:s0+$0x60]  }
0x62: {  	v7 =	vld [tilespmem:s28+$0x90]  }
0x63: {  	s5 =	simm.s32 $0xAE00;
	[tilespmem:s21+$0x30] =	vst v4  }
0x64: {  	[tilespmem:s5+$0xFFFFFF80] =	vst v8;
	v4 =	vld [tilespmem:s23+$0xC0]  }
0x65: {  	v8 =	vld [tilespmem:s3+$0x10];
	[tilespmem:s22+$0xFFFFFFB0] =	vst v6  }
0x66: {  	[tilespmem:s20+$0xFFFFFFE0] =	vst v3;
	v6 =	vld [tilespmem:s29+$0x40]  }
0x67: {  	[tilespmem:s19+$0x10] =	vst v7;
	v3 =	vld [tilespmem:s0+$0x70]  }
0x68: {  	s24 =	spop (v2sf);
	v7 =	vld [tilespmem:s28+$0xA0]  }
0x69: {  	v9 =	vld [tilespmem:s24+$0xA0];
	[tilespmem:s21+$0x40] =	vst v4  }
0x6a: {  	[tilespmem:s5+$0xFFFFFF90] =	vst v8;
	v4 =	vld [tilespmem:s23+$0xD0]  }
0x6b: {  	s1 =	spop (v2sf);
	v8 =	vld [tilespmem:s3+$0x20];
	[tilespmem:s22+$0xFFFFFFC0] =	vst v6  }
0x6c: {  	v6 =	vld [tilespmem:s29+$0x50];
	s9 =	spop (v2sf);
	(v2sf) =	vpush v5, $0x2  }
0x6d: {  	s31 =	simm.s32 $0x12;
	v10 =	vld [tilespmem:s1+$0x50]  }
0x6e: {  	v11 =	vld [tilespmem:s31+$0x7000];
	[tilespmem:s20+$0xFFFFFFF0] =	vst v3  }
0x6f: {  	v3 =	vsel vm1, v7, v9;
	v9 =	vld [tilespmem:s0+$0x80];
	[tilespmem:s21+$0x50] =	vst v4  }
0x70: {  	[tilespmem:s19+$0x20] =	vst v3;
	(v2sf) =	vpush v2, $0x1;
	v3 =	vld [tilespmem:s23+$0xE0]  }
0x71: {  	v4 =	vld [tilespmem:s24+$0xB0]  }
0x72: {  	[tilespmem:s5+$0xFFFFFFA0] =	vst v8;
	v8 =	vld [tilespmem:s9+$0x0];
	v6 =	vsel vm0, v6, v10  }
0x73: {  	v5 =	vshll.u32 v11, $0xA;
	v7 =	vld [tilespmem:s3+$0x30];
	[tilespmem:s22+$0xFFFFFFD0] =	vst v6  }
0x74: {  	s4 =	simm.s32 $0x54;
	s25 =	simm.s32 $0xAE00;
	v5 =	vshra.s32 v5, $0x2;
	[tilespmem:s20+$0x0] =	vst v9;
	v6 =	vld [tilespmem:s1+$0x60]  }
.LBB2_2:
0x75: {  	p0 =	sne.s32 s4, $0x5F4;
	(v2sf) =	vpush v5, $0x0;
	v9 =	vld [tilespmem:s0+$0x90];
	[tilespmem:s21+$0x60] =	vst v3  }
0x76: {  	s5 =	sadd.s32 $0x100, s5;
	[tilespmem:s19+$0x30] =	vst v4;
	v3 =	vld [tilespmem:s23+$0xF0];
	s23 =	smov.u32 s24  }
0x77: {  	[tilespmem:s5+$0xFFFFFF80] =	vst v8;
	v4 =	vld [tilespmem:s23+$0xC0]  }
0x78: {  	v8 =	vld [tilespmem:s9+$0x10];
	[tilespmem:s25+$0xFFFFFFB0] =	vst v7  }
0x79: {  	v7 =	vld [tilespmem:s3+$0x40];
	[tilespmem:s22+$0xFFFFFFE0] =	vst v6  }
0x7a: {  	v6 =	vld [tilespmem:s1+$0x70];
	[tilespmem:s20+$0x10] =	vst v9  }
0x7b: {  	v9 =	vld [tilespmem:s0+$0xA0];
	s24 =	spop (v2sf);
	[tilespmem:s21+$0x70] =	vst v3;
	s21 =	smov.u32 s19;
	s19 =	smov.u32 s20  }
0x7c: {  	s20 =	smov.u32 s22;
	s22 =	smov.u32 s25;
	s25 =	smov.u32 s5;
	v3 =	vld [tilespmem:s24+$0xA0];
	[tilespmem:s21+$0x40] =	vst v4  }
0x7d: {  	s0 =	smov.u32 s1;
	[tilespmem:s5+$0xFFFFFF90] =	vst v8;
	v4 =	vld [tilespmem:s23+$0xD0]  }
0x7e: {  	v10 =	vld [tilespmem:s9+$0x20];
	[tilespmem:s22+$0xFFFFFFC0] =	vst v7  }
0x7f: {  	v7 =	vld [tilespmem:s3+$0x50];
	s1 =	spop (v2sf);
	(v2sf) =	vpush v0, $0x2;
	v0 =	vmovc v2;
	v2 =	vmov v1;
	v1 =	vmov v5;
	s3 =	smov.u32 s9  }
0x80: {  	s6 =	sshra.s32 s4, $0x2;
	v5 =	vld [tilespmem:s1+$0x50]  }
0x81: {  	v11 =	vld [tilespmem:s6+$0x7000];
	[tilespmem:s20+$0xFFFFFFF0] =	vst v6  }
0x82: {  	v3 =	vsel vm1, v9, v3;
	v12 =	vld [tilespmem:s0+$0x80];
	[tilespmem:s21+$0x50] =	vst v4  }
.Ltmp0:
0x83: {  	(v2sf) =	vpush v2, $0x1;
	[tilespmem:s19+$0x20] =	vst v3;
	v3 =	vld [tilespmem:s23+$0xE0];
	(pc) =	sbr.rel @p0 .LBB2_2-.Ltmp0, $4  }
0x84: {  	s9 =	spop (v2sf);
	v4 =	vld [tilespmem:s24+$0xB0]  }
0x85: {  	v8 =	vld [tilespmem:s9+$0x0];
	[tilespmem:s5+$0xFFFFFFA0] =	vst v10;
	v5 =	vsel vm0, v7, v5  }
0x86: {  	v6 =	vshll.u32 v11, $0xA;
	v7 =	vld [tilespmem:s3+$0x30];
	[tilespmem:s22+$0xFFFFFFD0] =	vst v5  }
0x87: {  	s4 =	sadd.s32 $0xC, s4;
	v5 =	vshra.s32 v6, $0x2;
	v6 =	vld [tilespmem:s1+$0x60];
	[tilespmem:s20+$0x0] =	vst v12  }
0x88: {  	(v2sf) =	vpush v5, $0x0;
	_ =	sdelay $0xc  }
0x89: {  	s7 =	spop (v2sf)  }
0x8a: {  	s4 =	spop (v2sf)  }
0x8b: {  	s11 =	spop (v2sf)  }
0x8c: {  	v9 =	vld [tilespmem:s11+$0x0];
	_ =	sdelay $0x1  }
0x8d: {  	s5 =	sadd.s32 $0x100, s5  }
0x8e: {  	[tilespmem:s5+$0xFFFFFF80] =	vst v8  }
0x8f: {  	s6 =	sadd.s32 $0x100, s5;
	v8 =	vld [tilespmem:s9+$0x10]  }
0x90: {  	[tilespmem:s6+$0xFFFFFF80] =	vst v9  }
0x91: {  	v9 =	vld [tilespmem:s11+$0x10];
	_ =	sdelay $0x2  }
0x92: {  	[tilespmem:s5+$0xFFFFFF90] =	vst v8  }
0x93: {  	v8 =	vld [tilespmem:s9+$0x20]  }
0x94: {  	[tilespmem:s6+$0xFFFFFF90] =	vst v9  }
0x95: {  	(v2sf) =	vpush v0, $0x2;
	v0 =	vld [tilespmem:s11+$0x20]  }
0x96: {  	(v2sf) =	vpush v1, $0x1  }
0x97: {  	[tilespmem:s25+$0xFFFFFFB0] =	vst v7;
	(v2sf) =	vpush v2, $0x2  }
0x98: {  	v7 =	vld [tilespmem:s3+$0x40];
	[tilespmem:s5+$0xFFFFFFA0] =	vst v8;
	(v2sf) =	vpush v5, $0x1  }
0x99: {  	v2 =	vld [tilespmem:s9+$0x30]  }
0x9a: {  	[tilespmem:s6+$0xFFFFFFA0] =	vst v0  }
0x9b: {  	v0 =	vld [tilespmem:s11+$0x30];
	_ =	sdelay $0x1  }
0x9c: {  	[tilespmem:s25+$0xFFFFFFC0] =	vst v7  }
0x9d: {  	v7 =	vld [tilespmem:s3+$0x50];
	[tilespmem:s5+$0xFFFFFFB0] =	vst v2  }
0x9e: {  	v2 =	vld [tilespmem:s9+$0x40]  }
0x9f: {  	v8 =	vld [tilespmem:s4+$0x50];
	[tilespmem:s6+$0xFFFFFFB0] =	vst v0  }
0xa0: {  	v0 =	vld [tilespmem:s11+$0x40];
	_ =	sdelay $0x2  }
0xa1: {  	s29 =	spop (v2sf);
	[tilespmem:s5+$0xFFFFFFC0] =	vst v2  }
0xa2: {  	s13 =	spop (v2sf);
	v2 =	vld [tilespmem:s9+$0x50]  }
0xa3: {  	v7 =	vsel vm0, v7, v8;
	v8 =	vld [tilespmem:s13+$0x50];
	s30 =	spop (v2sf);
	[tilespmem:s6+$0xFFFFFFC0] =	vst v0  }
0xa4: {  	s31 =	spop (v2sf);
	v0 =	vld [tilespmem:s11+$0x50]  }
0xa5: {  	v9 =	vld [tilespmem:s31+$0x50]  }
0xa6: {  	[tilespmem:s22+$0xFFFFFFE0] =	vst v6  }
0xa7: {  	v6 =	vld [tilespmem:s1+$0x70];
	[tilespmem:s25+$0xFFFFFFD0] =	vst v7  }
0xa8: {  	v7 =	vld [tilespmem:s4+$0x60];
	v2 =	vsel vm0, v2, v8  }
0xa9: {  	[tilespmem:s5+$0xFFFFFFD0] =	vst v2  }
0xaa: {  	v2 =	vld [tilespmem:s13+$0x60];
	v0 =	vsel vm0, v0, v9  }
0xab: {  	[tilespmem:s6+$0xFFFFFFD0] =	vst v0  }
0xac: {  	[tilespmem:s22+$0xFFFFFFF0] =	vst v6;
	v0 =	vld [tilespmem:s31+$0x60]  }
0xad: {  	v6 =	vld [tilespmem:s1+$0x80];
	[tilespmem:s25+$0xFFFFFFE0] =	vst v7  }
0xae: {  	v7 =	vld [tilespmem:s4+$0x70]  }
0xaf: {  	[tilespmem:s5+$0xFFFFFFE0] =	vst v2  }
0xb0: {  	v2 =	vld [tilespmem:s13+$0x70]  }
0xb1: {  	[tilespmem:s6+$0xFFFFFFE0] =	vst v0  }
0xb2: {  	[tilespmem:s22+$0x0] =	vst v6;
	v0 =	vld [tilespmem:s31+$0x70]  }
0xb3: {  	v6 =	vld [tilespmem:s1+$0x90];
	(v2sf) =	vpush v1, $0x2;
	[tilespmem:s25+$0xFFFFFFF0] =	vst v7  }
0xb4: {  	[tilespmem:s21+$0x60] =	vst v3;
	v7 =	vld [tilespmem:s4+$0x80]  }
0xb5: {  	v1 =	vld [tilespmem:s0+$0x90];
	(v2sf) =	vpush v5, $0x2;
	[tilespmem:s5+$0xFFFFFFF0] =	vst v2  }
0xb6: {  	[tilespmem:s19+$0x30] =	vst v4;
	v2 =	vld [tilespmem:s13+$0x80]  }
0xb7: {  	v4 =	vld [tilespmem:s23+$0xF0];
	[tilespmem:s6+$0xFFFFFFF0] =	vst v0  }
0xb8: {  	[tilespmem:s22+$0x10] =	vst v6;
	v0 =	vld [tilespmem:s31+$0x80]  }
0xb9: {  	v6 =	vld [tilespmem:s1+$0xA0];
	[tilespmem:s25+$0x0] =	vst v7  }
0xba: {  	[tilespmem:s20+$0x10] =	vst v1;
	v5 =	vld [tilespmem:s4+$0x90]  }
0xbb: {  	v1 =	vld [tilespmem:s0+$0xA0];
	[tilespmem:s5+$0x0] =	vst v2  }
0xbc: {  	v2 =	vld [tilespmem:s13+$0x90]  }
0xbd: {  	v8 =	vld [tilespmem:s29+$0xA0];
	[tilespmem:s6+$0x0] =	vst v0  }
0xbe: {  	v0 =	vld [tilespmem:s31+$0x90]  }
0xbf: {  	v7 =	vld [tilespmem:s7+$0xA0];
	[tilespmem:s25+$0x10] =	vst v5  }
0xc0: {  	v5 =	vld [tilespmem:s4+$0xA0]  }
0xc1: {  	v9 =	vld [tilespmem:s30+$0xA0];
	[tilespmem:s5+$0x10] =	vst v2  }
0xc2: {  	s1 =	spop (v2sf);
	v2 =	vld [tilespmem:s13+$0xA0]  }
0xc3: {  	v10 =	vld [tilespmem:s1+$0xA0];
	[tilespmem:s6+$0x10] =	vst v0  }
0xc4: {  	s4 =	spop (v2sf);
	v0 =	vld [tilespmem:s31+$0xA0]  }
0xc5: {  	v1 =	vsel vm1, v1, v7;
	v3 =	vld [tilespmem:s4+$0xA0]  }
0xc6: {  	[tilespmem:s20+$0x20] =	vst v1;
	v1 =	vsel vm1, v6, v8  }
0xc7: {  	v6 =	vld [tilespmem:s7+$0xB0];
	[tilespmem:s22+$0x20] =	vst v1;
	v1 =	vsel vm1, v5, v9  }
0xc8: {  	v5 =	vld [tilespmem:s29+$0xB0];
	[tilespmem:s25+$0x20] =	vst v1;
	v1 =	vsel vm1, v2, v10  }
0xc9: {  	v2 =	vld [tilespmem:s30+$0xB0];
	[tilespmem:s5+$0x20] =	vst v1  }
0xca: {  	[tilespmem:s21+$0x70] =	vst v4;
	v1 =	vld [tilespmem:s1+$0xB0];
	v0 =	vsel vm1, v0, v3  }
0xcb: {  	[tilespmem:s6+$0x20] =	vst v0  }
0xcc: {  	[tilespmem:s20+$0x30] =	vst v6;
	v0 =	vld [tilespmem:s4+$0xB0]  }
0xcd: {  	v4 =	vld [tilespmem:s7+$0xC0];
	[tilespmem:s22+$0x30] =	vst v5  }
0xce: {  	v5 =	vld [tilespmem:s29+$0xC0];
	[tilespmem:s25+$0x30] =	vst v2  }
0xcf: {  	v2 =	vld [tilespmem:s30+$0xC0];
	[tilespmem:s5+$0x30] =	vst v1  }
0xd0: {  	v1 =	vld [tilespmem:s1+$0xC0]  }
0xd1: {  	v3 =	vld [tilespmem:s24+$0xC0];
	[tilespmem:s6+$0x30] =	vst v0  }
0xd2: {  	[tilespmem:s20+$0x40] =	vst v4;
	v0 =	vld [tilespmem:s4+$0xC0]  }
0xd3: {  	v4 =	vld [tilespmem:s7+$0xD0];
	[tilespmem:s22+$0x40] =	vst v5  }
0xd4: {  	v5 =	vld [tilespmem:s29+$0xD0];
	[tilespmem:s25+$0x40] =	vst v2  }
0xd5: {  	v2 =	vld [tilespmem:s30+$0xD0];
	[tilespmem:s5+$0x40] =	vst v1  }
0xd6: {  	v1 =	vld [tilespmem:s1+$0xD0];
	[tilespmem:s19+$0x40] =	vst v3  }
0xd7: {  	v3 =	vld [tilespmem:s24+$0xD0];
	[tilespmem:s6+$0x40] =	vst v0  }
0xd8: {  	[tilespmem:s20+$0x50] =	vst v4;
	v0 =	vld [tilespmem:s4+$0xD0]  }
0xd9: {  	v4 =	vld [tilespmem:s7+$0xE0];
	[tilespmem:s22+$0x50] =	vst v5  }
0xda: {  	v5 =	vld [tilespmem:s29+$0xE0];
	[tilespmem:s25+$0x50] =	vst v2  }
0xdb: {  	v2 =	vld [tilespmem:s30+$0xE0];
	[tilespmem:s5+$0x50] =	vst v1  }
0xdc: {  	v1 =	vld [tilespmem:s1+$0xE0];
	[tilespmem:s19+$0x50] =	vst v3  }
0xdd: {  	v3 =	vld [tilespmem:s24+$0xE0];
	[tilespmem:s6+$0x50] =	vst v0  }
0xde: {  	[tilespmem:s20+$0x60] =	vst v4;
	v0 =	vld [tilespmem:s4+$0xE0]  }
0xdf: {  	v4 =	vld [tilespmem:s7+$0xF0];
	[tilespmem:s22+$0x60] =	vst v5  }
0xe0: {  	v5 =	vld [tilespmem:s29+$0xF0];
	[tilespmem:s25+$0x60] =	vst v2  }
0xe1: {  	v2 =	vld [tilespmem:s30+$0xF0];
	[tilespmem:s5+$0x60] =	vst v1  }
0xe2: {  	v1 =	vld [tilespmem:s1+$0xF0];
	[tilespmem:s19+$0x60] =	vst v3  }
0xe3: {  	v3 =	vld [tilespmem:s24+$0xF0];
	[tilespmem:s6+$0x60] =	vst v0  }
0xe4: {  	[tilespmem:s20+$0x70] =	vst v4;
	v0 =	vld [tilespmem:s4+$0xF0]  }
0xe5: {  	[tilespmem:s22+$0x70] =	vst v5  }
0xe6: {  	[tilespmem:s25+$0x70] =	vst v2  }
0xe7: {  	[tilespmem:s5+$0x70] =	vst v1  }
0xe8: {  	[tilespmem:s19+$0x70] =	vst v3  }
0xe9: {  	s5 =	simm.s32 $0x0;
	[tilespmem:s6+$0x70] =	vst v0  }
0xea: {  	s0 =	sand.u32 $0x1FF, s5;
	s6 =	rddreg [dreg:$0x3]  }
0xeb: {  	[hbm4b:s6+s5] =	stream.linear.scatter [tilespmem:s14], [sflag:$0x1], $0x8000, $0x38;
	[tilespmem:$0x1A980] =	vst v63  }
0xec: {  	v0 =	vld [tilespmem:s0+$0x7180];
	_ =	sdelay $0x4  }
0xed: {  	v0 =	vshll.u32 v0, $0xA  }
0xee: {  	v1 =	vshra.s32 v0, $0x2  }
0xef: {  	(v2sf) =	vpush v1, $0x0;
	_ =	sdelay $0x5  }
0xf0: {  	s7 =	simm.s32 $0x3  }
0xf1: {  	s0 =	sand.u32 $0x1FF, s7  }
0xf2: {  	v0 =	vld [tilespmem:s0+$0x7180];
	_ =	sdelay $0x4  }
0xf3: {  	v0 =	vshll.u32 v0, $0xA  }
0xf4: {  	v3 =	vshra.s32 v0, $0x2  }
0xf5: {  	(v2sf) =	vpush v3, $0x0;
	s9 =	spop (v2sf)  }
0xf6: {  	v0 =	vld [tilespmem:s9+$0x0];
	_ =	sdelay $0x2  }
0xf7: {  	s11 =	simm.s32 $0x6  }
0xf8: {  	s21 =	simm.s32 $0x12A00;
	s1 =	sand.u32 $0x1FF, s11  }
0xf9: {  	v2 =	vld [tilespmem:s1+$0x7180];
	[tilespmem:s21+$0xFFFFFF80] =	vst v0  }
0xfa: {  	v0 =	vld [tilespmem:s9+$0x10];
	_ =	sdelay $0x3  }
0xfb: {  	v2 =	vshll.u32 v2, $0xA  }
0xfc: {  	v4 =	vshra.s32 v2, $0x2;
	(v2sf) =	vpush v1, $0x1;
	[tilespmem:s21+$0xFFFFFF90] =	vst v0  }
0xfd: {  	(v2sf) =	vpush v4, $0x0;
	v0 =	vld [tilespmem:s9+$0x20];
	_ =	sdelay $0x1  }
0xfe: {  	s13 =	spop (v2sf)  }
0xff: {  	v5 =	vld [tilespmem:s13+$0x0];
	_ =	sdelay $0x1  }
0x100: {  	[tilespmem:s21+$0xFFFFFFA0] =	vst v0  }
0x101: {  	v0 =	vld [tilespmem:s9+$0x30]  }
0x102: {  	s19 =	simm.s32 $0x12B00  }
0x103: {  	[tilespmem:s19+$0xFFFFFF80] =	vst v5  }
0x104: {  	v2 =	vld [tilespmem:s13+$0x10];
	_ =	sdelay $0x1  }
0x105: {  	[tilespmem:s21+$0xFFFFFFB0] =	vst v0  }
0x106: {  	v0 =	vld [tilespmem:s9+$0x40];
	_ =	sdelay $0x1  }
0x107: {  	s17 =	spop (v2sf);
	[tilespmem:s19+$0xFFFFFF90] =	vst v2  }
0x108: {  	s16 =	simm.s32 $0x9;
	s23 =	spop (v2sf);
	v2 =	vld [tilespmem:s13+$0x20]  }
0x109: {  	s3 =	sand.u32 $0x1FF, s16;
	v7 =	vld [tilespmem:s23+$0x0]  }
0x10a: {  	[tilespmem:s21+$0xFFFFFFC0] =	vst v0;
	v0 =	vld [tilespmem:s3+$0x7180]  }
0x10b: {  	(v2sf) =	vpush v3, $0x1;
	v5 =	vld [tilespmem:s9+$0x50]  }
0x10c: {  	v6 =	vld [tilespmem:s17+$0x50]  }
0x10d: {  	[tilespmem:s19+$0xFFFFFFA0] =	vst v2  }
0x10e: {  	v2 =	vld [tilespmem:s13+$0x30];
	_ =	sdelay $0x1  }
0x10f: {  	s20 =	simm.s32 $0x12C00  }
0x110: {  	[tilespmem:s20+$0xFFFFFF80] =	vst v7;
	v0 =	vshll.u32 v0, $0xA;
	v5 =	vsel vm0, v5, v6  }
0x111: {  	v0 =	vshra.s32 v0, $0x2;
	v6 =	vld [tilespmem:s23+$0x10];
	[tilespmem:s21+$0xFFFFFFD0] =	vst v5  }
0x112: {  	[tilespmem:s19+$0xFFFFFFB0] =	vst v2;
	(v2sf) =	vpush v0, $0x0;
	v5 =	vld [tilespmem:s17+$0x60]  }
0x113: {  	v2 =	vld [tilespmem:s13+$0x40];
	_ =	sdelay $0x2  }
0x114: {  	[tilespmem:s20+$0xFFFFFF90] =	vst v6  }
0x115: {  	v6 =	vld [tilespmem:s23+$0x20];
	[tilespmem:s21+$0xFFFFFFE0] =	vst v5  }
0x116: {  	[tilespmem:s19+$0xFFFFFFC0] =	vst v2;
	v5 =	vld [tilespmem:s17+$0x70]  }
0x117: {  	s25 =	spop (v2sf);
	v2 =	vld [tilespmem:s13+$0x50]  }
0x118: {  	s24 =	simm.s32 $0xC;
	(v2sf) =	vpush v1, $0x2;
	v1 =	vld [tilespmem:s25+$0x50]  }
0x119: {  	s26 =	sand.u32 $0x1FF, s24  }
0x11a: {  	v7 =	vld [tilespmem:s26+$0x7180];
	(v2sf) =	vpush v4, $0x1;
	[tilespmem:s20+$0xFFFFFFA0] =	vst v6  }
0x11b: {  	v6 =	vld [tilespmem:s23+$0x30];
	[tilespmem:s21+$0xFFFFFFF0] =	vst v5  }
0x11c: {  	v5 =	vld [tilespmem:s17+$0x80]  }
0x11d: {  	v1 =	vsel vm0, v2, v1  }
0x11e: {  	[tilespmem:s19+$0xFFFFFFD0] =	vst v1  }
0x11f: {  	v1 =	vld [tilespmem:s25+$0x60];
	s28 =	spop (v2sf)  }
0x120: {  	v2 =	vshll.u32 v7, $0xA;
	v8 =	vld [tilespmem:s28+$0x0];
	[tilespmem:s20+$0xFFFFFFB0] =	vst v6  }
0x121: {  	v2 =	vshra.s32 v2, $0x2;
	v6 =	vld [tilespmem:s23+$0x40];
	[tilespmem:s21+$0x0] =	vst v5  }
0x122: {  	s29 =	simm.s32 $0xF;
	(v2sf) =	vpush v2, $0x0;
	v5 =	vld [tilespmem:s17+$0x90]  }
0x123: {  	s30 =	sand.u32 $0x1FF, s29  }
0x124: {  	s22 =	simm.s32 $0x12D00;
	v9 =	vld [tilespmem:s30+$0x7180];
	[tilespmem:s19+$0xFFFFFFE0] =	vst v1  }
0x125: {  	v1 =	vld [tilespmem:s25+$0x70];
	[tilespmem:s22+$0xFFFFFF80] =	vst v8  }
0x126: {  	v7 =	vld [tilespmem:s28+$0x10];
	[tilespmem:s20+$0xFFFFFFC0] =	vst v6  }
0x127: {  	v6 =	vld [tilespmem:s23+$0x50];
	[tilespmem:s21+$0x10] =	vst v5  }
0x128: {  	s0 =	spop (v2sf);
	v5 =	vld [tilespmem:s17+$0xA0]  }
0x129: {  	s1 =	spop (v2sf);
	v8 =	vld [tilespmem:s0+$0xA0]  }
0x12a: {  	(v2sf) =	vpush v3, $0x2;
	v3 =	vld [tilespmem:s1+$0x50];
	_ =	sdelay $0x2  }
0x12b: {  	[tilespmem:s22+$0xFFFFFF90] =	vst v7  }
0x12c: {  	[tilespmem:s19+$0xFFFFFFF0] =	vst v1;
	v7 =	vld [tilespmem:s28+$0x20];
	v1 =	vsel vm1, v5, v8  }
0x12d: {  	[tilespmem:s21+$0x20] =	vst v1;
	v1 =	vsel vm0, v6, v3;
	v3 =	vshll.u32 v9, $0xA  }
0x12e: {  	(v2sf) =	vpush v0, $0x1;
	v10 =	vld [tilespmem:s25+$0x80];
	[tilespmem:s20+$0xFFFFFFD0] =	vst v1;
	v1 =	vshra.s32 v3, $0x2  }
0x12f: {  	s5 =	spop (v2sf);
	(v2sf) =	vpush v1, $0x0  }
0x130: {  	v5 =	vld [tilespmem:s0+$0xB0]  }
0x131: {  	v8 =	vld [tilespmem:s5+$0x0];
	[tilespmem:s22+$0xFFFFFFA0] =	vst v7  }
0x132: {  	v6 =	vld [tilespmem:s28+$0x30]  }
0x133: {  	[tilespmem:s19+$0x0] =	vst v10;
	v3 =	vld [tilespmem:s1+$0x60]  }
0x134: {  	v7 =	vld [tilespmem:s25+$0x90]  }
0x135: {  	s6 =	simm.s32 $0x12E00;
	[tilespmem:s21+$0x30] =	vst v5  }
0x136: {  	[tilespmem:s6+$0xFFFFFF80] =	vst v8;
	v5 =	vld [tilespmem:s0+$0xC0]  }
0x137: {  	v8 =	vld [tilespmem:s5+$0x10];
	[tilespmem:s22+$0xFFFFFFB0] =	vst v6  }
0x138: {  	[tilespmem:s20+$0xFFFFFFE0] =	vst v3;
	v6 =	vld [tilespmem:s28+$0x40]  }
0x139: {  	[tilespmem:s19+$0x10] =	vst v7;
	v3 =	vld [tilespmem:s1+$0x70]  }
0x13a: {  	s23 =	spop (v2sf);
	v7 =	vld [tilespmem:s25+$0xA0]  }
0x13b: {  	v9 =	vld [tilespmem:s23+$0xA0];
	[tilespmem:s21+$0x40] =	vst v5  }
0x13c: {  	[tilespmem:s6+$0xFFFFFF90] =	vst v8;
	v5 =	vld [tilespmem:s0+$0xD0]  }
0x13d: {  	s3 =	spop (v2sf);
	v8 =	vld [tilespmem:s5+$0x20];
	[tilespmem:s22+$0xFFFFFFC0] =	vst v6  }
0x13e: {  	s31 =	simm.s32 $0x12;
	v6 =	vld [tilespmem:s28+$0x50];
	s11 =	spop (v2sf);
	(v2sf) =	vpush v4, $0x2  }
0x13f: {  	s4 =	sand.u32 $0x1FF, s31;
	v10 =	vld [tilespmem:s3+$0x50]  }
0x140: {  	v11 =	vld [tilespmem:s4+$0x7180];
	[tilespmem:s20+$0xFFFFFFF0] =	vst v3  }
0x141: {  	v3 =	vsel vm1, v7, v9;
	v9 =	vld [tilespmem:s1+$0x80];
	[tilespmem:s21+$0x50] =	vst v5  }
0x142: {  	[tilespmem:s19+$0x20] =	vst v3;
	(v2sf) =	vpush v2, $0x1;
	v5 =	vld [tilespmem:s0+$0xE0]  }
0x143: {  	v3 =	vld [tilespmem:s23+$0xB0]  }
0x144: {  	[tilespmem:s6+$0xFFFFFFA0] =	vst v8;
	v8 =	vld [tilespmem:s11+$0x0];
	v6 =	vsel vm0, v6, v10  }
0x145: {  	v4 =	vshll.u32 v11, $0xA;
	v7 =	vld [tilespmem:s5+$0x30];
	[tilespmem:s22+$0xFFFFFFD0] =	vst v6  }
0x146: {  	s24 =	simm.s32 $0x12E00;
	s4 =	simm.s32 $0x15;
	v4 =	vshra.s32 v4, $0x2;
	[tilespmem:s20+$0x0] =	vst v9;
	v6 =	vld [tilespmem:s3+$0x60]  }
.LBB2_4:
0x147: {  	p0 =	sne.s32 s4, $0x17D;
	(v2sf) =	vpush v4, $0x0;
	v9 =	vld [tilespmem:s1+$0x90];
	[tilespmem:s21+$0x60] =	vst v5  }
0x148: {  	s6 =	sadd.s32 $0x100, s6;
	[tilespmem:s19+$0x30] =	vst v3;
	v3 =	vld [tilespmem:s0+$0xF0];
	s0 =	smov.u32 s23  }
0x149: {  	[tilespmem:s6+$0xFFFFFF80] =	vst v8;
	v5 =	vld [tilespmem:s0+$0xC0]  }
0x14a: {  	v8 =	vld [tilespmem:s11+$0x10];
	[tilespmem:s24+$0xFFFFFFB0] =	vst v7  }
0x14b: {  	v7 =	vld [tilespmem:s5+$0x40];
	[tilespmem:s22+$0xFFFFFFE0] =	vst v6  }
0x14c: {  	v6 =	vld [tilespmem:s3+$0x70];
	[tilespmem:s20+$0x10] =	vst v9  }
0x14d: {  	v9 =	vld [tilespmem:s1+$0xA0];
	s23 =	spop (v2sf);
	[tilespmem:s21+$0x70] =	vst v3;
	s21 =	smov.u32 s19;
	s19 =	smov.u32 s20  }
0x14e: {  	s20 =	smov.u32 s22;
	s22 =	smov.u32 s24;
	s24 =	smov.u32 s6;
	v3 =	vld [tilespmem:s23+$0xA0];
	[tilespmem:s21+$0x40] =	vst v5  }
0x14f: {  	s1 =	smov.u32 s3;
	[tilespmem:s6+$0xFFFFFF90] =	vst v8;
	v5 =	vld [tilespmem:s0+$0xD0]  }
0x150: {  	v10 =	vld [tilespmem:s11+$0x20];
	[tilespmem:s22+$0xFFFFFFC0] =	vst v7  }
0x151: {  	v7 =	vld [tilespmem:s5+$0x50];
	s3 =	spop (v2sf);
	(v2sf) =	vpush v0, $0x2;
	v0 =	vmovc v2;
	v2 =	vmov v1;
	v1 =	vmov v4;
	s5 =	smov.u32 s11  }
0x152: {  	s7 =	sand.u32 $0x1FF, s4;
	v4 =	vld [tilespmem:s3+$0x50]  }
0x153: {  	v11 =	vld [tilespmem:s7+$0x7180];
	[tilespmem:s20+$0xFFFFFFF0] =	vst v6  }
0x154: {  	v3 =	vsel vm1, v9, v3;
	v12 =	vld [tilespmem:s1+$0x80];
	[tilespmem:s21+$0x50] =	vst v5  }
.Ltmp1:
0x155: {  	(v2sf) =	vpush v2, $0x1;
	[tilespmem:s19+$0x20] =	vst v3;
	v5 =	vld [tilespmem:s0+$0xE0];
	(pc) =	sbr.rel @p0 .LBB2_4-.Ltmp1, $4  }
0x156: {  	s11 =	spop (v2sf);
	v3 =	vld [tilespmem:s23+$0xB0]  }
0x157: {  	v8 =	vld [tilespmem:s11+$0x0];
	[tilespmem:s6+$0xFFFFFFA0] =	vst v10;
	v4 =	vsel vm0, v7, v4  }
0x158: {  	v6 =	vshll.u32 v11, $0xA;
	v7 =	vld [tilespmem:s5+$0x30];
	[tilespmem:s22+$0xFFFFFFD0] =	vst v4  }
0x159: {  	s4 =	sadd.s32 $0x3, s4;
	v4 =	vshra.s32 v6, $0x2;
	v6 =	vld [tilespmem:s3+$0x60];
	[tilespmem:s20+$0x0] =	vst v12  }
0x15a: {  	(v2sf) =	vpush v4, $0x0;
	_ =	sdelay $0xc  }
0x15b: {  	s9 =	spop (v2sf)  }
0x15c: {  	s4 =	spop (v2sf)  }
0x15d: {  	s13 =	spop (v2sf)  }
0x15e: {  	v9 =	vld [tilespmem:s13+$0x0];
	_ =	sdelay $0x1  }
0x15f: {  	s6 =	sadd.s32 $0x100, s6  }
0x160: {  	[tilespmem:s6+$0xFFFFFF80] =	vst v8  }
0x161: {  	s7 =	sadd.s32 $0x100, s6;
	v8 =	vld [tilespmem:s11+$0x10]  }
0x162: {  	[tilespmem:s7+$0xFFFFFF80] =	vst v9  }
0x163: {  	v9 =	vld [tilespmem:s13+$0x10];
	_ =	sdelay $0x2  }
0x164: {  	[tilespmem:s6+$0xFFFFFF90] =	vst v8  }
0x165: {  	v8 =	vld [tilespmem:s11+$0x20]  }
0x166: {  	[tilespmem:s7+$0xFFFFFF90] =	vst v9  }
0x167: {  	(v2sf) =	vpush v0, $0x2;
	v49 =	vld [tilespmem:s13+$0x20]  }
0x168: {  	(v2sf) =	vpush v1, $0x1  }
0x169: {  	(v2sf) =	vpush v2, $0x2  }
0x16a: {  	[tilespmem:s6+$0xFFFFFFA0] =	vst v8;
	(v2sf) =	vpush v4, $0x1  }
0x16b: {  	v50 =	vld [tilespmem:s11+$0x30]  }
0x16c: {  	[tilespmem:s7+$0xFFFFFFA0] =	vst v49  }
0x16d: {  	v0 =	vld [tilespmem:s13+$0x30]  }
0x16e: {  	[tilespmem:s24+$0xFFFFFFB0] =	vst v7  }
0x16f: {  	v7 =	vld [tilespmem:s5+$0x40]  }
0x170: {  	[tilespmem:s6+$0xFFFFFFB0] =	vst v50  }
0x171: {  	v2 =	vld [tilespmem:s11+$0x40]  }
0x172: {  	[tilespmem:s7+$0xFFFFFFB0] =	vst v0  }
0x173: {  	v0 =	vld [tilespmem:s13+$0x40]  }
0x174: {  	[tilespmem:s24+$0xFFFFFFC0] =	vst v7  }
0x175: {  	v7 =	vld [tilespmem:s5+$0x50]  }
0x176: {  	v51 =	vld [tilespmem:s4+$0x50];
	s30 =	spop (v2sf);
	[tilespmem:s6+$0xFFFFFFC0] =	vst v2  }
0x177: {  	s16 =	spop (v2sf);
	v2 =	vld [tilespmem:s11+$0x50]  }
0x178: {  	v52 =	vld [tilespmem:s16+$0x50];
	s31 =	spop (v2sf);
	[tilespmem:s7+$0xFFFFFFC0] =	vst v0  }
0x179: {  	s17 =	spop (v2sf);
	v0 =	vld [tilespmem:s13+$0x50]  }
0x17a: {  	v9 =	vld [tilespmem:s17+$0x50]  }
0x17b: {  	v7 =	vsel vm0, v7, v51  }
0x17c: {  	[tilespmem:s24+$0xFFFFFFD0] =	vst v7  }
0x17d: {  	v7 =	vld [tilespmem:s4+$0x60];
	v2 =	vsel vm0, v2, v52  }
0x17e: {  	[tilespmem:s6+$0xFFFFFFD0] =	vst v2  }
0x17f: {  	[tilespmem:s22+$0xFFFFFFE0] =	vst v6;
	v2 =	vld [tilespmem:s16+$0x60];
	v0 =	vsel vm0, v0, v9  }
0x180: {  	v6 =	vld [tilespmem:s3+$0x70];
	[tilespmem:s7+$0xFFFFFFD0] =	vst v0  }
0x181: {  	v0 =	vld [tilespmem:s17+$0x60]  }
0x182: {  	[tilespmem:s24+$0xFFFFFFE0] =	vst v7  }
0x183: {  	v7 =	vld [tilespmem:s4+$0x70]  }
0x184: {  	[tilespmem:s6+$0xFFFFFFE0] =	vst v2  }
0x185: {  	[tilespmem:s22+$0xFFFFFFF0] =	vst v6;
	v2 =	vld [tilespmem:s16+$0x70]  }
0x186: {  	v6 =	vld [tilespmem:s3+$0x80];
	[tilespmem:s7+$0xFFFFFFE0] =	vst v0  }
0x187: {  	v0 =	vld [tilespmem:s17+$0x70]  }
0x188: {  	v53 =	vld [tilespmem:s1+$0x90];
	(v2sf) =	vpush v1, $0x2;
	[tilespmem:s24+$0xFFFFFFF0] =	vst v7  }
0x189: {  	v7 =	vld [tilespmem:s4+$0x80]  }
0x18a: {  	(v2sf) =	vpush v4, $0x2;
	[tilespmem:s6+$0xFFFFFFF0] =	vst v2  }
0x18b: {  	[tilespmem:s22+$0x0] =	vst v6;
	v2 =	vld [tilespmem:s16+$0x80]  }
0x18c: {  	v6 =	vld [tilespmem:s3+$0x90];
	[tilespmem:s7+$0xFFFFFFF0] =	vst v0  }
0x18d: {  	[tilespmem:s20+$0x10] =	vst v53;
	v0 =	vld [tilespmem:s17+$0x80]  }
0x18e: {  	v55 =	vld [tilespmem:s9+$0xA0];
	[tilespmem:s24+$0x0] =	vst v7  }
0x18f: {  	v54 =	vld [tilespmem:s4+$0x90]  }
0x190: {  	v1 =	vld [tilespmem:s1+$0xA0];
	[tilespmem:s6+$0x0] =	vst v2  }
0x191: {  	[tilespmem:s22+$0x10] =	vst v6;
	v2 =	vld [tilespmem:s16+$0x90]  }
0x192: {  	v6 =	vld [tilespmem:s3+$0xA0];
	[tilespmem:s7+$0x0] =	vst v0  }
0x193: {  	v0 =	vld [tilespmem:s17+$0x90]  }
0x194: {  	v56 =	vld [tilespmem:s30+$0xA0];
	[tilespmem:s24+$0x10] =	vst v54  }
0x195: {  	v4 =	vld [tilespmem:s4+$0xA0]  }
0x196: {  	v57 =	vld [tilespmem:s31+$0xA0];
	[tilespmem:s6+$0x10] =	vst v2  }
0x197: {  	s25 =	spop (v2sf);
	v2 =	vld [tilespmem:s16+$0xA0]  }
0x198: {  	v10 =	vld [tilespmem:s25+$0xA0];
	[tilespmem:s7+$0x10] =	vst v0  }
0x199: {  	s26 =	spop (v2sf);
	v0 =	vld [tilespmem:s17+$0xA0]  }
0x19a: {  	[tilespmem:s21+$0x60] =	vst v5;
	v11 =	vld [tilespmem:s26+$0xA0]  }
0x19b: {  	[tilespmem:s19+$0x30] =	vst v3;
	v1 =	vsel vm1, v1, v55  }
0x19c: {  	v5 =	vld [tilespmem:s0+$0xF0];
	[tilespmem:s20+$0x20] =	vst v1;
	v58 =	vsel vm1, v6, v56  }
0x19d: {  	v59 =	vld [tilespmem:s9+$0xB0];
	[tilespmem:s22+$0x20] =	vst v58;
	v60 =	vsel vm1, v4, v57  }
0x19e: {  	v61 =	vld [tilespmem:s30+$0xB0];
	[tilespmem:s24+$0x20] =	vst v60;
	v62 =	vsel vm1, v2, v10  }
0x19f: {  	v63 =	vld [tilespmem:s31+$0xB0];
	[tilespmem:s6+$0x20] =	vst v62;
	v0 =	vsel vm1, v0, v11  }
0x1a0: {  	v1 =	vld [tilespmem:s25+$0xB0];
	[tilespmem:s7+$0x20] =	vst v0  }
0x1a1: {  	[tilespmem:s21+$0x70] =	vst v5;
	v0 =	vld [tilespmem:s26+$0xB0]  }
0x1a2: {  	v3 =	vld [tilespmem:s23+$0xC0];
	[tilespmem:s20+$0x30] =	vst v59  }
0x1a3: {  	v5 =	vld [tilespmem:s9+$0xC0];
	[tilespmem:s22+$0x30] =	vst v61  }
0x1a4: {  	v4 =	vld [tilespmem:s30+$0xC0];
	[tilespmem:s24+$0x30] =	vst v63  }
0x1a5: {  	v2 =	vld [tilespmem:s31+$0xC0];
	[tilespmem:s6+$0x30] =	vst v1  }
0x1a6: {  	v1 =	vld [tilespmem:s25+$0xC0];
	[tilespmem:s7+$0x30] =	vst v0  }
0x1a7: {  	[tilespmem:s19+$0x40] =	vst v3;
	v0 =	vld [tilespmem:s26+$0xC0]  }
0x1a8: {  	v3 =	vld [tilespmem:s23+$0xD0];
	[tilespmem:s20+$0x40] =	vst v5  }
0x1a9: {  	v5 =	vld [tilespmem:s9+$0xD0];
	[tilespmem:s22+$0x40] =	vst v4  }
0x1aa: {  	v4 =	vld [tilespmem:s30+$0xD0];
	[tilespmem:s24+$0x40] =	vst v2  }
0x1ab: {  	v2 =	vld [tilespmem:s31+$0xD0];
	[tilespmem:s6+$0x40] =	vst v1  }
0x1ac: {  	v1 =	vld [tilespmem:s25+$0xD0];
	[tilespmem:s7+$0x40] =	vst v0  }
0x1ad: {  	[tilespmem:s19+$0x50] =	vst v3;
	v0 =	vld [tilespmem:s26+$0xD0]  }
0x1ae: {  	v3 =	vld [tilespmem:s23+$0xE0];
	[tilespmem:s20+$0x50] =	vst v5  }
0x1af: {  	v5 =	vld [tilespmem:s9+$0xE0];
	[tilespmem:s22+$0x50] =	vst v4  }
0x1b0: {  	v4 =	vld [tilespmem:s30+$0xE0];
	[tilespmem:s24+$0x50] =	vst v2  }
0x1b1: {  	v2 =	vld [tilespmem:s31+$0xE0];
	[tilespmem:s6+$0x50] =	vst v1  }
0x1b2: {  	v1 =	vld [tilespmem:s25+$0xE0];
	[tilespmem:s7+$0x50] =	vst v0  }
0x1b3: {  	[tilespmem:s19+$0x60] =	vst v3;
	v0 =	vld [tilespmem:s26+$0xE0]  }
0x1b4: {  	v3 =	vld [tilespmem:s23+$0xF0];
	[tilespmem:s20+$0x60] =	vst v5  }
0x1b5: {  	v5 =	vld [tilespmem:s9+$0xF0];
	[tilespmem:s22+$0x60] =	vst v4  }
0x1b6: {  	v4 =	vld [tilespmem:s30+$0xF0];
	[tilespmem:s24+$0x60] =	vst v2  }
0x1b7: {  	v2 =	vld [tilespmem:s31+$0xF0];
	[tilespmem:s6+$0x60] =	vst v1  }
0x1b8: {  	v1 =	vld [tilespmem:s25+$0xF0];
	[tilespmem:s7+$0x60] =	vst v0  }
0x1b9: {  	[tilespmem:s19+$0x70] =	vst v3;
	v0 =	vld [tilespmem:s26+$0xF0]  }
0x1ba: {  	[tilespmem:s20+$0x70] =	vst v5  }
0x1bb: {  	[tilespmem:s22+$0x70] =	vst v4  }
0x1bc: {  	[tilespmem:s24+$0x70] =	vst v2  }
0x1bd: {  	[tilespmem:s6+$0x70] =	vst v1  }
0x1be: {  	[tilespmem:s7+$0x70] =	vst v0  }
0x1bf: {  	s29 =	simm.s32 $0x1;
	s19 =	simm.s32 $0x0;
	s28 =	rddreg [dreg:$0x5]  }
0x1c0: {  	[hbm4b:s28+s19] =	stream.linear.scatter [tilespmem:s15], [sflag:$0x2], $0x8000, $0x38;
	[tilespmem:$0x1A980] =	vst v63  }
0x1c1: {  	_ =	swait.ge [sflag:s29], $0x8000  }
0x1c2: {  	[sflag:s29] =	ssyncset.done $0x0  }
0x1c3: {  	s30 =	simm.s32 $0x2;
	[sflag:s29] =	ssyncadd.s32 $0xFFFF8000  }
0x1c4: {  	_ =	swait.ge [sflag:s30], $0x8000  }
0x1c5: {  	[sflag:s30] =	ssyncset.done $0x0  }
0x1c6: {  	s20 =	simm.s32 $0x7000;
	s31 =	rddreg [dreg:$0x6];
	[sflag:s30] =	ssyncadd.s32 $0xFFFF8000  }
0x1c7: {  	[tilespmem:s20], [sflag:$0x3] =	stream.linear.gather [hbm4b:s31+s19], $0xC00, $0x38;
	[tilespmem:$0x1A980] =	vst v63  }
0x1c8: {  	_ =	swait.ge [sflag:s12], $0xC00  }
0x1c9: {  	[sflag:s12] =	ssyncset.done $0x0  }
0x1ca: {  	s21 =	simm.s32 $0x7180;
	[sflag:s12] =	ssyncadd.s32 $0xFFFFF400  }
.LBB2_6:
0x1cb: {  	p0 =	seq.s32 s19, $0x0;
	v0 =	vmov s20  }
0x1cc: {  	s0 =	simm.s32 @!p0 $0x1  }
0x1cd: {  	_ =	swait.ge @!p0 [sflag:s0], $0x8000  }
0x1ce: {  	[sflag:s0] =	ssyncset.done @!p0 $0x0  }
0x1cf: {  	s4 =	simm.s32 $0x0;
	[sflag:s0] =	ssyncadd.s32 @!p0 $0xFFFF8000  }
0x1d0: {  	v1 =	vld.idx.msk [tilespmem:v0+s4+$0x0 ss:$0x1], $0xffff;
	_ =	sdelay $0x4  }
0x1d1: {  	v1 =	vshll.u32 v1, $0xA  }
0x1d2: {  	v1 =	vshra.s32 v1, $0x2  }
0x1d3: {  	(v2sf) =	vpush v1, $0x0  }
0x1d4: {  	s5 =	simm.s32 $0x3  }
0x1d5: {  	v2 =	vld.idx.msk [tilespmem:v0+s5+$0x0 ss:$0x1], $0xffff;
	_ =	sdelay $0x4  }
0x1d6: {  	v2 =	vshll.u32 v2, $0xA  }
0x1d7: {  	v4 =	vshra.s32 v2, $0x2  }
0x1d8: {  	(v2sf) =	vpush v4, $0x0;
	_ =	sdelay $0x5  }
0x1d9: {  	s1 =	spop (v2sf)  }
0x1da: {  	s6 =	simm.s32 $0x6;
	v2 =	vld [tilespmem:s1+$0x1000]  }
0x1db: {  	v3 =	vld.idx.msk [tilespmem:v0+s6+$0x0 ss:$0x1], $0xffff;
	_ =	sdelay $0x2  }
0x1dc: {  	s25 =	simm.s32 $0xAA00  }
0x1dd: {  	[tilespmem:s25+$0xFFFFFF80] =	vst v2  }
0x1de: {  	v3 =	vshll.u32 v3, $0xA;
	v2 =	vld [tilespmem:s1+$0x1010]  }
0x1df: {  	v5 =	vshra.s32 v3, $0x2;
	(v2sf) =	vpush v1, $0x1  }
0x1e0: {  	s6 =	spop (v2sf);
	(v2sf) =	vpush v5, $0x0  }
0x1e1: {  	v3 =	vld [tilespmem:s6+$0x1000]  }
0x1e2: {  	s7 =	simm.s32 $0x9  }
0x1e3: {  	v6 =	vld.idx.msk [tilespmem:v0+s7+$0x0 ss:$0x1], $0xffff;
	[tilespmem:s25+$0xFFFFFF90] =	vst v2  }
0x1e4: {  	v2 =	vld [tilespmem:s1+$0x1020]  }
0x1e5: {  	s24 =	simm.s32 $0xAB00  }
0x1e6: {  	[tilespmem:s24+$0xFFFFFF80] =	vst v3  }
0x1e7: {  	v3 =	vld [tilespmem:s6+$0x1010];
	_ =	sdelay $0x1  }
0x1e8: {  	[tilespmem:s25+$0xFFFFFFA0] =	vst v2;
	v2 =	vshll.u32 v6, $0xA  }
0x1e9: {  	(v2sf) =	vpush v4, $0x1;
	v2 =	vshra.s32 v2, $0x2  }
0x1ea: {  	s4 =	simm.s32 $0xC;
	v7 =	vld [tilespmem:s1+$0x1030];
	(v2sf) =	vpush v2, $0x0  }
0x1eb: {  	v8 =	vld.idx.msk [tilespmem:v0+s4+$0x0 ss:$0x1], $0xffff;
	[tilespmem:s24+$0xFFFFFF90] =	vst v3  }
0x1ec: {  	v3 =	vld [tilespmem:s6+$0x1020]  }
0x1ed: {  	s9 =	spop (v2sf)  }
0x1ee: {  	s3 =	spop (v2sf)  }
0x1ef: {  	[tilespmem:s25+$0xFFFFFFB0] =	vst v7;
	v7 =	vld [tilespmem:s3+$0x1000]  }
0x1f0: {  	v6 =	vld [tilespmem:s1+$0x1040]  }
0x1f1: {  	[tilespmem:s24+$0xFFFFFFA0] =	vst v3;
	v3 =	vshll.u32 v8, $0xA  }
0x1f2: {  	v3 =	vshra.s32 v3, $0x2;
	(v2sf) =	vpush v5, $0x1  }
0x1f3: {  	s22 =	simm.s32 $0xAC00;
	(v2sf) =	vpush v3, $0x0  }
0x1f4: {  	v10 =	vld [tilespmem:s6+$0x1030];
	[tilespmem:s22+$0xFFFFFF80] =	vst v7  }
0x1f5: {  	[tilespmem:s25+$0xFFFFFFC0] =	vst v6;
	v7 =	vld [tilespmem:s3+$0x1010]  }
0x1f6: {  	v6 =	vld [tilespmem:s9+$0x1050]  }
0x1f7: {  	v9 =	vld [tilespmem:s1+$0x1050]  }
0x1f8: {  	s13 =	simm.s32 $0xF;
	s5 =	spop (v2sf)  }
0x1f9: {  	(v2sf) =	vpush v1, $0x2;
	v1 =	vld.idx.msk [tilespmem:v0+s13+$0x0 ss:$0x1], $0xffff;
	s11 =	spop (v2sf)  }
0x1fa: {  	[tilespmem:s22+$0xFFFFFF90] =	vst v7;
	v8 =	vld [tilespmem:s11+$0x1000]  }
0x1fb: {  	v7 =	vld [tilespmem:s3+$0x1020]  }
0x1fc: {  	[tilespmem:s24+$0xFFFFFFB0] =	vst v10;
	v6 =	vsel vm0, v9, v6  }
0x1fd: {  	v9 =	vld [tilespmem:s6+$0x1040];
	[tilespmem:s25+$0xFFFFFFD0] =	vst v6  }
0x1fe: {  	s23 =	simm.s32 $0xAD00;
	v6 =	vld [tilespmem:s9+$0x1060]  }
0x1ff: {  	[tilespmem:s23+$0xFFFFFF80] =	vst v8  }
0x200: {  	v1 =	vshll.u32 v1, $0xA;
	[tilespmem:s22+$0xFFFFFFA0] =	vst v7;
	v8 =	vld [tilespmem:s11+$0x1010]  }
0x201: {  	v1 =	vshra.s32 v1, $0x2;
	s1 =	spop (v2sf);
	(v2sf) =	vpush v2, $0x1;
	v7 =	vld [tilespmem:s3+$0x1030]  }
0x202: {  	s16 =	spop (v2sf);
	(v2sf) =	vpush v1, $0x0;
	[tilespmem:s24+$0xFFFFFFC0] =	vst v9  }
0x203: {  	v9 =	vld [tilespmem:s5+$0x1050];
	[tilespmem:s25+$0xFFFFFFE0] =	vst v6  }
0x204: {  	v6 =	vld [tilespmem:s9+$0x1070]  }
0x205: {  	v10 =	vld [tilespmem:s6+$0x1050];
	[tilespmem:s23+$0xFFFFFF90] =	vst v8  }
0x206: {  	[tilespmem:s22+$0xFFFFFFB0] =	vst v7;
	v7 =	vld [tilespmem:s16+$0x1000]  }
0x207: {  	v8 =	vld [tilespmem:s11+$0x1020]  }
0x208: {  	v11 =	vld [tilespmem:s3+$0x1040]  }
0x209: {  	[tilespmem:s25+$0xFFFFFFF0] =	vst v6  }
0x20a: {  	s26 =	simm.s32 $0xAE00;
	v6 =	vld [tilespmem:s9+$0x1080]  }
0x20b: {  	[tilespmem:s26+$0xFFFFFF80] =	vst v7  }
0x20c: {  	s7 =	simm.s32 $0x12;
	[tilespmem:s23+$0xFFFFFFA0] =	vst v8;
	v7 =	vld [tilespmem:s16+$0x1010]  }
0x20d: {  	v9 =	vsel vm0, v10, v9;
	[tilespmem:s22+$0xFFFFFFC0] =	vst v11;
	v11 =	vld.idx.msk [tilespmem:v0+s7+$0x0 ss:$0x1], $0xffff  }
0x20e: {  	[tilespmem:s24+$0xFFFFFFD0] =	vst v9;
	v8 =	vld [tilespmem:s11+$0x1030]  }
0x20f: {  	s13 =	spop (v2sf);
	[tilespmem:s25+$0x0] =	vst v6;
	v6 =	vld [tilespmem:s5+$0x1060]  }
0x210: {  	s0 =	spop (v2sf);
	v9 =	vld [tilespmem:s9+$0x1090]  }
0x211: {  	v12 =	vld [tilespmem:s3+$0x1050];
	s3 =	spop (v2sf)  }
0x212: {  	v13 =	vld [tilespmem:s3+$0x1000];
	[tilespmem:s26+$0xFFFFFF90] =	vst v7  }
0x213: {  	[tilespmem:s23+$0xFFFFFFB0] =	vst v8;
	v7 =	vld [tilespmem:s16+$0x1020]  }
0x214: {  	v8 =	vld [tilespmem:s11+$0x1040];
	[tilespmem:s24+$0xFFFFFFE0] =	vst v6  }
0x215: {  	v6 =	vld [tilespmem:s5+$0x1070];
	[tilespmem:s25+$0x10] =	vst v9  }
0x216: {  	v9 =	vld [tilespmem:s13+$0x10A0]  }
0x217: {  	(v2sf) =	vpush v4, $0x2;
	v4 =	vld [tilespmem:s9+$0x10A0]  }
0x218: {  	s28 =	simm.s32 $0xAF00;
	v10 =	vld [tilespmem:s1+$0x1050]  }
0x219: {  	s17 =	simm.s32 $0x15;
	(v2sf) =	vpush v3, $0x1;
	[tilespmem:s28+$0xFFFFFF80] =	vst v13  }
0x21a: {  	v13 =	vld.idx.msk [tilespmem:v0+s17+$0x0 ss:$0x1], $0xffff;
	[tilespmem:s24+$0xFFFFFFF0] =	vst v6  }
0x21b: {  	v11 =	vshll.u32 v11, $0xA;
	[tilespmem:s23+$0xFFFFFFC0] =	vst v8;
	v6 =	vld [tilespmem:s5+$0x1080]  }
0x21c: {  	[tilespmem:s26+$0xFFFFFFA0] =	vst v7;
	v8 =	vld [tilespmem:s0+$0x1050];
	v7 =	vsel vm1, v4, v9;
	v4 =	vshra.s32 v11, $0x2  }
0x21d: {  	v9 =	vsel vm0, v12, v10;
	v10 =	vld [tilespmem:s16+$0x1030];
	[tilespmem:s25+$0x20] =	vst v7;
	(v2sf) =	vpush v4, $0x0  }
0x21e: {  	v7 =	vld [tilespmem:s13+$0x10B0]  }
0x21f: {  	v12 =	vld [tilespmem:s3+$0x1010];
	[tilespmem:s22+$0xFFFFFFD0] =	vst v9  }
0x220: {  	[tilespmem:s24+$0x0] =	vst v6;
	v6 =	vld [tilespmem:s1+$0x1060]  }
0x221: {  	v9 =	vld [tilespmem:s5+$0x1090]  }
0x222: {  	v11 =	vld [tilespmem:s11+$0x1050];
	[tilespmem:s26+$0xFFFFFFB0] =	vst v10  }
0x223: {  	v10 =	vld [tilespmem:s16+$0x1040];
	[tilespmem:s25+$0x30] =	vst v7  }
0x224: {  	[tilespmem:s28+$0xFFFFFF90] =	vst v12;
	v7 =	vld [tilespmem:s13+$0x10C0]  }
0x225: {  	v12 =	vld [tilespmem:s3+$0x1020];
	[tilespmem:s22+$0xFFFFFFE0] =	vst v6  }
0x226: {  	s30 =	spop (v2sf);
	v6 =	vld [tilespmem:s1+$0x1070];
	[tilespmem:s24+$0x10] =	vst v9  }
0x227: {  	v8 =	vsel vm0, v11, v8;
	v9 =	vld [tilespmem:s30+$0x10A0]  }
0x228: {  	s31 =	spop (v2sf);
	(v2sf) =	vpush v5, $0x2;
	[tilespmem:s23+$0xFFFFFFD0] =	vst v8;
	v14 =	vld [tilespmem:s5+$0x10A0]  }
0x229: {  	v11 =	vld [tilespmem:s0+$0x1060];
	[tilespmem:s25+$0x40] =	vst v7  }
0x22a: {  	[tilespmem:s26+$0xFFFFFFC0] =	vst v10;
	v15 =	vld [tilespmem:s13+$0x10D0]  }
0x22b: {  	v7 =	vld [tilespmem:s16+$0x1050];
	[tilespmem:s22+$0xFFFFFFF0] =	vst v6  }
0x22c: {  	v5 =	vshll.u32 v13, $0xA;
	s7 =	spop (v2sf);
	v10 =	vld [tilespmem:s1+$0x1080]  }
0x22d: {  	v5 =	vshra.s32 v5, $0x2;
	[tilespmem:s28+$0xFFFFFFA0] =	vst v12;
	(v2sf) =	vpush v1, $0x1;
	v9 =	vsel vm1, v14, v9;
	v12 =	vld [tilespmem:s7+$0x1000]  }
0x22e: {  	(v2sf) =	vpush v5, $0x0;
	[tilespmem:s24+$0x20] =	vst v9;
	v9 =	vld [tilespmem:s3+$0x1030]  }
0x22f: {  	[tilespmem:s25+$0x50] =	vst v15;
	v14 =	vld [tilespmem:s30+$0x10B0]  }
0x230: {  	v15 =	vld [tilespmem:s13+$0x10E0]  }
0x231: {  	s29 =	simm.s32 $0xB000;
	v6 =	vld [tilespmem:s31+$0x1050];
	[tilespmem:s22+$0x0] =	vst v10  }
0x232: {  	[tilespmem:s29+$0xFFFFFF80] =	vst v12;
	v10 =	vld [tilespmem:s1+$0x1090]  }
0x233: {  	v12 =	vld [tilespmem:s7+$0x1010];
	[tilespmem:s28+$0xFFFFFFB0] =	vst v9  }
0x234: {  	v9 =	vld [tilespmem:s3+$0x1040];
	[tilespmem:s24+$0x30] =	vst v14  }
0x235: {  	s4 =	simm.s32 $0x60;
	v8 =	vld [tilespmem:s30+$0x10C0];
	[tilespmem:s25+$0x60] =	vst v15  }
.LBB2_7:
0x236: {  	s5 =	sshra.s32 s4, $0x2;
	p1 =	sne.s32 s4, $0x5F4;
	s4 =	sadd.s32 $0xC, s4;
	[tilespmem:s23+$0xFFFFFFE0] =	vst v11;
	v11 =	vld [tilespmem:s13+$0x10F0]  }
0x237: {  	s13 =	smov.u32 s30;
	v13 =	vld [tilespmem:s0+$0x1070];
	[tilespmem:s22+$0x10] =	vst v10;
	s30 =	spop (v2sf)  }
0x238: {  	v10 =	vld [tilespmem:s30+$0x10A0]  }
0x239: {  	v14 =	vld.idx.msk [tilespmem:v0+s5+$0x0 ss:$0x1], $0xffff;
	[tilespmem:s29+$0xFFFFFF90] =	vst v12;
	v12 =	vsel vm0, v7, v6  }
0x23a: {  	v15 =	vld [tilespmem:s7+$0x1020];
	[tilespmem:s24+$0x40] =	vst v8  }
0x23b: {  	(v2sf) =	vpush v2, $0x2;
	v8 =	vld [tilespmem:s1+$0x10A0];
	[tilespmem:s25+$0x70] =	vst v11;
	v2 =	vmovc v3;
	v3 =	vmovc v1;
	v1 =	vmov v4;
	v4 =	vmov v5;
	s1 =	smov.u32 s0;
	s0 =	smov.u32 s31;
	s25 =	smov.u32 s24  }
0x23c: {  	s24 =	smov.u32 s22;
	s22 =	smov.u32 s23;
	s31 =	spop (v2sf);
	[tilespmem:s23+$0xFFFFFFF0] =	vst v13;
	v11 =	vld [tilespmem:s13+$0x10D0]  }
0x23d: {  	s23 =	smov.u32 s26;
	s26 =	smov.u32 s28;
	s5 =	spop (v2sf);
	[tilespmem:s28+$0xFFFFFFC0] =	vst v9;
	v9 =	vld [tilespmem:s1+$0x1080]  }
0x23e: {  	s28 =	smov.u32 s29;
	v6 =	vld [tilespmem:s31+$0x1050]  }
0x23f: {  	v5 =	vshll.u32 v14, $0xA;
	v7 =	vld [tilespmem:s3+$0x1050];
	[tilespmem:s23+$0xFFFFFFD0] =	vst v12;
	s3 =	smov.u32 s7;
	s7 =	smov.u32 s5  }
0x240: {  	s29 =	sadd.s32 $0x100, s29;
	v5 =	vshra.s32 v5, $0x2;
	v12 =	vld [tilespmem:s7+$0x1000];
	[tilespmem:s28+$0xFFFFFFA0] =	vst v15;
	(v2sf) =	vpush v1, $0x1;
	v8 =	vsel vm1, v8, v10  }
0x241: {  	(v2sf) =	vpush v5, $0x0;
	v13 =	vld [tilespmem:s3+$0x1030];
	[tilespmem:s24+$0x20] =	vst v8  }
0x242: {  	v8 =	vld [tilespmem:s30+$0x10B0];
	[tilespmem:s25+$0x50] =	vst v11  }
0x243: {  	[tilespmem:s22+$0x0] =	vst v9;
	v14 =	vld [tilespmem:s13+$0x10E0]  }
.Ltmp2:
0x244: {  	v11 =	vld [tilespmem:s0+$0x1060];
	(pc) =	sbr.rel @p1 .LBB2_7-.Ltmp2, $4  }
0x245: {  	[tilespmem:s29+$0xFFFFFF80] =	vst v12;
	v10 =	vld [tilespmem:s1+$0x1090]  }
0x246: {  	v12 =	vld [tilespmem:s7+$0x1010];
	[tilespmem:s28+$0xFFFFFFB0] =	vst v13  }
0x247: {  	v9 =	vld [tilespmem:s3+$0x1040];
	[tilespmem:s24+$0x30] =	vst v8  }
0x248: {  	v8 =	vld [tilespmem:s30+$0x10C0];
	[tilespmem:s25+$0x60] =	vst v14  }
0x249: {  	_ =	sdelay $0x4  }
0x24a: {  	s6 =	spop (v2sf)  }
0x24b: {  	s9 =	spop (v2sf)  }
0x24c: {  	s11 =	spop (v2sf)  }
0x24d: {  	v0 =	vld [tilespmem:s11+$0x1000];
	_ =	sdelay $0x3  }
0x24e: {  	s5 =	sadd.s32 $0x100, s29  }
0x24f: {  	[tilespmem:s5+$0xFFFFFF80] =	vst v0  }
0x250: {  	v0 =	vld [tilespmem:s11+$0x1010];
	_ =	sdelay $0x2  }
0x251: {  	[tilespmem:s29+$0xFFFFFF90] =	vst v12  }
0x252: {  	v12 =	vld [tilespmem:s7+$0x1020]  }
0x253: {  	[tilespmem:s5+$0xFFFFFF90] =	vst v0  }
0x254: {  	(v2sf) =	vpush v2, $0x2;
	v0 =	vld [tilespmem:s11+$0x1020]  }
0x255: {  	(v2sf) =	vpush v4, $0x1  }
0x256: {  	[tilespmem:s23+$0xFFFFFFE0] =	vst v11;
	(v2sf) =	vpush v3, $0x2  }
0x257: {  	v3 =	vld [tilespmem:s0+$0x1070];
	[tilespmem:s29+$0xFFFFFFA0] =	vst v12;
	(v2sf) =	vpush v5, $0x1  }
0x258: {  	[tilespmem:s28+$0xFFFFFFC0] =	vst v9;
	v2 =	vld [tilespmem:s7+$0x1030]  }
0x259: {  	v9 =	vld [tilespmem:s3+$0x1050];
	[tilespmem:s5+$0xFFFFFFA0] =	vst v0  }
0x25a: {  	v0 =	vld [tilespmem:s11+$0x1030]  }
0x25b: {  	v6 =	vsel vm0, v7, v6;
	v7 =	vld [tilespmem:s9+$0x1050]  }
0x25c: {  	[tilespmem:s23+$0xFFFFFFF0] =	vst v3  }
0x25d: {  	v3 =	vld [tilespmem:s0+$0x1080];
	[tilespmem:s29+$0xFFFFFFB0] =	vst v2  }
0x25e: {  	v2 =	vld [tilespmem:s7+$0x1040]  }
0x25f: {  	[tilespmem:s5+$0xFFFFFFB0] =	vst v0  }
0x260: {  	[tilespmem:s26+$0xFFFFFFD0] =	vst v6;
	v7 =	vsel vm0, v9, v7;
	v0 =	vld [tilespmem:s11+$0x1040]  }
0x261: {  	[tilespmem:s28+$0xFFFFFFD0] =	vst v7  }
0x262: {  	v6 =	vld [tilespmem:s31+$0x1060];
	[tilespmem:s23+$0x0] =	vst v3  }
0x263: {  	s3 =	spop (v2sf);
	v3 =	vld [tilespmem:s9+$0x1060];
	[tilespmem:s29+$0xFFFFFFC0] =	vst v2  }
0x264: {  	s4 =	spop (v2sf);
	v11 =	vld [tilespmem:s7+$0x1050]  }
0x265: {  	v2 =	vld [tilespmem:s4+$0x1050];
	s16 =	spop (v2sf);
	[tilespmem:s5+$0xFFFFFFC0] =	vst v0  }
0x266: {  	s17 =	spop (v2sf);
	v0 =	vld [tilespmem:s11+$0x1050]  }
0x267: {  	v12 =	vld [tilespmem:s17+$0x1050]  }
0x268: {  	[tilespmem:s22+$0x10] =	vst v10  }
0x269: {  	v10 =	vld [tilespmem:s6+$0x10A0];
	[tilespmem:s26+$0xFFFFFFE0] =	vst v6  }
0x26a: {  	v6 =	vld [tilespmem:s31+$0x1070];
	v2 =	vsel vm0, v11, v2  }
0x26b: {  	v9 =	vld [tilespmem:s1+$0x10A0];
	[tilespmem:s29+$0xFFFFFFD0] =	vst v2  }
0x26c: {  	[tilespmem:s28+$0xFFFFFFE0] =	vst v3;
	v2 =	vld [tilespmem:s4+$0x1060];
	v0 =	vsel vm0, v0, v12  }
0x26d: {  	v3 =	vld [tilespmem:s9+$0x1070];
	[tilespmem:s5+$0xFFFFFFD0] =	vst v0  }
0x26e: {  	v0 =	vld [tilespmem:s17+$0x1060]  }
0x26f: {  	v13 =	vld [tilespmem:s13+$0x10F0];
	[tilespmem:s24+$0x40] =	vst v8;
	(v2sf) =	vpush v1, $0x2  }
0x270: {  	[tilespmem:s26+$0xFFFFFFF0] =	vst v6;
	v7 =	vld [tilespmem:s0+$0x1090]  }
0x271: {  	(v2sf) =	vpush v4, $0x2;
	v4 =	vld [tilespmem:s30+$0x10D0];
	[tilespmem:s29+$0xFFFFFFE0] =	vst v2  }
0x272: {  	[tilespmem:s28+$0xFFFFFFF0] =	vst v3;
	v1 =	vld [tilespmem:s4+$0x1070]  }
0x273: {  	v6 =	vsel vm1, v9, v10;
	v3 =	vld [tilespmem:s9+$0x1080];
	[tilespmem:s5+$0xFFFFFFE0] =	vst v0  }
0x274: {  	[tilespmem:s22+$0x20] =	vst v6;
	v0 =	vld [tilespmem:s17+$0x1070]  }
0x275: {  	(v2sf) =	vpush v5, $0x2;
	v5 =	vld [tilespmem:s6+$0x10B0]  }
0x276: {  	[tilespmem:s23+$0x10] =	vst v7;
	v2 =	vld [tilespmem:s31+$0x1080]  }
0x277: {  	v7 =	vld [tilespmem:s0+$0x10A0];
	[tilespmem:s29+$0xFFFFFFF0] =	vst v1  }
0x278: {  	[tilespmem:s28+$0x0] =	vst v3;
	v1 =	vld [tilespmem:s4+$0x1080]  }
0x279: {  	v3 =	vld [tilespmem:s9+$0x1090];
	[tilespmem:s5+$0xFFFFFFF0] =	vst v0  }
0x27a: {  	v0 =	vld [tilespmem:s17+$0x1080]  }
0x27b: {  	v6 =	vld [tilespmem:s3+$0x10A0];
	[tilespmem:s26+$0x0] =	vst v2  }
0x27c: {  	[tilespmem:s24+$0x50] =	vst v4;
	v2 =	vld [tilespmem:s31+$0x1090]  }
0x27d: {  	v4 =	vld [tilespmem:s30+$0x10E0];
	[tilespmem:s29+$0x0] =	vst v1  }
0x27e: {  	s1 =	spop (v2sf);
	[tilespmem:s28+$0x10] =	vst v3;
	v1 =	vld [tilespmem:s4+$0x1090]  }
0x27f: {  	v3 =	vld [tilespmem:s1+$0x10A0];
	[tilespmem:s5+$0x0] =	vst v0  }
0x280: {  	v0 =	vld [tilespmem:s17+$0x1090]  }
0x281: {  	v9 =	vld [tilespmem:s9+$0x10A0];
	[tilespmem:s26+$0x10] =	vst v2  }
0x282: {  	v2 =	vld [tilespmem:s16+$0x10A0]  }
0x283: {  	s9 =	spop (v2sf);
	v8 =	vld [tilespmem:s31+$0x10A0];
	[tilespmem:s29+$0x10] =	vst v1  }
0x284: {  	v1 =	vld [tilespmem:s9+$0x10A0]  }
0x285: {  	s13 =	spop (v2sf);
	v10 =	vld [tilespmem:s4+$0x10A0];
	[tilespmem:s5+$0x10] =	vst v0  }
0x286: {  	[tilespmem:s22+$0x30] =	vst v5;
	v0 =	vld [tilespmem:s13+$0x10A0]  }
0x287: {  	[tilespmem:s24+$0x60] =	vst v4;
	v4 =	vsel vm1, v7, v6;
	v5 =	vld [tilespmem:s17+$0x10A0]  }
0x288: {  	[tilespmem:s23+$0x20] =	vst v4;
	v2 =	vsel vm1, v8, v2  }
0x289: {  	v4 =	vld [tilespmem:s3+$0x10B0];
	[tilespmem:s26+$0x20] =	vst v2;
	v2 =	vsel vm1, v9, v3  }
0x28a: {  	v3 =	vld [tilespmem:s16+$0x10B0];
	[tilespmem:s28+$0x20] =	vst v2;
	v1 =	vsel vm1, v10, v1  }
0x28b: {  	v2 =	vld [tilespmem:s1+$0x10B0];
	[tilespmem:s29+$0x20] =	vst v1  }
0x28c: {  	[tilespmem:s25+$0x70] =	vst v13;
	v1 =	vld [tilespmem:s9+$0x10B0];
	v0 =	vsel vm1, v5, v0  }
0x28d: {  	v6 =	vld [tilespmem:s6+$0x10C0];
	[tilespmem:s5+$0x20] =	vst v0  }
0x28e: {  	[tilespmem:s23+$0x30] =	vst v4;
	v0 =	vld [tilespmem:s13+$0x10B0]  }
0x28f: {  	v4 =	vld [tilespmem:s3+$0x10C0];
	[tilespmem:s26+$0x30] =	vst v3  }
0x290: {  	v3 =	vld [tilespmem:s16+$0x10C0];
	[tilespmem:s28+$0x30] =	vst v2  }
0x291: {  	v2 =	vld [tilespmem:s1+$0x10C0];
	[tilespmem:s29+$0x30] =	vst v1  }
0x292: {  	[tilespmem:s22+$0x40] =	vst v6;
	v1 =	vld [tilespmem:s9+$0x10C0]  }
0x293: {  	v5 =	vld [tilespmem:s30+$0x10F0];
	[tilespmem:s5+$0x30] =	vst v0  }
0x294: {  	[tilespmem:s23+$0x40] =	vst v4;
	v0 =	vld [tilespmem:s13+$0x10C0]  }
0x295: {  	v4 =	vld [tilespmem:s3+$0x10D0];
	[tilespmem:s26+$0x40] =	vst v3  }
0x296: {  	v3 =	vld [tilespmem:s16+$0x10D0];
	[tilespmem:s28+$0x40] =	vst v2  }
0x297: {  	v2 =	vld [tilespmem:s1+$0x10D0];
	[tilespmem:s29+$0x40] =	vst v1  }
0x298: {  	v1 =	vld [tilespmem:s9+$0x10D0];
	[tilespmem:s24+$0x70] =	vst v5  }
0x299: {  	v5 =	vld [tilespmem:s6+$0x10D0];
	[tilespmem:s5+$0x40] =	vst v0  }
0x29a: {  	[tilespmem:s23+$0x50] =	vst v4;
	v0 =	vld [tilespmem:s13+$0x10D0]  }
0x29b: {  	v4 =	vld [tilespmem:s3+$0x10E0];
	[tilespmem:s26+$0x50] =	vst v3  }
0x29c: {  	v3 =	vld [tilespmem:s16+$0x10E0];
	[tilespmem:s28+$0x50] =	vst v2  }
0x29d: {  	v2 =	vld [tilespmem:s1+$0x10E0];
	[tilespmem:s29+$0x50] =	vst v1  }
0x29e: {  	v1 =	vld [tilespmem:s9+$0x10E0];
	[tilespmem:s22+$0x50] =	vst v5  }
0x29f: {  	v5 =	vld [tilespmem:s6+$0x10E0];
	[tilespmem:s5+$0x50] =	vst v0  }
0x2a0: {  	[tilespmem:s23+$0x60] =	vst v4;
	v0 =	vld [tilespmem:s13+$0x10E0]  }
0x2a1: {  	v4 =	vld [tilespmem:s3+$0x10F0];
	[tilespmem:s26+$0x60] =	vst v3  }
0x2a2: {  	v3 =	vld [tilespmem:s16+$0x10F0];
	[tilespmem:s28+$0x60] =	vst v2  }
0x2a3: {  	v2 =	vld [tilespmem:s1+$0x10F0];
	[tilespmem:s29+$0x60] =	vst v1  }
0x2a4: {  	v1 =	vld [tilespmem:s9+$0x10F0];
	[tilespmem:s22+$0x60] =	vst v5  }
0x2a5: {  	v5 =	vld [tilespmem:s6+$0x10F0];
	[tilespmem:s5+$0x60] =	vst v0  }
0x2a6: {  	[tilespmem:s23+$0x70] =	vst v4;
	v0 =	vld [tilespmem:s13+$0x10F0]  }
0x2a7: {  	[tilespmem:s26+$0x70] =	vst v3  }
0x2a8: {  	[tilespmem:s28+$0x70] =	vst v2  }
0x2a9: {  	[tilespmem:s29+$0x70] =	vst v1  }
0x2aa: {  	s16 =	sshll.u32 s19, $0xD;
	[tilespmem:s22+$0x70] =	vst v5  }
0x2ab: {  	s0 =	sadd.s32 s16, s8;
	[tilespmem:s5+$0x70] =	vst v0  }
0x2ac: {  	v0 =	vmov s21;
	[hbm4b:s0+s2] =	stream.linear.scatter [tilespmem:s14], [sflag:$0x1], $0x8000, $0x38;
	[tilespmem:$0x1A980] =	vst v63  }
0x2ad: {  	s0 =	simm.s32 @!p0 $0x2  }
0x2ae: {  	_ =	swait.ge @!p0 [sflag:s0], $0x8000  }
0x2af: {  	[sflag:s0] =	ssyncset.done @!p0 $0x0  }
0x2b0: {  	s17 =	simm.s32 $0x0;
	[sflag:s0] =	ssyncadd.s32 @!p0 $0xFFFF8000  }
0x2b1: {  	v1 =	vld.idx.msk [tilespmem:v0+s17+$0x0 ss:$0x1], $0xffff;
	_ =	sdelay $0x4  }
0x2b2: {  	v1 =	vshll.u32 v1, $0xA  }
0x2b3: {  	v1 =	vshra.s32 v1, $0x2  }
0x2b4: {  	(v2sf) =	vpush v1, $0x0;
	_ =	sdelay $0x2  }
0x2b5: {  	s22 =	simm.s32 $0x3  }
0x2b6: {  	v2 =	vld.idx.msk [tilespmem:v0+s22+$0x0 ss:$0x1], $0xffff;
	_ =	sdelay $0x4  }
0x2b7: {  	v2 =	vshll.u32 v2, $0xA  }
0x2b8: {  	v4 =	vshra.s32 v2, $0x2  }
0x2b9: {  	(v2sf) =	vpush v4, $0x0;
	_ =	sdelay $0x3  }
0x2ba: {  	s23 =	spop (v2sf)  }
0x2bb: {  	s24 =	simm.s32 $0x6;
	v2 =	vld [tilespmem:s23+$0x1000]  }
0x2bc: {  	v3 =	vld.idx.msk [tilespmem:v0+s24+$0x0 ss:$0x1], $0xffff;
	_ =	sdelay $0x2  }
0x2bd: {  	s25 =	simm.s32 $0x12A00  }
0x2be: {  	[tilespmem:s25+$0xFFFFFF80] =	vst v2  }
0x2bf: {  	v3 =	vshll.u32 v3, $0xA;
	v2 =	vld [tilespmem:s23+$0x1010]  }
0x2c0: {  	v5 =	vshra.s32 v3, $0x2;
	(v2sf) =	vpush v1, $0x1  }
0x2c1: {  	(v2sf) =	vpush v5, $0x0  }
0x2c2: {  	s4 =	simm.s32 $0x9  }
0x2c3: {  	v6 =	vld.idx.msk [tilespmem:v0+s4+$0x0 ss:$0x1], $0xffff;
	s26 =	spop (v2sf)  }
0x2c4: {  	v3 =	vld [tilespmem:s26+$0x1000];
	[tilespmem:s25+$0xFFFFFF90] =	vst v2  }
0x2c5: {  	v2 =	vld [tilespmem:s23+$0x1020];
	_ =	sdelay $0x2  }
0x2c6: {  	s24 =	simm.s32 $0x12B00  }
0x2c7: {  	[tilespmem:s24+$0xFFFFFF80] =	vst v3  }
0x2c8: {  	v3 =	vld [tilespmem:s26+$0x1010];
	[tilespmem:s25+$0xFFFFFFA0] =	vst v2;
	v2 =	vshll.u32 v6, $0xA  }
0x2c9: {  	(v2sf) =	vpush v4, $0x1;
	v2 =	vshra.s32 v2, $0x2  }
0x2ca: {  	v7 =	vld [tilespmem:s23+$0x1030];
	(v2sf) =	vpush v2, $0x0;
	_ =	sdelay $0x1  }
0x2cb: {  	s16 =	simm.s32 $0xC  }
0x2cc: {  	v8 =	vld.idx.msk [tilespmem:v0+s16+$0x0 ss:$0x1], $0xffff;
	s5 =	spop (v2sf);
	[tilespmem:s24+$0xFFFFFF90] =	vst v3  }
0x2cd: {  	s4 =	spop (v2sf);
	v3 =	vld [tilespmem:s26+$0x1020]  }
0x2ce: {  	[tilespmem:s25+$0xFFFFFFB0] =	vst v7;
	v7 =	vld [tilespmem:s4+$0x1000]  }
0x2cf: {  	v6 =	vld [tilespmem:s23+$0x1040];
	_ =	sdelay $0x2  }
0x2d0: {  	s22 =	simm.s32 $0x12C00;
	[tilespmem:s24+$0xFFFFFFA0] =	vst v3  }
0x2d1: {  	v3 =	vshll.u32 v8, $0xA;
	v10 =	vld [tilespmem:s26+$0x1030];
	[tilespmem:s22+$0xFFFFFF80] =	vst v7  }
0x2d2: {  	v3 =	vshra.s32 v3, $0x2;
	(v2sf) =	vpush v5, $0x1;
	[tilespmem:s25+$0xFFFFFFC0] =	vst v6;
	v7 =	vld [tilespmem:s4+$0x1010]  }
0x2d3: {  	(v2sf) =	vpush v3, $0x0;
	v6 =	vld [tilespmem:s5+$0x1050]  }
0x2d4: {  	v9 =	vld [tilespmem:s23+$0x1050]  }
0x2d5: {  	s3 =	spop (v2sf)  }
0x2d6: {  	s17 =	spop (v2sf)  }
0x2d7: {  	[tilespmem:s22+$0xFFFFFF90] =	vst v7;
	v8 =	vld [tilespmem:s17+$0x1000]  }
0x2d8: {  	v7 =	vld [tilespmem:s4+$0x1020]  }
0x2d9: {  	[tilespmem:s24+$0xFFFFFFB0] =	vst v10;
	v6 =	vsel vm0, v9, v6  }
0x2da: {  	v9 =	vld [tilespmem:s26+$0x1040];
	[tilespmem:s25+$0xFFFFFFD0] =	vst v6  }
0x2db: {  	s23 =	simm.s32 $0x12D00;
	v6 =	vld [tilespmem:s5+$0x1060]  }
0x2dc: {  	[tilespmem:s23+$0xFFFFFF80] =	vst v8  }
0x2dd: {  	[tilespmem:s22+$0xFFFFFFA0] =	vst v7;
	v8 =	vld [tilespmem:s17+$0x1010]  }
0x2de: {  	s9 =	simm.s32 $0xF;
	v7 =	vld [tilespmem:s4+$0x1030]  }
0x2df: {  	(v2sf) =	vpush v1, $0x2;
	v1 =	vld.idx.msk [tilespmem:v0+s9+$0x0 ss:$0x1], $0xffff;
	[tilespmem:s24+$0xFFFFFFC0] =	vst v9  }
0x2e0: {  	v9 =	vld [tilespmem:s3+$0x1050];
	[tilespmem:s25+$0xFFFFFFE0] =	vst v6  }
0x2e1: {  	s1 =	spop (v2sf);
	v6 =	vld [tilespmem:s5+$0x1070]  }
0x2e2: {  	s11 =	spop (v2sf);
	v10 =	vld [tilespmem:s26+$0x1050];
	[tilespmem:s23+$0xFFFFFF90] =	vst v8  }
0x2e3: {  	[tilespmem:s22+$0xFFFFFFB0] =	vst v7;
	v7 =	vld [tilespmem:s11+$0x1000]  }
0x2e4: {  	v1 =	vshll.u32 v1, $0xA;
	v8 =	vld [tilespmem:s17+$0x1020]  }
0x2e5: {  	v1 =	vshra.s32 v1, $0x2;
	(v2sf) =	vpush v2, $0x1;
	v11 =	vld [tilespmem:s4+$0x1040]  }
0x2e6: {  	(v2sf) =	vpush v1, $0x0;
	[tilespmem:s25+$0xFFFFFFF0] =	vst v6  }
0x2e7: {  	s26 =	simm.s32 $0x12E00;
	v6 =	vld [tilespmem:s5+$0x1080]  }
0x2e8: {  	[tilespmem:s26+$0xFFFFFF80] =	vst v7  }
0x2e9: {  	s16 =	simm.s32 $0x12;
	[tilespmem:s23+$0xFFFFFFA0] =	vst v8;
	v7 =	vld [tilespmem:s11+$0x1010]  }
0x2ea: {  	v9 =	vsel vm0, v10, v9;
	[tilespmem:s22+$0xFFFFFFC0] =	vst v11;
	v11 =	vld.idx.msk [tilespmem:v0+s16+$0x0 ss:$0x1], $0xffff  }
0x2eb: {  	[tilespmem:s24+$0xFFFFFFD0] =	vst v9;
	v8 =	vld [tilespmem:s17+$0x1030]  }
0x2ec: {  	[tilespmem:s25+$0x0] =	vst v6;
	v6 =	vld [tilespmem:s3+$0x1060]  }
0x2ed: {  	v9 =	vld [tilespmem:s5+$0x1090]  }
0x2ee: {  	v10 =	vld [tilespmem:s1+$0x1050]  }
0x2ef: {  	v12 =	vld [tilespmem:s4+$0x1050];
	[tilespmem:s26+$0xFFFFFF90] =	vst v7  }
0x2f0: {  	[tilespmem:s23+$0xFFFFFFB0] =	vst v8;
	v7 =	vld [tilespmem:s11+$0x1020]  }
0x2f1: {  	v8 =	vld [tilespmem:s17+$0x1040];
	[tilespmem:s24+$0xFFFFFFE0] =	vst v6  }
0x2f2: {  	s13 =	spop (v2sf);
	v6 =	vld [tilespmem:s3+$0x1070];
	[tilespmem:s25+$0x10] =	vst v9  }
0x2f3: {  	v9 =	vld [tilespmem:s13+$0x10A0]  }
0x2f4: {  	(v2sf) =	vpush v4, $0x2;
	s0 =	spop (v2sf);
	v4 =	vld [tilespmem:s5+$0x10A0]  }
0x2f5: {  	s5 =	spop (v2sf)  }
0x2f6: {  	(v2sf) =	vpush v3, $0x1;
	v13 =	vld [tilespmem:s5+$0x1000];
	[tilespmem:s23+$0xFFFFFFC0] =	vst v8  }
0x2f7: {  	[tilespmem:s24+$0xFFFFFFF0] =	vst v6;
	v8 =	vld [tilespmem:s0+$0x1050]  }
0x2f8: {  	v11 =	vshll.u32 v11, $0xA;
	[tilespmem:s26+$0xFFFFFFA0] =	vst v7;
	v6 =	vld [tilespmem:s3+$0x1080]  }
0x2f9: {  	v7 =	vsel vm1, v4, v9;
	v9 =	vsel vm0, v12, v10;
	v4 =	vshra.s32 v11, $0x2;
	v10 =	vld [tilespmem:s11+$0x1030]  }
0x2fa: {  	s28 =	simm.s32 $0x12F00;
	v11 =	vld [tilespmem:s17+$0x1050];
	[tilespmem:s25+$0x20] =	vst v7;
	(v2sf) =	vpush v4, $0x0  }
0x2fb: {  	[tilespmem:s28+$0xFFFFFF80] =	vst v13;
	v7 =	vld [tilespmem:s13+$0x10B0]  }
0x2fc: {  	[tilespmem:s22+$0xFFFFFFD0] =	vst v9;
	v12 =	vld [tilespmem:s5+$0x1010]  }
0x2fd: {  	[tilespmem:s24+$0x0] =	vst v6;
	v6 =	vld [tilespmem:s1+$0x1060]  }
0x2fe: {  	s17 =	simm.s32 $0x15;
	v9 =	vld [tilespmem:s3+$0x1090]  }
0x2ff: {  	v13 =	vld.idx.msk [tilespmem:v0+s17+$0x0 ss:$0x1], $0xffff;
	[tilespmem:s26+$0xFFFFFFB0] =	vst v10  }
0x300: {  	v10 =	vld [tilespmem:s11+$0x1040];
	[tilespmem:s25+$0x30] =	vst v7  }
0x301: {  	[tilespmem:s28+$0xFFFFFF90] =	vst v12;
	v7 =	vld [tilespmem:s13+$0x10C0]  }
0x302: {  	v12 =	vld [tilespmem:s5+$0x1020];
	[tilespmem:s22+$0xFFFFFFE0] =	vst v6  }
0x303: {  	s31 =	spop (v2sf);
	v6 =	vld [tilespmem:s1+$0x1070];
	[tilespmem:s24+$0x10] =	vst v9  }
0x304: {  	v8 =	vsel vm0, v11, v8;
	v9 =	vld [tilespmem:s31+$0x10A0]  }
0x305: {  	[tilespmem:s23+$0xFFFFFFD0] =	vst v8;
	v14 =	vld [tilespmem:s3+$0x10A0];
	s3 =	spop (v2sf);
	(v2sf) =	vpush v5, $0x2  }
0x306: {  	v11 =	vld [tilespmem:s0+$0x1060];
	[tilespmem:s25+$0x40] =	vst v7  }
0x307: {  	[tilespmem:s26+$0xFFFFFFC0] =	vst v10;
	v15 =	vld [tilespmem:s13+$0x10D0]  }
0x308: {  	v7 =	vld [tilespmem:s11+$0x1050];
	[tilespmem:s22+$0xFFFFFFF0] =	vst v6  }
0x309: {  	v5 =	vshll.u32 v13, $0xA;
	s9 =	spop (v2sf);
	v10 =	vld [tilespmem:s1+$0x1080]  }
0x30a: {  	[tilespmem:s28+$0xFFFFFFA0] =	vst v12;
	v5 =	vshra.s32 v5, $0x2;
	(v2sf) =	vpush v1, $0x1;
	v9 =	vsel vm1, v14, v9;
	v12 =	vld [tilespmem:s9+$0x1000]  }
0x30b: {  	v14 =	vld [tilespmem:s5+$0x1030];
	(v2sf) =	vpush v5, $0x0;
	[tilespmem:s24+$0x20] =	vst v9  }
0x30c: {  	[tilespmem:s25+$0x50] =	vst v15;
	v15 =	vld [tilespmem:s31+$0x10B0]  }
0x30d: {  	v16 =	vld [tilespmem:s13+$0x10E0]  }
0x30e: {  	s29 =	simm.s32 $0x13000;
	v6 =	vld [tilespmem:s3+$0x1050];
	[tilespmem:s22+$0x0] =	vst v10  }
0x30f: {  	[tilespmem:s29+$0xFFFFFF80] =	vst v12;
	v9 =	vld [tilespmem:s1+$0x1090]  }
0x310: {  	[tilespmem:s28+$0xFFFFFFB0] =	vst v14;
	v12 =	vld [tilespmem:s9+$0x1010]  }
0x311: {  	v10 =	vld [tilespmem:s5+$0x1040];
	[tilespmem:s24+$0x30] =	vst v15  }
0x312: {  	s30 =	sshllo.u32 s19, $0x1;
	s4 =	simm.s32 $0x60;
	v8 =	vld [tilespmem:s31+$0x10C0];
	[tilespmem:s25+$0x60] =	vst v16  }
.LBB2_9:
0x313: {  	s6 =	sshra.s32 s4, $0x2;
	p0 =	sne.s32 s4, $0x5F4;
	s4 =	sadd.s32 $0xC, s4;
	[tilespmem:s23+$0xFFFFFFE0] =	vst v11;
	v11 =	vld [tilespmem:s13+$0x10F0]  }
0x314: {  	s13 =	smov.u32 s31;
	v13 =	vld [tilespmem:s0+$0x1070];
	[tilespmem:s22+$0x10] =	vst v9;
	s31 =	spop (v2sf)  }
0x315: {  	v9 =	vld [tilespmem:s31+$0x10A0]  }
0x316: {  	v14 =	vld.idx.msk [tilespmem:v0+s6+$0x0 ss:$0x1], $0xffff;
	[tilespmem:s29+$0xFFFFFF90] =	vst v12;
	v12 =	vsel vm0, v7, v6  }
0x317: {  	v15 =	vld [tilespmem:s9+$0x1020];
	[tilespmem:s24+$0x40] =	vst v8  }
0x318: {  	(v2sf) =	vpush v2, $0x2;
	v8 =	vld [tilespmem:s1+$0x10A0];
	[tilespmem:s25+$0x70] =	vst v11;
	v2 =	vmovc v3;
	v3 =	vmovc v1;
	v1 =	vmov v4;
	v4 =	vmov v5;
	s1 =	smov.u32 s0;
	s0 =	smov.u32 s3;
	s25 =	smov.u32 s24  }
0x319: {  	s24 =	smov.u32 s22;
	s22 =	smov.u32 s23;
	s3 =	spop (v2sf);
	[tilespmem:s23+$0xFFFFFFF0] =	vst v13;
	v11 =	vld [tilespmem:s13+$0x10D0]  }
0x31a: {  	s23 =	smov.u32 s26;
	s26 =	smov.u32 s28;
	s6 =	spop (v2sf);
	[tilespmem:s28+$0xFFFFFFC0] =	vst v10;
	v10 =	vld [tilespmem:s1+$0x1080]  }
0x31b: {  	s28 =	smov.u32 s29;
	v6 =	vld [tilespmem:s3+$0x1050]  }
0x31c: {  	v5 =	vshll.u32 v14, $0xA;
	v7 =	vld [tilespmem:s5+$0x1050];
	[tilespmem:s23+$0xFFFFFFD0] =	vst v12;
	s5 =	smov.u32 s9;
	s9 =	smov.u32 s6  }
0x31d: {  	s29 =	sadd.s32 $0x100, s29;
	v5 =	vshra.s32 v5, $0x2;
	v12 =	vld [tilespmem:s9+$0x1000];
	[tilespmem:s28+$0xFFFFFFA0] =	vst v15;
	(v2sf) =	vpush v1, $0x1;
	v8 =	vsel vm1, v8, v9  }
0x31e: {  	(v2sf) =	vpush v5, $0x0;
	v13 =	vld [tilespmem:s5+$0x1030];
	[tilespmem:s24+$0x20] =	vst v8  }
0x31f: {  	v8 =	vld [tilespmem:s31+$0x10B0];
	[tilespmem:s25+$0x50] =	vst v11  }
0x320: {  	[tilespmem:s22+$0x0] =	vst v10;
	v14 =	vld [tilespmem:s13+$0x10E0]  }
.Ltmp3:
0x321: {  	v11 =	vld [tilespmem:s0+$0x1060];
	(pc) =	sbr.rel @p0 .LBB2_9-.Ltmp3, $4  }
0x322: {  	[tilespmem:s29+$0xFFFFFF80] =	vst v12;
	v9 =	vld [tilespmem:s1+$0x1090]  }
0x323: {  	v12 =	vld [tilespmem:s9+$0x1010];
	[tilespmem:s28+$0xFFFFFFB0] =	vst v13  }
0x324: {  	v10 =	vld [tilespmem:s5+$0x1040];
	[tilespmem:s24+$0x30] =	vst v8  }
0x325: {  	v8 =	vld [tilespmem:s31+$0x10C0];
	[tilespmem:s25+$0x60] =	vst v14  }
0x326: {  	_ =	sdelay $0x4  }
0x327: {  	s7 =	spop (v2sf)  }
0x328: {  	s4 =	spop (v2sf)  }
0x329: {  	s17 =	spop (v2sf)  }
0x32a: {  	v0 =	vld [tilespmem:s17+$0x1000];
	_ =	sdelay $0x3  }
0x32b: {  	s6 =	sadd.s32 $0x100, s29  }
0x32c: {  	[tilespmem:s6+$0xFFFFFF80] =	vst v0  }
0x32d: {  	v0 =	vld [tilespmem:s17+$0x1010];
	_ =	sdelay $0x2  }
0x32e: {  	[tilespmem:s29+$0xFFFFFF90] =	vst v12  }
0x32f: {  	v12 =	vld [tilespmem:s9+$0x1020]  }
0x330: {  	[tilespmem:s6+$0xFFFFFF90] =	vst v0  }
0x331: {  	(v2sf) =	vpush v2, $0x2;
	v0 =	vld [tilespmem:s17+$0x1020]  }
0x332: {  	(v2sf) =	vpush v4, $0x1  }
0x333: {  	(v2sf) =	vpush v3, $0x2  }
0x334: {  	[tilespmem:s29+$0xFFFFFFA0] =	vst v12;
	(v2sf) =	vpush v5, $0x1  }
0x335: {  	v38 =	vld [tilespmem:s9+$0x1030]  }
0x336: {  	[tilespmem:s6+$0xFFFFFFA0] =	vst v0  }
0x337: {  	v0 =	vld [tilespmem:s17+$0x1030];
	_ =	sdelay $0x2  }
0x338: {  	v13 =	vld [tilespmem:s13+$0x10F0];
	[tilespmem:s29+$0xFFFFFFB0] =	vst v38  }
0x339: {  	[tilespmem:s23+$0xFFFFFFE0] =	vst v11;
	v2 =	vld [tilespmem:s9+$0x1040]  }
0x33a: {  	v40 =	vld [tilespmem:s0+$0x1070];
	[tilespmem:s6+$0xFFFFFFB0] =	vst v0  }
0x33b: {  	v39 =	vsel vm0, v7, v6;
	[tilespmem:s28+$0xFFFFFFC0] =	vst v10;
	v0 =	vld [tilespmem:s17+$0x1040]  }
0x33c: {  	[tilespmem:s26+$0xFFFFFFD0] =	vst v39;
	v10 =	vld [tilespmem:s5+$0x1050]  }
0x33d: {  	v3 =	vld [tilespmem:s3+$0x1060]  }
0x33e: {  	v41 =	vld [tilespmem:s4+$0x1050];
	s11 =	spop (v2sf);
	[tilespmem:s29+$0xFFFFFFC0] =	vst v2  }
0x33f: {  	s16 =	spop (v2sf);
	v42 =	vld [tilespmem:s9+$0x1050]  }
0x340: {  	v2 =	vld [tilespmem:s16+$0x1050];
	s5 =	spop (v2sf);
	[tilespmem:s6+$0xFFFFFFC0] =	vst v0  }
0x341: {  	s9 =	spop (v2sf);
	v0 =	vld [tilespmem:s17+$0x1050]  }
0x342: {  	[tilespmem:s22+$0x10] =	vst v9;
	v43 =	vld [tilespmem:s9+$0x1050]  }
0x343: {  	v9 =	vld [tilespmem:s1+$0x10A0];
	[tilespmem:s23+$0xFFFFFFF0] =	vst v40;
	v44 =	vsel vm0, v10, v41  }
0x344: {  	v45 =	vld [tilespmem:s0+$0x1080];
	[tilespmem:s28+$0xFFFFFFD0] =	vst v44  }
0x345: {  	v6 =	vld [tilespmem:s4+$0x1060];
	v2 =	vsel vm0, v42, v2  }
0x346: {  	v46 =	vld [tilespmem:s7+$0x10A0];
	[tilespmem:s29+$0xFFFFFFD0] =	vst v2  }
0x347: {  	[tilespmem:s26+$0xFFFFFFE0] =	vst v3;
	v2 =	vld [tilespmem:s16+$0x1060];
	v0 =	vsel vm0, v0, v43  }
0x348: {  	v3 =	vld [tilespmem:s3+$0x1070];
	[tilespmem:s6+$0xFFFFFFD0] =	vst v0  }
0x349: {  	[tilespmem:s23+$0x0] =	vst v45;
	v0 =	vld [tilespmem:s9+$0x1060]  }
0x34a: {  	v7 =	vld [tilespmem:s0+$0x1090];
	[tilespmem:s28+$0xFFFFFFE0] =	vst v6  }
0x34b: {  	[tilespmem:s24+$0x40] =	vst v8;
	v6 =	vld [tilespmem:s4+$0x1070]  }
0x34c: {  	v49 =	vld [tilespmem:s31+$0x10D0];
	[tilespmem:s29+$0xFFFFFFE0] =	vst v2  }
0x34d: {  	[tilespmem:s26+$0xFFFFFFF0] =	vst v3;
	v2 =	vld [tilespmem:s16+$0x1070]  }
0x34e: {  	(v2sf) =	vpush v1, $0x2;
	v3 =	vld [tilespmem:s3+$0x1080];
	[tilespmem:s6+$0xFFFFFFE0] =	vst v0  }
0x34f: {  	[tilespmem:s23+$0x10] =	vst v7;
	v0 =	vld [tilespmem:s9+$0x1070]  }
0x350: {  	v47 =	vld [tilespmem:s0+$0x10A0];
	(v2sf) =	vpush v4, $0x2;
	[tilespmem:s28+$0xFFFFFFF0] =	vst v6  }
0x351: {  	v48 =	vld [tilespmem:s4+$0x1080]  }
0x352: {  	v7 =	vld [tilespmem:s11+$0x10A0];
	(v2sf) =	vpush v5, $0x2;
	[tilespmem:s29+$0xFFFFFFF0] =	vst v2  }
0x353: {  	[tilespmem:s26+$0x0] =	vst v3;
	v2 =	vld [tilespmem:s16+$0x1080]  }
0x354: {  	v50 =	vsel vm1, v9, v46;
	v3 =	vld [tilespmem:s3+$0x1090];
	[tilespmem:s6+$0xFFFFFFF0] =	vst v0  }
0x355: {  	[tilespmem:s22+$0x20] =	vst v50;
	v0 =	vld [tilespmem:s9+$0x1080]  }
0x356: {  	v5 =	vld [tilespmem:s7+$0x10B0];
	[tilespmem:s28+$0x0] =	vst v48  }
0x357: {  	[tilespmem:s24+$0x50] =	vst v49;
	v4 =	vld [tilespmem:s4+$0x1090]  }
0x358: {  	v6 =	vld [tilespmem:s31+$0x10E0];
	[tilespmem:s29+$0x0] =	vst v2  }
0x359: {  	[tilespmem:s26+$0x10] =	vst v3;
	v2 =	vld [tilespmem:s16+$0x1090]  }
0x35a: {  	v3 =	vld [tilespmem:s3+$0x10A0];
	[tilespmem:s6+$0x0] =	vst v0  }
0x35b: {  	v0 =	vld [tilespmem:s9+$0x1090]  }
0x35c: {  	v51 =	vld [tilespmem:s5+$0x10A0];
	[tilespmem:s28+$0x10] =	vst v4  }
0x35d: {  	s13 =	spop (v2sf);
	v4 =	vld [tilespmem:s4+$0x10A0]  }
0x35e: {  	v52 =	vld [tilespmem:s13+$0x10A0];
	[tilespmem:s29+$0x10] =	vst v2  }
0x35f: {  	s17 =	spop (v2sf);
	v2 =	vld [tilespmem:s16+$0x10A0]  }
0x360: {  	v53 =	vld [tilespmem:s17+$0x10A0];
	[tilespmem:s6+$0x10] =	vst v0  }
0x361: {  	[tilespmem:s25+$0x70] =	vst v13;
	v1 =	vsel vm1, v47, v7;
	s25 =	spop (v2sf);
	v0 =	vld [tilespmem:s9+$0x10A0]  }
0x362: {  	[tilespmem:s23+$0x20] =	vst v1;
	v54 =	vld [tilespmem:s25+$0x10A0]  }
0x363: {  	[tilespmem:s22+$0x30] =	vst v5  }
0x364: {  	v57 =	vld [tilespmem:s11+$0x10B0];
	[tilespmem:s24+$0x60] =	vst v6;
	v56 =	vsel vm1, v3, v51  }
0x365: {  	v55 =	vld [tilespmem:s7+$0x10C0];
	[tilespmem:s26+$0x20] =	vst v56;
	v58 =	vsel vm1, v4, v52  }
0x366: {  	v59 =	vld [tilespmem:s5+$0x10B0];
	[tilespmem:s28+$0x20] =	vst v58;
	v60 =	vsel vm1, v2, v53  }
0x367: {  	v61 =	vld [tilespmem:s13+$0x10B0];
	[tilespmem:s29+$0x20] =	vst v60;
	v0 =	vsel vm1, v0, v54  }
0x368: {  	v1 =	vld [tilespmem:s17+$0x10B0];
	[tilespmem:s6+$0x20] =	vst v0  }
0x369: {  	[tilespmem:s23+$0x30] =	vst v57;
	v0 =	vld [tilespmem:s25+$0x10B0]  }
0x36a: {  	v62 =	vld [tilespmem:s31+$0x10F0];
	[tilespmem:s22+$0x40] =	vst v55  }
0x36b: {  	v3 =	vld [tilespmem:s11+$0x10C0];
	[tilespmem:s26+$0x30] =	vst v59  }
0x36c: {  	v4 =	vld [tilespmem:s5+$0x10C0];
	[tilespmem:s28+$0x30] =	vst v61  }
0x36d: {  	v2 =	vld [tilespmem:s13+$0x10C0];
	[tilespmem:s29+$0x30] =	vst v1  }
0x36e: {  	v1 =	vld [tilespmem:s17+$0x10C0];
	[tilespmem:s6+$0x30] =	vst v0  }
0x36f: {  	[tilespmem:s24+$0x70] =	vst v62;
	v0 =	vld [tilespmem:s25+$0x10C0]  }
0x370: {  	v63 =	vld [tilespmem:s7+$0x10D0];
	[tilespmem:s23+$0x40] =	vst v3  }
0x371: {  	v3 =	vld [tilespmem:s11+$0x10D0];
	[tilespmem:s26+$0x40] =	vst v4  }
0x372: {  	v4 =	vld [tilespmem:s5+$0x10D0];
	[tilespmem:s28+$0x40] =	vst v2  }
0x373: {  	v2 =	vld [tilespmem:s13+$0x10D0];
	[tilespmem:s29+$0x40] =	vst v1  }
0x374: {  	v1 =	vld [tilespmem:s17+$0x10D0];
	[tilespmem:s6+$0x40] =	vst v0  }
0x375: {  	[tilespmem:s22+$0x50] =	vst v63;
	v0 =	vld [tilespmem:s25+$0x10D0]  }
0x376: {  	v5 =	vld [tilespmem:s7+$0x10E0];
	[tilespmem:s23+$0x50] =	vst v3  }
0x377: {  	v3 =	vld [tilespmem:s11+$0x10E0];
	[tilespmem:s26+$0x50] =	vst v4  }
0x378: {  	v4 =	vld [tilespmem:s5+$0x10E0];
	[tilespmem:s28+$0x50] =	vst v2  }
0x379: {  	v2 =	vld [tilespmem:s13+$0x10E0];
	[tilespmem:s29+$0x50] =	vst v1  }
0x37a: {  	v1 =	vld [tilespmem:s17+$0x10E0];
	[tilespmem:s6+$0x50] =	vst v0  }
0x37b: {  	[tilespmem:s22+$0x60] =	vst v5;
	v0 =	vld [tilespmem:s25+$0x10E0]  }
0x37c: {  	v5 =	vld [tilespmem:s7+$0x10F0];
	[tilespmem:s23+$0x60] =	vst v3  }
0x37d: {  	v3 =	vld [tilespmem:s11+$0x10F0];
	[tilespmem:s26+$0x60] =	vst v4  }
0x37e: {  	v4 =	vld [tilespmem:s5+$0x10F0];
	[tilespmem:s28+$0x60] =	vst v2  }
0x37f: {  	v2 =	vld [tilespmem:s13+$0x10F0];
	[tilespmem:s29+$0x60] =	vst v1  }
0x380: {  	v1 =	vld [tilespmem:s17+$0x10F0];
	[tilespmem:s6+$0x60] =	vst v0  }
0x381: {  	s19 =	sadd.s32 $0x1, s19;
	[tilespmem:s22+$0x70] =	vst v5;
	v0 =	vld [tilespmem:s25+$0x10F0]  }
0x382: {  	p0 =	sne.s32 s19, $0x4;
	[tilespmem:s23+$0x70] =	vst v3  }
.Ltmp4:
0x383: {  	[tilespmem:s26+$0x70] =	vst v4;
	(pc) =	sbr.rel @p0 .LBB2_6-.Ltmp4, $4  }
0x384: {  	[tilespmem:s28+$0x70] =	vst v2  }
0x385: {  	s31 =	sshll.u32 s30, $0xC;
	[tilespmem:s29+$0x70] =	vst v1  }
0x386: {  	s20 =	sadd.s32 $0x300, s20;
	s21 =	sadd.s32 $0x300, s21;
	s0 =	sadd.s32 s31, s8;
	[tilespmem:s6+$0x70] =	vst v0  }
0x387: {  	[hbm4b:s0+s2] =	stream.linear.scatter [tilespmem:s15], [sflag:$0x2], $0x8000, $0x38;
	[tilespmem:$0x1A980] =	vst v63  }
0x388: {  	s0 =	simm.s32 $0x1  }
0x389: {  	_ =	swait.ge [sflag:s0], $0x8000  }
0x38a: {  	[sflag:s0] =	ssyncset.done $0x0  }
0x38b: {  	s30 =	simm.s32 $0x2;
	[sflag:s0] =	ssyncadd.s32 $0xFFFF8000  }
0x38c: {  	_ =	swait.ge [sflag:s30], $0x8000  }
0x38d: {  	s19 =	simm.s32 $0x0;
	[sflag:s30] =	ssyncset.done $0x0  }
0x38e: {  	s20 =	simm.s32 $0x7000;
	s31 =	rddreg [dreg:$0x7];
	[sflag:s30] =	ssyncadd.s32 $0xFFFF8000  }
0x38f: {  	[tilespmem:s20], [sflag:$0x3] =	stream.linear.gather [hbm4b:s31+s19], $0x3900, $0x38;
	[tilespmem:$0x1A980] =	vst v63  }
0x390: {  	_ =	swait.ge [sflag:s12], $0x3900  }
0x391: {  	[sflag:s12] =	ssyncset.done $0x0  }
0x392: {  	s21 =	simm.s32 $0x7180;
	[sflag:s12] =	ssyncadd.s32 $0xFFFFC700  }
.LBB2_12:
0x393: {  	p0 =	seq.s32 s19, $0x0;
	v0 =	vmov s20  }
0x394: {  	s0 =	simm.s32 @!p0 $0x1  }
0x395: {  	_ =	swait.ge @!p0 [sflag:s0], $0x8000  }
0x396: {  	[sflag:s0] =	ssyncset.done @!p0 $0x0  }
0x397: {  	s4 =	simm.s32 $0x0;
	[sflag:s0] =	ssyncadd.s32 @!p0 $0xFFFF8000  }
0x398: {  	v1 =	vld.idx.msk [tilespmem:v0+s4+$0x0 ss:$0x1], $0xffff;
	_ =	sdelay $0x4  }
0x399: {  	v1 =	vshll.u32 v1, $0xA  }
0x39a: {  	v1 =	vshra.s32 v1, $0x2  }
0x39b: {  	(v2sf) =	vpush v1, $0x0  }
0x39c: {  	s5 =	simm.s32 $0x3  }
0x39d: {  	v2 =	vld.idx.msk [tilespmem:v0+s5+$0x0 ss:$0x1], $0xffff;
	_ =	sdelay $0x4  }
0x39e: {  	v2 =	vshll.u32 v2, $0xA  }
0x39f: {  	v4 =	vshra.s32 v2, $0x2  }
0x3a0: {  	(v2sf) =	vpush v4, $0x0;
	_ =	sdelay $0x5  }
0x3a1: {  	s1 =	spop (v2sf)  }
0x3a2: {  	s6 =	simm.s32 $0x6;
	v2 =	vld [tilespmem:s1+$0x3000]  }
0x3a3: {  	v3 =	vld.idx.msk [tilespmem:v0+s6+$0x0 ss:$0x1], $0xffff;
	_ =	sdelay $0x2  }
0x3a4: {  	s25 =	simm.s32 $0xAA00  }
0x3a5: {  	[tilespmem:s25+$0xFFFFFF80] =	vst v2  }
0x3a6: {  	v3 =	vshll.u32 v3, $0xA;
	v2 =	vld [tilespmem:s1+$0x3010]  }
0x3a7: {  	v5 =	vshra.s32 v3, $0x2;
	(v2sf) =	vpush v1, $0x1  }
0x3a8: {  	s6 =	spop (v2sf);
	(v2sf) =	vpush v5, $0x0  }
0x3a9: {  	v3 =	vld [tilespmem:s6+$0x3000]  }
0x3aa: {  	s7 =	simm.s32 $0x9  }
0x3ab: {  	v6 =	vld.idx.msk [tilespmem:v0+s7+$0x0 ss:$0x1], $0xffff;
	[tilespmem:s25+$0xFFFFFF90] =	vst v2  }
0x3ac: {  	v2 =	vld [tilespmem:s1+$0x3020]  }
0x3ad: {  	s24 =	simm.s32 $0xAB00  }
0x3ae: {  	[tilespmem:s24+$0xFFFFFF80] =	vst v3  }
0x3af: {  	v3 =	vld [tilespmem:s6+$0x3010];
	_ =	sdelay $0x1  }
0x3b0: {  	[tilespmem:s25+$0xFFFFFFA0] =	vst v2;
	v2 =	vshll.u32 v6, $0xA  }
0x3b1: {  	(v2sf) =	vpush v4, $0x1;
	v2 =	vshra.s32 v2, $0x2  }
0x3b2: {  	s4 =	simm.s32 $0xC;
	v7 =	vld [tilespmem:s1+$0x3030];
	(v2sf) =	vpush v2, $0x0  }
0x3b3: {  	v8 =	vld.idx.msk [tilespmem:v0+s4+$0x0 ss:$0x1], $0xffff;
	[tilespmem:s24+$0xFFFFFF90] =	vst v3  }
0x3b4: {  	v3 =	vld [tilespmem:s6+$0x3020]  }
0x3b5: {  	s9 =	spop (v2sf)  }
0x3b6: {  	s3 =	spop (v2sf)  }
0x3b7: {  	[tilespmem:s25+$0xFFFFFFB0] =	vst v7;
	v7 =	vld [tilespmem:s3+$0x3000]  }
0x3b8: {  	v6 =	vld [tilespmem:s1+$0x3040]  }
0x3b9: {  	[tilespmem:s24+$0xFFFFFFA0] =	vst v3;
	v3 =	vshll.u32 v8, $0xA  }
0x3ba: {  	v3 =	vshra.s32 v3, $0x2;
	(v2sf) =	vpush v5, $0x1  }
0x3bb: {  	s22 =	simm.s32 $0xAC00;
	(v2sf) =	vpush v3, $0x0  }
0x3bc: {  	v10 =	vld [tilespmem:s6+$0x3030];
	[tilespmem:s22+$0xFFFFFF80] =	vst v7  }
0x3bd: {  	[tilespmem:s25+$0xFFFFFFC0] =	vst v6;
	v7 =	vld [tilespmem:s3+$0x3010]  }
0x3be: {  	v6 =	vld [tilespmem:s9+$0x3050]  }
0x3bf: {  	v9 =	vld [tilespmem:s1+$0x3050]  }
0x3c0: {  	s13 =	simm.s32 $0xF;
	s5 =	spop (v2sf)  }
0x3c1: {  	(v2sf) =	vpush v1, $0x2;
	v1 =	vld.idx.msk [tilespmem:v0+s13+$0x0 ss:$0x1], $0xffff;
	s11 =	spop (v2sf)  }
0x3c2: {  	[tilespmem:s22+$0xFFFFFF90] =	vst v7;
	v8 =	vld [tilespmem:s11+$0x3000]  }
0x3c3: {  	v7 =	vld [tilespmem:s3+$0x3020]  }
0x3c4: {  	[tilespmem:s24+$0xFFFFFFB0] =	vst v10;
	v6 =	vsel vm0, v9, v6  }
0x3c5: {  	v9 =	vld [tilespmem:s6+$0x3040];
	[tilespmem:s25+$0xFFFFFFD0] =	vst v6  }
0x3c6: {  	s23 =	simm.s32 $0xAD00;
	v6 =	vld [tilespmem:s9+$0x3060]  }
0x3c7: {  	[tilespmem:s23+$0xFFFFFF80] =	vst v8  }
0x3c8: {  	v1 =	vshll.u32 v1, $0xA;
	[tilespmem:s22+$0xFFFFFFA0] =	vst v7;
	v8 =	vld [tilespmem:s11+$0x3010]  }
0x3c9: {  	v1 =	vshra.s32 v1, $0x2;
	s1 =	spop (v2sf);
	(v2sf) =	vpush v2, $0x1;
	v7 =	vld [tilespmem:s3+$0x3030]  }
0x3ca: {  	s16 =	spop (v2sf);
	(v2sf) =	vpush v1, $0x0;
	[tilespmem:s24+$0xFFFFFFC0] =	vst v9  }
0x3cb: {  	v9 =	vld [tilespmem:s5+$0x3050];
	[tilespmem:s25+$0xFFFFFFE0] =	vst v6  }
0x3cc: {  	v6 =	vld [tilespmem:s9+$0x3070]  }
0x3cd: {  	v10 =	vld [tilespmem:s6+$0x3050];
	[tilespmem:s23+$0xFFFFFF90] =	vst v8  }
0x3ce: {  	[tilespmem:s22+$0xFFFFFFB0] =	vst v7;
	v7 =	vld [tilespmem:s16+$0x3000]  }
0x3cf: {  	v8 =	vld [tilespmem:s11+$0x3020]  }
0x3d0: {  	v11 =	vld [tilespmem:s3+$0x3040]  }
0x3d1: {  	[tilespmem:s25+$0xFFFFFFF0] =	vst v6  }
0x3d2: {  	s26 =	simm.s32 $0xAE00;
	v6 =	vld [tilespmem:s9+$0x3080]  }
0x3d3: {  	[tilespmem:s26+$0xFFFFFF80] =	vst v7  }
0x3d4: {  	s7 =	simm.s32 $0x12;
	[tilespmem:s23+$0xFFFFFFA0] =	vst v8;
	v7 =	vld [tilespmem:s16+$0x3010]  }
0x3d5: {  	v9 =	vsel vm0, v10, v9;
	[tilespmem:s22+$0xFFFFFFC0] =	vst v11;
	v11 =	vld.idx.msk [tilespmem:v0+s7+$0x0 ss:$0x1], $0xffff  }
0x3d6: {  	[tilespmem:s24+$0xFFFFFFD0] =	vst v9;
	v8 =	vld [tilespmem:s11+$0x3030]  }
0x3d7: {  	s13 =	spop (v2sf);
	[tilespmem:s25+$0x0] =	vst v6;
	v6 =	vld [tilespmem:s5+$0x3060]  }
0x3d8: {  	s0 =	spop (v2sf);
	v9 =	vld [tilespmem:s9+$0x3090]  }
0x3d9: {  	v12 =	vld [tilespmem:s3+$0x3050];
	s3 =	spop (v2sf)  }
0x3da: {  	v13 =	vld [tilespmem:s3+$0x3000];
	[tilespmem:s26+$0xFFFFFF90] =	vst v7  }
0x3db: {  	[tilespmem:s23+$0xFFFFFFB0] =	vst v8;
	v7 =	vld [tilespmem:s16+$0x3020]  }
0x3dc: {  	v8 =	vld [tilespmem:s11+$0x3040];
	[tilespmem:s24+$0xFFFFFFE0] =	vst v6  }
0x3dd: {  	v6 =	vld [tilespmem:s5+$0x3070];
	[tilespmem:s25+$0x10] =	vst v9  }
0x3de: {  	v9 =	vld [tilespmem:s13+$0x30A0]  }
0x3df: {  	(v2sf) =	vpush v4, $0x2;
	v4 =	vld [tilespmem:s9+$0x30A0]  }
0x3e0: {  	s28 =	simm.s32 $0xAF00;
	v10 =	vld [tilespmem:s1+$0x3050]  }
0x3e1: {  	s17 =	simm.s32 $0x15;
	(v2sf) =	vpush v3, $0x1;
	[tilespmem:s28+$0xFFFFFF80] =	vst v13  }
0x3e2: {  	v13 =	vld.idx.msk [tilespmem:v0+s17+$0x0 ss:$0x1], $0xffff;
	[tilespmem:s24+$0xFFFFFFF0] =	vst v6  }
0x3e3: {  	v11 =	vshll.u32 v11, $0xA;
	[tilespmem:s23+$0xFFFFFFC0] =	vst v8;
	v6 =	vld [tilespmem:s5+$0x3080]  }
0x3e4: {  	[tilespmem:s26+$0xFFFFFFA0] =	vst v7;
	v8 =	vld [tilespmem:s0+$0x3050];
	v7 =	vsel vm1, v4, v9;
	v4 =	vshra.s32 v11, $0x2  }
0x3e5: {  	v9 =	vsel vm0, v12, v10;
	v10 =	vld [tilespmem:s16+$0x3030];
	[tilespmem:s25+$0x20] =	vst v7;
	(v2sf) =	vpush v4, $0x0  }
0x3e6: {  	v7 =	vld [tilespmem:s13+$0x30B0]  }
0x3e7: {  	v12 =	vld [tilespmem:s3+$0x3010];
	[tilespmem:s22+$0xFFFFFFD0] =	vst v9  }
0x3e8: {  	[tilespmem:s24+$0x0] =	vst v6;
	v6 =	vld [tilespmem:s1+$0x3060]  }
0x3e9: {  	v9 =	vld [tilespmem:s5+$0x3090]  }
0x3ea: {  	v11 =	vld [tilespmem:s11+$0x3050];
	[tilespmem:s26+$0xFFFFFFB0] =	vst v10  }
0x3eb: {  	v10 =	vld [tilespmem:s16+$0x3040];
	[tilespmem:s25+$0x30] =	vst v7  }
0x3ec: {  	[tilespmem:s28+$0xFFFFFF90] =	vst v12;
	v7 =	vld [tilespmem:s13+$0x30C0]  }
0x3ed: {  	v12 =	vld [tilespmem:s3+$0x3020];
	[tilespmem:s22+$0xFFFFFFE0] =	vst v6  }
0x3ee: {  	s30 =	spop (v2sf);
	v6 =	vld [tilespmem:s1+$0x3070];
	[tilespmem:s24+$0x10] =	vst v9  }
0x3ef: {  	v8 =	vsel vm0, v11, v8;
	v9 =	vld [tilespmem:s30+$0x30A0]  }
0x3f0: {  	s31 =	spop (v2sf);
	(v2sf) =	vpush v5, $0x2;
	[tilespmem:s23+$0xFFFFFFD0] =	vst v8;
	v14 =	vld [tilespmem:s5+$0x30A0]  }
0x3f1: {  	v11 =	vld [tilespmem:s0+$0x3060];
	[tilespmem:s25+$0x40] =	vst v7  }
0x3f2: {  	[tilespmem:s26+$0xFFFFFFC0] =	vst v10;
	v15 =	vld [tilespmem:s13+$0x30D0]  }
0x3f3: {  	v7 =	vld [tilespmem:s16+$0x3050];
	[tilespmem:s22+$0xFFFFFFF0] =	vst v6  }
0x3f4: {  	v5 =	vshll.u32 v13, $0xA;
	s7 =	spop (v2sf);
	v10 =	vld [tilespmem:s1+$0x3080]  }
0x3f5: {  	v5 =	vshra.s32 v5, $0x2;
	[tilespmem:s28+$0xFFFFFFA0] =	vst v12;
	(v2sf) =	vpush v1, $0x1;
	v9 =	vsel vm1, v14, v9;
	v12 =	vld [tilespmem:s7+$0x3000]  }
0x3f6: {  	(v2sf) =	vpush v5, $0x0;
	[tilespmem:s24+$0x20] =	vst v9;
	v9 =	vld [tilespmem:s3+$0x3030]  }
0x3f7: {  	[tilespmem:s25+$0x50] =	vst v15;
	v14 =	vld [tilespmem:s30+$0x30B0]  }
0x3f8: {  	v15 =	vld [tilespmem:s13+$0x30E0]  }
0x3f9: {  	s29 =	simm.s32 $0xB000;
	v6 =	vld [tilespmem:s31+$0x3050];
	[tilespmem:s22+$0x0] =	vst v10  }
0x3fa: {  	[tilespmem:s29+$0xFFFFFF80] =	vst v12;
	v10 =	vld [tilespmem:s1+$0x3090]  }
0x3fb: {  	v12 =	vld [tilespmem:s7+$0x3010];
	[tilespmem:s28+$0xFFFFFFB0] =	vst v9  }
0x3fc: {  	v9 =	vld [tilespmem:s3+$0x3040];
	[tilespmem:s24+$0x30] =	vst v14  }
0x3fd: {  	s4 =	simm.s32 $0x60;
	v8 =	vld [tilespmem:s30+$0x30C0];
	[tilespmem:s25+$0x60] =	vst v15  }
.LBB2_13:
0x3fe: {  	s5 =	sshra.s32 s4, $0x2;
	p1 =	sne.s32 s4, $0x5F4;
	s4 =	sadd.s32 $0xC, s4;
	[tilespmem:s23+$0xFFFFFFE0] =	vst v11;
	v11 =	vld [tilespmem:s13+$0x30F0]  }
0x3ff: {  	s13 =	smov.u32 s30;
	v13 =	vld [tilespmem:s0+$0x3070];
	[tilespmem:s22+$0x10] =	vst v10;
	s30 =	spop (v2sf)  }
0x400: {  	v10 =	vld [tilespmem:s30+$0x30A0]  }
0x401: {  	v14 =	vld.idx.msk [tilespmem:v0+s5+$0x0 ss:$0x1], $0xffff;
	[tilespmem:s29+$0xFFFFFF90] =	vst v12;
	v12 =	vsel vm0, v7, v6  }
0x402: {  	v15 =	vld [tilespmem:s7+$0x3020];
	[tilespmem:s24+$0x40] =	vst v8  }
0x403: {  	(v2sf) =	vpush v2, $0x2;
	v8 =	vld [tilespmem:s1+$0x30A0];
	[tilespmem:s25+$0x70] =	vst v11;
	v2 =	vmovc v3;
	v3 =	vmovc v1;
	v1 =	vmov v4;
	v4 =	vmov v5;
	s1 =	smov.u32 s0;
	s0 =	smov.u32 s31;
	s25 =	smov.u32 s24  }
0x404: {  	s24 =	smov.u32 s22;
	s22 =	smov.u32 s23;
	s31 =	spop (v2sf);
	[tilespmem:s23+$0xFFFFFFF0] =	vst v13;
	v11 =	vld [tilespmem:s13+$0x30D0]  }
0x405: {  	s23 =	smov.u32 s26;
	s26 =	smov.u32 s28;
	s5 =	spop (v2sf);
	[tilespmem:s28+$0xFFFFFFC0] =	vst v9;
	v9 =	vld [tilespmem:s1+$0x3080]  }
0x406: {  	s28 =	smov.u32 s29;
	v6 =	vld [tilespmem:s31+$0x3050]  }
0x407: {  	v5 =	vshll.u32 v14, $0xA;
	v7 =	vld [tilespmem:s3+$0x3050];
	[tilespmem:s23+$0xFFFFFFD0] =	vst v12;
	s3 =	smov.u32 s7;
	s7 =	smov.u32 s5  }
0x408: {  	s29 =	sadd.s32 $0x100, s29;
	v5 =	vshra.s32 v5, $0x2;
	v12 =	vld [tilespmem:s7+$0x3000];
	[tilespmem:s28+$0xFFFFFFA0] =	vst v15;
	(v2sf) =	vpush v1, $0x1;
	v8 =	vsel vm1, v8, v10  }
0x409: {  	(v2sf) =	vpush v5, $0x0;
	v13 =	vld [tilespmem:s3+$0x3030];
	[tilespmem:s24+$0x20] =	vst v8  }
0x40a: {  	v8 =	vld [tilespmem:s30+$0x30B0];
	[tilespmem:s25+$0x50] =	vst v11  }
0x40b: {  	[tilespmem:s22+$0x0] =	vst v9;
	v14 =	vld [tilespmem:s13+$0x30E0]  }
.Ltmp5:
0x40c: {  	v11 =	vld [tilespmem:s0+$0x3060];
	(pc) =	sbr.rel @p1 .LBB2_13-.Ltmp5, $4  }
0x40d: {  	[tilespmem:s29+$0xFFFFFF80] =	vst v12;
	v10 =	vld [tilespmem:s1+$0x3090]  }
0x40e: {  	v12 =	vld [tilespmem:s7+$0x3010];
	[tilespmem:s28+$0xFFFFFFB0] =	vst v13  }
0x40f: {  	v9 =	vld [tilespmem:s3+$0x3040];
	[tilespmem:s24+$0x30] =	vst v8  }
0x410: {  	v8 =	vld [tilespmem:s30+$0x30C0];
	[tilespmem:s25+$0x60] =	vst v14  }
0x411: {  	_ =	sdelay $0x4  }
0x412: {  	s6 =	spop (v2sf)  }
0x413: {  	s9 =	spop (v2sf)  }
0x414: {  	s11 =	spop (v2sf)  }
0x415: {  	v0 =	vld [tilespmem:s11+$0x3000];
	_ =	sdelay $0x3  }
0x416: {  	s5 =	sadd.s32 $0x100, s29  }
0x417: {  	[tilespmem:s5+$0xFFFFFF80] =	vst v0  }
0x418: {  	v0 =	vld [tilespmem:s11+$0x3010];
	_ =	sdelay $0x2  }
0x419: {  	[tilespmem:s29+$0xFFFFFF90] =	vst v12  }
0x41a: {  	v12 =	vld [tilespmem:s7+$0x3020]  }
0x41b: {  	[tilespmem:s5+$0xFFFFFF90] =	vst v0  }
0x41c: {  	(v2sf) =	vpush v2, $0x2;
	v0 =	vld [tilespmem:s11+$0x3020]  }
0x41d: {  	(v2sf) =	vpush v4, $0x1  }
0x41e: {  	[tilespmem:s23+$0xFFFFFFE0] =	vst v11;
	(v2sf) =	vpush v3, $0x2  }
0x41f: {  	v3 =	vld [tilespmem:s0+$0x3070];
	[tilespmem:s29+$0xFFFFFFA0] =	vst v12;
	(v2sf) =	vpush v5, $0x1  }
0x420: {  	[tilespmem:s28+$0xFFFFFFC0] =	vst v9;
	v2 =	vld [tilespmem:s7+$0x3030]  }
0x421: {  	v9 =	vld [tilespmem:s3+$0x3050];
	[tilespmem:s5+$0xFFFFFFA0] =	vst v0  }
0x422: {  	v0 =	vld [tilespmem:s11+$0x3030]  }
0x423: {  	v6 =	vsel vm0, v7, v6;
	v7 =	vld [tilespmem:s9+$0x3050]  }
0x424: {  	[tilespmem:s23+$0xFFFFFFF0] =	vst v3  }
0x425: {  	v3 =	vld [tilespmem:s0+$0x3080];
	[tilespmem:s29+$0xFFFFFFB0] =	vst v2  }
0x426: {  	v2 =	vld [tilespmem:s7+$0x3040]  }
0x427: {  	[tilespmem:s5+$0xFFFFFFB0] =	vst v0  }
0x428: {  	[tilespmem:s26+$0xFFFFFFD0] =	vst v6;
	v7 =	vsel vm0, v9, v7;
	v0 =	vld [tilespmem:s11+$0x3040]  }
0x429: {  	[tilespmem:s28+$0xFFFFFFD0] =	vst v7  }
0x42a: {  	v6 =	vld [tilespmem:s31+$0x3060];
	[tilespmem:s23+$0x0] =	vst v3  }
0x42b: {  	s3 =	spop (v2sf);
	v3 =	vld [tilespmem:s9+$0x3060];
	[tilespmem:s29+$0xFFFFFFC0] =	vst v2  }
0x42c: {  	s4 =	spop (v2sf);
	v11 =	vld [tilespmem:s7+$0x3050]  }
0x42d: {  	v2 =	vld [tilespmem:s4+$0x3050];
	s16 =	spop (v2sf);
	[tilespmem:s5+$0xFFFFFFC0] =	vst v0  }
0x42e: {  	s17 =	spop (v2sf);
	v0 =	vld [tilespmem:s11+$0x3050]  }
0x42f: {  	v12 =	vld [tilespmem:s17+$0x3050]  }
0x430: {  	[tilespmem:s22+$0x10] =	vst v10  }
0x431: {  	v10 =	vld [tilespmem:s6+$0x30A0];
	[tilespmem:s26+$0xFFFFFFE0] =	vst v6  }
0x432: {  	v6 =	vld [tilespmem:s31+$0x3070];
	v2 =	vsel vm0, v11, v2  }
0x433: {  	v9 =	vld [tilespmem:s1+$0x30A0];
	[tilespmem:s29+$0xFFFFFFD0] =	vst v2  }
0x434: {  	[tilespmem:s28+$0xFFFFFFE0] =	vst v3;
	v2 =	vld [tilespmem:s4+$0x3060];
	v0 =	vsel vm0, v0, v12  }
0x435: {  	v3 =	vld [tilespmem:s9+$0x3070];
	[tilespmem:s5+$0xFFFFFFD0] =	vst v0  }
0x436: {  	v0 =	vld [tilespmem:s17+$0x3060]  }
0x437: {  	v13 =	vld [tilespmem:s13+$0x30F0];
	[tilespmem:s24+$0x40] =	vst v8;
	(v2sf) =	vpush v1, $0x2  }
0x438: {  	[tilespmem:s26+$0xFFFFFFF0] =	vst v6;
	v7 =	vld [tilespmem:s0+$0x3090]  }
0x439: {  	(v2sf) =	vpush v4, $0x2;
	v4 =	vld [tilespmem:s30+$0x30D0];
	[tilespmem:s29+$0xFFFFFFE0] =	vst v2  }
0x43a: {  	[tilespmem:s28+$0xFFFFFFF0] =	vst v3;
	v1 =	vld [tilespmem:s4+$0x3070]  }
0x43b: {  	v6 =	vsel vm1, v9, v10;
	v3 =	vld [tilespmem:s9+$0x3080];
	[tilespmem:s5+$0xFFFFFFE0] =	vst v0  }
0x43c: {  	[tilespmem:s22+$0x20] =	vst v6;
	v0 =	vld [tilespmem:s17+$0x3070]  }
0x43d: {  	(v2sf) =	vpush v5, $0x2;
	v5 =	vld [tilespmem:s6+$0x30B0]  }
0x43e: {  	[tilespmem:s23+$0x10] =	vst v7;
	v2 =	vld [tilespmem:s31+$0x3080]  }
0x43f: {  	v7 =	vld [tilespmem:s0+$0x30A0];
	[tilespmem:s29+$0xFFFFFFF0] =	vst v1  }
0x440: {  	[tilespmem:s28+$0x0] =	vst v3;
	v1 =	vld [tilespmem:s4+$0x3080]  }
0x441: {  	v3 =	vld [tilespmem:s9+$0x3090];
	[tilespmem:s5+$0xFFFFFFF0] =	vst v0  }
0x442: {  	v0 =	vld [tilespmem:s17+$0x3080]  }
0x443: {  	v6 =	vld [tilespmem:s3+$0x30A0];
	[tilespmem:s26+$0x0] =	vst v2  }
0x444: {  	[tilespmem:s24+$0x50] =	vst v4;
	v2 =	vld [tilespmem:s31+$0x3090]  }
0x445: {  	v4 =	vld [tilespmem:s30+$0x30E0];
	[tilespmem:s29+$0x0] =	vst v1  }
0x446: {  	s1 =	spop (v2sf);
	[tilespmem:s28+$0x10] =	vst v3;
	v1 =	vld [tilespmem:s4+$0x3090]  }
0x447: {  	v3 =	vld [tilespmem:s1+$0x30A0];
	[tilespmem:s5+$0x0] =	vst v0  }
0x448: {  	v0 =	vld [tilespmem:s17+$0x3090]  }
0x449: {  	v9 =	vld [tilespmem:s9+$0x30A0];
	[tilespmem:s26+$0x10] =	vst v2  }
0x44a: {  	v2 =	vld [tilespmem:s16+$0x30A0]  }
0x44b: {  	s9 =	spop (v2sf);
	v8 =	vld [tilespmem:s31+$0x30A0];
	[tilespmem:s29+$0x10] =	vst v1  }
0x44c: {  	v1 =	vld [tilespmem:s9+$0x30A0]  }
0x44d: {  	s13 =	spop (v2sf);
	v10 =	vld [tilespmem:s4+$0x30A0];
	[tilespmem:s5+$0x10] =	vst v0  }
0x44e: {  	[tilespmem:s22+$0x30] =	vst v5;
	v0 =	vld [tilespmem:s13+$0x30A0]  }
0x44f: {  	[tilespmem:s24+$0x60] =	vst v4;
	v4 =	vsel vm1, v7, v6;
	v5 =	vld [tilespmem:s17+$0x30A0]  }
0x450: {  	[tilespmem:s23+$0x20] =	vst v4;
	v2 =	vsel vm1, v8, v2  }
0x451: {  	v4 =	vld [tilespmem:s3+$0x30B0];
	[tilespmem:s26+$0x20] =	vst v2;
	v2 =	vsel vm1, v9, v3  }
0x452: {  	v3 =	vld [tilespmem:s16+$0x30B0];
	[tilespmem:s28+$0x20] =	vst v2;
	v1 =	vsel vm1, v10, v1  }
0x453: {  	v2 =	vld [tilespmem:s1+$0x30B0];
	[tilespmem:s29+$0x20] =	vst v1  }
0x454: {  	[tilespmem:s25+$0x70] =	vst v13;
	v1 =	vld [tilespmem:s9+$0x30B0];
	v0 =	vsel vm1, v5, v0  }
0x455: {  	v6 =	vld [tilespmem:s6+$0x30C0];
	[tilespmem:s5+$0x20] =	vst v0  }
0x456: {  	[tilespmem:s23+$0x30] =	vst v4;
	v0 =	vld [tilespmem:s13+$0x30B0]  }
0x457: {  	v4 =	vld [tilespmem:s3+$0x30C0];
	[tilespmem:s26+$0x30] =	vst v3  }
0x458: {  	v3 =	vld [tilespmem:s16+$0x30C0];
	[tilespmem:s28+$0x30] =	vst v2  }
0x459: {  	v2 =	vld [tilespmem:s1+$0x30C0];
	[tilespmem:s29+$0x30] =	vst v1  }
0x45a: {  	[tilespmem:s22+$0x40] =	vst v6;
	v1 =	vld [tilespmem:s9+$0x30C0]  }
0x45b: {  	v5 =	vld [tilespmem:s30+$0x30F0];
	[tilespmem:s5+$0x30] =	vst v0  }
0x45c: {  	[tilespmem:s23+$0x40] =	vst v4;
	v0 =	vld [tilespmem:s13+$0x30C0]  }
0x45d: {  	v4 =	vld [tilespmem:s3+$0x30D0];
	[tilespmem:s26+$0x40] =	vst v3  }
0x45e: {  	v3 =	vld [tilespmem:s16+$0x30D0];
	[tilespmem:s28+$0x40] =	vst v2  }
0x45f: {  	v2 =	vld [tilespmem:s1+$0x30D0];
	[tilespmem:s29+$0x40] =	vst v1  }
0x460: {  	v1 =	vld [tilespmem:s9+$0x30D0];
	[tilespmem:s24+$0x70] =	vst v5  }
0x461: {  	v5 =	vld [tilespmem:s6+$0x30D0];
	[tilespmem:s5+$0x40] =	vst v0  }
0x462: {  	[tilespmem:s23+$0x50] =	vst v4;
	v0 =	vld [tilespmem:s13+$0x30D0]  }
0x463: {  	v4 =	vld [tilespmem:s3+$0x30E0];
	[tilespmem:s26+$0x50] =	vst v3  }
0x464: {  	v3 =	vld [tilespmem:s16+$0x30E0];
	[tilespmem:s28+$0x50] =	vst v2  }
0x465: {  	v2 =	vld [tilespmem:s1+$0x30E0];
	[tilespmem:s29+$0x50] =	vst v1  }
0x466: {  	v1 =	vld [tilespmem:s9+$0x30E0];
	[tilespmem:s22+$0x50] =	vst v5  }
0x467: {  	v5 =	vld [tilespmem:s6+$0x30E0];
	[tilespmem:s5+$0x50] =	vst v0  }
0x468: {  	[tilespmem:s23+$0x60] =	vst v4;
	v0 =	vld [tilespmem:s13+$0x30E0]  }
0x469: {  	v4 =	vld [tilespmem:s3+$0x30F0];
	[tilespmem:s26+$0x60] =	vst v3  }
0x46a: {  	v3 =	vld [tilespmem:s16+$0x30F0];
	[tilespmem:s28+$0x60] =	vst v2  }
0x46b: {  	v2 =	vld [tilespmem:s1+$0x30F0];
	[tilespmem:s29+$0x60] =	vst v1  }
0x46c: {  	v1 =	vld [tilespmem:s9+$0x30F0];
	[tilespmem:s22+$0x60] =	vst v5  }
0x46d: {  	v5 =	vld [tilespmem:s6+$0x30F0];
	[tilespmem:s5+$0x60] =	vst v0  }
0x46e: {  	[tilespmem:s23+$0x70] =	vst v4;
	v0 =	vld [tilespmem:s13+$0x30F0]  }
0x46f: {  	[tilespmem:s26+$0x70] =	vst v3  }
0x470: {  	[tilespmem:s28+$0x70] =	vst v2  }
0x471: {  	[tilespmem:s29+$0x70] =	vst v1  }
0x472: {  	s16 =	sshll.u32 s19, $0xD;
	[tilespmem:s22+$0x70] =	vst v5  }
0x473: {  	s0 =	sadd.s32 s16, s10;
	[tilespmem:s5+$0x70] =	vst v0  }
0x474: {  	v0 =	vmov s21;
	[hbm4b:s0+s2] =	stream.linear.scatter [tilespmem:s14], [sflag:$0x1], $0x8000, $0x38;
	[tilespmem:$0x1A980] =	vst v63  }
0x475: {  	s0 =	simm.s32 @!p0 $0x2  }
0x476: {  	_ =	swait.ge @!p0 [sflag:s0], $0x8000  }
0x477: {  	[sflag:s0] =	ssyncset.done @!p0 $0x0  }
0x478: {  	s17 =	simm.s32 $0x0;
	[sflag:s0] =	ssyncadd.s32 @!p0 $0xFFFF8000  }
0x479: {  	v1 =	vld.idx.msk [tilespmem:v0+s17+$0x0 ss:$0x1], $0xffff;
	_ =	sdelay $0x4  }
0x47a: {  	v1 =	vshll.u32 v1, $0xA  }
0x47b: {  	v1 =	vshra.s32 v1, $0x2  }
0x47c: {  	(v2sf) =	vpush v1, $0x0;
	_ =	sdelay $0x2  }
0x47d: {  	s22 =	simm.s32 $0x3  }
0x47e: {  	v2 =	vld.idx.msk [tilespmem:v0+s22+$0x0 ss:$0x1], $0xffff;
	_ =	sdelay $0x4  }
0x47f: {  	v2 =	vshll.u32 v2, $0xA  }
0x480: {  	v4 =	vshra.s32 v2, $0x2  }
0x481: {  	(v2sf) =	vpush v4, $0x0;
	_ =	sdelay $0x3  }
0x482: {  	s23 =	spop (v2sf)  }
0x483: {  	s24 =	simm.s32 $0x6;
	v2 =	vld [tilespmem:s23+$0x3000]  }
0x484: {  	v3 =	vld.idx.msk [tilespmem:v0+s24+$0x0 ss:$0x1], $0xffff;
	_ =	sdelay $0x2  }
0x485: {  	s25 =	simm.s32 $0x12A00  }
0x486: {  	[tilespmem:s25+$0xFFFFFF80] =	vst v2  }
0x487: {  	v3 =	vshll.u32 v3, $0xA;
	v2 =	vld [tilespmem:s23+$0x3010]  }
0x488: {  	v5 =	vshra.s32 v3, $0x2;
	(v2sf) =	vpush v1, $0x1  }
0x489: {  	(v2sf) =	vpush v5, $0x0  }
0x48a: {  	s4 =	simm.s32 $0x9  }
0x48b: {  	v6 =	vld.idx.msk [tilespmem:v0+s4+$0x0 ss:$0x1], $0xffff;
	s26 =	spop (v2sf)  }
0x48c: {  	v3 =	vld [tilespmem:s26+$0x3000];
	[tilespmem:s25+$0xFFFFFF90] =	vst v2  }
0x48d: {  	v2 =	vld [tilespmem:s23+$0x3020];
	_ =	sdelay $0x2  }
0x48e: {  	s24 =	simm.s32 $0x12B00  }
0x48f: {  	[tilespmem:s24+$0xFFFFFF80] =	vst v3  }
0x490: {  	v3 =	vld [tilespmem:s26+$0x3010];
	[tilespmem:s25+$0xFFFFFFA0] =	vst v2;
	v2 =	vshll.u32 v6, $0xA  }
0x491: {  	(v2sf) =	vpush v4, $0x1;
	v2 =	vshra.s32 v2, $0x2  }
0x492: {  	v7 =	vld [tilespmem:s23+$0x3030];
	(v2sf) =	vpush v2, $0x0;
	_ =	sdelay $0x1  }
0x493: {  	s16 =	simm.s32 $0xC  }
0x494: {  	v8 =	vld.idx.msk [tilespmem:v0+s16+$0x0 ss:$0x1], $0xffff;
	s5 =	spop (v2sf);
	[tilespmem:s24+$0xFFFFFF90] =	vst v3  }
0x495: {  	s4 =	spop (v2sf);
	v3 =	vld [tilespmem:s26+$0x3020]  }
0x496: {  	[tilespmem:s25+$0xFFFFFFB0] =	vst v7;
	v7 =	vld [tilespmem:s4+$0x3000]  }
0x497: {  	v6 =	vld [tilespmem:s23+$0x3040];
	_ =	sdelay $0x2  }
0x498: {  	s22 =	simm.s32 $0x12C00;
	[tilespmem:s24+$0xFFFFFFA0] =	vst v3  }
0x499: {  	v3 =	vshll.u32 v8, $0xA;
	v10 =	vld [tilespmem:s26+$0x3030];
	[tilespmem:s22+$0xFFFFFF80] =	vst v7  }
0x49a: {  	v3 =	vshra.s32 v3, $0x2;
	(v2sf) =	vpush v5, $0x1;
	[tilespmem:s25+$0xFFFFFFC0] =	vst v6;
	v7 =	vld [tilespmem:s4+$0x3010]  }
0x49b: {  	(v2sf) =	vpush v3, $0x0;
	v6 =	vld [tilespmem:s5+$0x3050]  }
0x49c: {  	v9 =	vld [tilespmem:s23+$0x3050]  }
0x49d: {  	s3 =	spop (v2sf)  }
0x49e: {  	s17 =	spop (v2sf)  }
0x49f: {  	[tilespmem:s22+$0xFFFFFF90] =	vst v7;
	v8 =	vld [tilespmem:s17+$0x3000]  }
0x4a0: {  	v7 =	vld [tilespmem:s4+$0x3020]  }
0x4a1: {  	[tilespmem:s24+$0xFFFFFFB0] =	vst v10;
	v6 =	vsel vm0, v9, v6  }
0x4a2: {  	v9 =	vld [tilespmem:s26+$0x3040];
	[tilespmem:s25+$0xFFFFFFD0] =	vst v6  }
0x4a3: {  	s23 =	simm.s32 $0x12D00;
	v6 =	vld [tilespmem:s5+$0x3060]  }
0x4a4: {  	[tilespmem:s23+$0xFFFFFF80] =	vst v8  }
0x4a5: {  	[tilespmem:s22+$0xFFFFFFA0] =	vst v7;
	v8 =	vld [tilespmem:s17+$0x3010]  }
0x4a6: {  	s9 =	simm.s32 $0xF;
	v7 =	vld [tilespmem:s4+$0x3030]  }
0x4a7: {  	(v2sf) =	vpush v1, $0x2;
	v1 =	vld.idx.msk [tilespmem:v0+s9+$0x0 ss:$0x1], $0xffff;
	[tilespmem:s24+$0xFFFFFFC0] =	vst v9  }
0x4a8: {  	v9 =	vld [tilespmem:s3+$0x3050];
	[tilespmem:s25+$0xFFFFFFE0] =	vst v6  }
0x4a9: {  	s1 =	spop (v2sf);
	v6 =	vld [tilespmem:s5+$0x3070]  }
0x4aa: {  	s11 =	spop (v2sf);
	v10 =	vld [tilespmem:s26+$0x3050];
	[tilespmem:s23+$0xFFFFFF90] =	vst v8  }
0x4ab: {  	[tilespmem:s22+$0xFFFFFFB0] =	vst v7;
	v7 =	vld [tilespmem:s11+$0x3000]  }
0x4ac: {  	v1 =	vshll.u32 v1, $0xA;
	v8 =	vld [tilespmem:s17+$0x3020]  }
0x4ad: {  	v1 =	vshra.s32 v1, $0x2;
	(v2sf) =	vpush v2, $0x1;
	v11 =	vld [tilespmem:s4+$0x3040]  }
0x4ae: {  	(v2sf) =	vpush v1, $0x0;
	[tilespmem:s25+$0xFFFFFFF0] =	vst v6  }
0x4af: {  	s26 =	simm.s32 $0x12E00;
	v6 =	vld [tilespmem:s5+$0x3080]  }
0x4b0: {  	[tilespmem:s26+$0xFFFFFF80] =	vst v7  }
0x4b1: {  	s16 =	simm.s32 $0x12;
	[tilespmem:s23+$0xFFFFFFA0] =	vst v8;
	v7 =	vld [tilespmem:s11+$0x3010]  }
0x4b2: {  	v9 =	vsel vm0, v10, v9;
	[tilespmem:s22+$0xFFFFFFC0] =	vst v11;
	v11 =	vld.idx.msk [tilespmem:v0+s16+$0x0 ss:$0x1], $0xffff  }
0x4b3: {  	[tilespmem:s24+$0xFFFFFFD0] =	vst v9;
	v8 =	vld [tilespmem:s17+$0x3030]  }
0x4b4: {  	[tilespmem:s25+$0x0] =	vst v6;
	v6 =	vld [tilespmem:s3+$0x3060]  }
0x4b5: {  	v9 =	vld [tilespmem:s5+$0x3090]  }
0x4b6: {  	v10 =	vld [tilespmem:s1+$0x3050]  }
0x4b7: {  	v12 =	vld [tilespmem:s4+$0x3050];
	[tilespmem:s26+$0xFFFFFF90] =	vst v7  }
0x4b8: {  	[tilespmem:s23+$0xFFFFFFB0] =	vst v8;
	v7 =	vld [tilespmem:s11+$0x3020]  }
0x4b9: {  	v8 =	vld [tilespmem:s17+$0x3040];
	[tilespmem:s24+$0xFFFFFFE0] =	vst v6  }
0x4ba: {  	s13 =	spop (v2sf);
	v6 =	vld [tilespmem:s3+$0x3070];
	[tilespmem:s25+$0x10] =	vst v9  }
0x4bb: {  	v9 =	vld [tilespmem:s13+$0x30A0]  }
0x4bc: {  	(v2sf) =	vpush v4, $0x2;
	s0 =	spop (v2sf);
	v4 =	vld [tilespmem:s5+$0x30A0]  }
0x4bd: {  	s5 =	spop (v2sf)  }
0x4be: {  	(v2sf) =	vpush v3, $0x1;
	v13 =	vld [tilespmem:s5+$0x3000];
	[tilespmem:s23+$0xFFFFFFC0] =	vst v8  }
0x4bf: {  	[tilespmem:s24+$0xFFFFFFF0] =	vst v6;
	v8 =	vld [tilespmem:s0+$0x3050]  }
0x4c0: {  	v11 =	vshll.u32 v11, $0xA;
	[tilespmem:s26+$0xFFFFFFA0] =	vst v7;
	v6 =	vld [tilespmem:s3+$0x3080]  }
0x4c1: {  	v7 =	vsel vm1, v4, v9;
	v9 =	vsel vm0, v12, v10;
	v4 =	vshra.s32 v11, $0x2;
	v10 =	vld [tilespmem:s11+$0x3030]  }
0x4c2: {  	s28 =	simm.s32 $0x12F00;
	v11 =	vld [tilespmem:s17+$0x3050];
	[tilespmem:s25+$0x20] =	vst v7;
	(v2sf) =	vpush v4, $0x0  }
0x4c3: {  	[tilespmem:s28+$0xFFFFFF80] =	vst v13;
	v7 =	vld [tilespmem:s13+$0x30B0]  }
0x4c4: {  	[tilespmem:s22+$0xFFFFFFD0] =	vst v9;
	v12 =	vld [tilespmem:s5+$0x3010]  }
0x4c5: {  	[tilespmem:s24+$0x0] =	vst v6;
	v6 =	vld [tilespmem:s1+$0x3060]  }
0x4c6: {  	s17 =	simm.s32 $0x15;
	v9 =	vld [tilespmem:s3+$0x3090]  }
0x4c7: {  	v13 =	vld.idx.msk [tilespmem:v0+s17+$0x0 ss:$0x1], $0xffff;
	[tilespmem:s26+$0xFFFFFFB0] =	vst v10  }
0x4c8: {  	v10 =	vld [tilespmem:s11+$0x3040];
	[tilespmem:s25+$0x30] =	vst v7  }
0x4c9: {  	[tilespmem:s28+$0xFFFFFF90] =	vst v12;
	v7 =	vld [tilespmem:s13+$0x30C0]  }
0x4ca: {  	v12 =	vld [tilespmem:s5+$0x3020];
	[tilespmem:s22+$0xFFFFFFE0] =	vst v6  }
0x4cb: {  	s31 =	spop (v2sf);
	v6 =	vld [tilespmem:s1+$0x3070];
	[tilespmem:s24+$0x10] =	vst v9  }
0x4cc: {  	v8 =	vsel vm0, v11, v8;
	v9 =	vld [tilespmem:s31+$0x30A0]  }
0x4cd: {  	[tilespmem:s23+$0xFFFFFFD0] =	vst v8;
	v14 =	vld [tilespmem:s3+$0x30A0];
	s3 =	spop (v2sf);
	(v2sf) =	vpush v5, $0x2  }
0x4ce: {  	v11 =	vld [tilespmem:s0+$0x3060];
	[tilespmem:s25+$0x40] =	vst v7  }
0x4cf: {  	[tilespmem:s26+$0xFFFFFFC0] =	vst v10;
	v15 =	vld [tilespmem:s13+$0x30D0]  }
0x4d0: {  	v7 =	vld [tilespmem:s11+$0x3050];
	[tilespmem:s22+$0xFFFFFFF0] =	vst v6  }
0x4d1: {  	v5 =	vshll.u32 v13, $0xA;
	s9 =	spop (v2sf);
	v10 =	vld [tilespmem:s1+$0x3080]  }
0x4d2: {  	[tilespmem:s28+$0xFFFFFFA0] =	vst v12;
	v5 =	vshra.s32 v5, $0x2;
	(v2sf) =	vpush v1, $0x1;
	v9 =	vsel vm1, v14, v9;
	v12 =	vld [tilespmem:s9+$0x3000]  }
0x4d3: {  	v14 =	vld [tilespmem:s5+$0x3030];
	(v2sf) =	vpush v5, $0x0;
	[tilespmem:s24+$0x20] =	vst v9  }
0x4d4: {  	[tilespmem:s25+$0x50] =	vst v15;
	v15 =	vld [tilespmem:s31+$0x30B0]  }
0x4d5: {  	v16 =	vld [tilespmem:s13+$0x30E0]  }
0x4d6: {  	s29 =	simm.s32 $0x13000;
	v6 =	vld [tilespmem:s3+$0x3050];
	[tilespmem:s22+$0x0] =	vst v10  }
0x4d7: {  	[tilespmem:s29+$0xFFFFFF80] =	vst v12;
	v9 =	vld [tilespmem:s1+$0x3090]  }
0x4d8: {  	[tilespmem:s28+$0xFFFFFFB0] =	vst v14;
	v12 =	vld [tilespmem:s9+$0x3010]  }
0x4d9: {  	v10 =	vld [tilespmem:s5+$0x3040];
	[tilespmem:s24+$0x30] =	vst v15  }
0x4da: {  	s30 =	sshllo.u32 s19, $0x1;
	s4 =	simm.s32 $0x60;
	v8 =	vld [tilespmem:s31+$0x30C0];
	[tilespmem:s25+$0x60] =	vst v16  }
.LBB2_15:
0x4db: {  	s6 =	sshra.s32 s4, $0x2;
	p0 =	sne.s32 s4, $0x5F4;
	s4 =	sadd.s32 $0xC, s4;
	[tilespmem:s23+$0xFFFFFFE0] =	vst v11;
	v11 =	vld [tilespmem:s13+$0x30F0]  }
0x4dc: {  	s13 =	smov.u32 s31;
	v13 =	vld [tilespmem:s0+$0x3070];
	[tilespmem:s22+$0x10] =	vst v9;
	s31 =	spop (v2sf)  }
0x4dd: {  	v9 =	vld [tilespmem:s31+$0x30A0]  }
0x4de: {  	v14 =	vld.idx.msk [tilespmem:v0+s6+$0x0 ss:$0x1], $0xffff;
	[tilespmem:s29+$0xFFFFFF90] =	vst v12;
	v12 =	vsel vm0, v7, v6  }
0x4df: {  	v15 =	vld [tilespmem:s9+$0x3020];
	[tilespmem:s24+$0x40] =	vst v8  }
0x4e0: {  	(v2sf) =	vpush v2, $0x2;
	v8 =	vld [tilespmem:s1+$0x30A0];
	[tilespmem:s25+$0x70] =	vst v11;
	v2 =	vmovc v3;
	v3 =	vmovc v1;
	v1 =	vmov v4;
	v4 =	vmov v5;
	s1 =	smov.u32 s0;
	s0 =	smov.u32 s3;
	s25 =	smov.u32 s24  }
0x4e1: {  	s24 =	smov.u32 s22;
	s22 =	smov.u32 s23;
	s3 =	spop (v2sf);
	[tilespmem:s23+$0xFFFFFFF0] =	vst v13;
	v11 =	vld [tilespmem:s13+$0x30D0]  }
0x4e2: {  	s23 =	smov.u32 s26;
	s26 =	smov.u32 s28;
	s6 =	spop (v2sf);
	[tilespmem:s28+$0xFFFFFFC0] =	vst v10;
	v10 =	vld [tilespmem:s1+$0x3080]  }
0x4e3: {  	s28 =	smov.u32 s29;
	v6 =	vld [tilespmem:s3+$0x3050]  }
0x4e4: {  	v5 =	vshll.u32 v14, $0xA;
	v7 =	vld [tilespmem:s5+$0x3050];
	[tilespmem:s23+$0xFFFFFFD0] =	vst v12;
	s5 =	smov.u32 s9;
	s9 =	smov.u32 s6  }
0x4e5: {  	s29 =	sadd.s32 $0x100, s29;
	v5 =	vshra.s32 v5, $0x2;
	v12 =	vld [tilespmem:s9+$0x3000];
	[tilespmem:s28+$0xFFFFFFA0] =	vst v15;
	(v2sf) =	vpush v1, $0x1;
	v8 =	vsel vm1, v8, v9  }
0x4e6: {  	(v2sf) =	vpush v5, $0x0;
	v13 =	vld [tilespmem:s5+$0x3030];
	[tilespmem:s24+$0x20] =	vst v8  }
0x4e7: {  	v8 =	vld [tilespmem:s31+$0x30B0];
	[tilespmem:s25+$0x50] =	vst v11  }
0x4e8: {  	[tilespmem:s22+$0x0] =	vst v10;
	v14 =	vld [tilespmem:s13+$0x30E0]  }
.Ltmp6:
0x4e9: {  	v11 =	vld [tilespmem:s0+$0x3060];
	(pc) =	sbr.rel @p0 .LBB2_15-.Ltmp6, $4  }
0x4ea: {  	[tilespmem:s29+$0xFFFFFF80] =	vst v12;
	v9 =	vld [tilespmem:s1+$0x3090]  }
0x4eb: {  	v12 =	vld [tilespmem:s9+$0x3010];
	[tilespmem:s28+$0xFFFFFFB0] =	vst v13  }
0x4ec: {  	v10 =	vld [tilespmem:s5+$0x3040];
	[tilespmem:s24+$0x30] =	vst v8  }
0x4ed: {  	v8 =	vld [tilespmem:s31+$0x30C0];
	[tilespmem:s25+$0x60] =	vst v14  }
0x4ee: {  	_ =	sdelay $0x4  }
0x4ef: {  	s7 =	spop (v2sf)  }
0x4f0: {  	s4 =	spop (v2sf)  }
0x4f1: {  	s17 =	spop (v2sf)  }
0x4f2: {  	v0 =	vld [tilespmem:s17+$0x3000];
	_ =	sdelay $0x3  }
0x4f3: {  	s6 =	sadd.s32 $0x100, s29  }
0x4f4: {  	[tilespmem:s6+$0xFFFFFF80] =	vst v0  }
0x4f5: {  	v0 =	vld [tilespmem:s17+$0x3010];
	_ =	sdelay $0x2  }
0x4f6: {  	[tilespmem:s29+$0xFFFFFF90] =	vst v12  }
0x4f7: {  	v12 =	vld [tilespmem:s9+$0x3020]  }
0x4f8: {  	[tilespmem:s6+$0xFFFFFF90] =	vst v0  }
0x4f9: {  	(v2sf) =	vpush v2, $0x2;
	v0 =	vld [tilespmem:s17+$0x3020]  }
0x4fa: {  	(v2sf) =	vpush v4, $0x1  }
0x4fb: {  	(v2sf) =	vpush v3, $0x2  }
0x4fc: {  	[tilespmem:s29+$0xFFFFFFA0] =	vst v12;
	(v2sf) =	vpush v5, $0x1  }
0x4fd: {  	v38 =	vld [tilespmem:s9+$0x3030]  }
0x4fe: {  	[tilespmem:s6+$0xFFFFFFA0] =	vst v0  }
0x4ff: {  	v0 =	vld [tilespmem:s17+$0x3030];
	_ =	sdelay $0x2  }
0x500: {  	v13 =	vld [tilespmem:s13+$0x30F0];
	[tilespmem:s29+$0xFFFFFFB0] =	vst v38  }
0x501: {  	[tilespmem:s23+$0xFFFFFFE0] =	vst v11;
	v2 =	vld [tilespmem:s9+$0x3040]  }
0x502: {  	v40 =	vld [tilespmem:s0+$0x3070];
	[tilespmem:s6+$0xFFFFFFB0] =	vst v0  }
0x503: {  	v39 =	vsel vm0, v7, v6;
	[tilespmem:s28+$0xFFFFFFC0] =	vst v10;
	v0 =	vld [tilespmem:s17+$0x3040]  }
0x504: {  	[tilespmem:s26+$0xFFFFFFD0] =	vst v39;
	v10 =	vld [tilespmem:s5+$0x3050]  }
0x505: {  	v3 =	vld [tilespmem:s3+$0x3060]  }
0x506: {  	v41 =	vld [tilespmem:s4+$0x3050];
	s11 =	spop (v2sf);
	[tilespmem:s29+$0xFFFFFFC0] =	vst v2  }
0x507: {  	s16 =	spop (v2sf);
	v42 =	vld [tilespmem:s9+$0x3050]  }
0x508: {  	v2 =	vld [tilespmem:s16+$0x3050];
	s5 =	spop (v2sf);
	[tilespmem:s6+$0xFFFFFFC0] =	vst v0  }
0x509: {  	s9 =	spop (v2sf);
	v0 =	vld [tilespmem:s17+$0x3050]  }
0x50a: {  	[tilespmem:s22+$0x10] =	vst v9;
	v43 =	vld [tilespmem:s9+$0x3050]  }
0x50b: {  	v9 =	vld [tilespmem:s1+$0x30A0];
	[tilespmem:s23+$0xFFFFFFF0] =	vst v40;
	v44 =	vsel vm0, v10, v41  }
0x50c: {  	v45 =	vld [tilespmem:s0+$0x3080];
	[tilespmem:s28+$0xFFFFFFD0] =	vst v44  }
0x50d: {  	v6 =	vld [tilespmem:s4+$0x3060];
	v2 =	vsel vm0, v42, v2  }
0x50e: {  	v46 =	vld [tilespmem:s7+$0x30A0];
	[tilespmem:s29+$0xFFFFFFD0] =	vst v2  }
0x50f: {  	[tilespmem:s26+$0xFFFFFFE0] =	vst v3;
	v2 =	vld [tilespmem:s16+$0x3060];
	v0 =	vsel vm0, v0, v43  }
0x510: {  	v3 =	vld [tilespmem:s3+$0x3070];
	[tilespmem:s6+$0xFFFFFFD0] =	vst v0  }
0x511: {  	[tilespmem:s23+$0x0] =	vst v45;
	v0 =	vld [tilespmem:s9+$0x3060]  }
0x512: {  	v7 =	vld [tilespmem:s0+$0x3090];
	[tilespmem:s28+$0xFFFFFFE0] =	vst v6  }
0x513: {  	[tilespmem:s24+$0x40] =	vst v8;
	v6 =	vld [tilespmem:s4+$0x3070]  }
0x514: {  	v49 =	vld [tilespmem:s31+$0x30D0];
	[tilespmem:s29+$0xFFFFFFE0] =	vst v2  }
0x515: {  	[tilespmem:s26+$0xFFFFFFF0] =	vst v3;
	v2 =	vld [tilespmem:s16+$0x3070]  }
0x516: {  	(v2sf) =	vpush v1, $0x2;
	v3 =	vld [tilespmem:s3+$0x3080];
	[tilespmem:s6+$0xFFFFFFE0] =	vst v0  }
0x517: {  	[tilespmem:s23+$0x10] =	vst v7;
	v0 =	vld [tilespmem:s9+$0x3070]  }
0x518: {  	v47 =	vld [tilespmem:s0+$0x30A0];
	(v2sf) =	vpush v4, $0x2;
	[tilespmem:s28+$0xFFFFFFF0] =	vst v6  }
0x519: {  	v48 =	vld [tilespmem:s4+$0x3080]  }
0x51a: {  	v7 =	vld [tilespmem:s11+$0x30A0];
	(v2sf) =	vpush v5, $0x2;
	[tilespmem:s29+$0xFFFFFFF0] =	vst v2  }
0x51b: {  	[tilespmem:s26+$0x0] =	vst v3;
	v2 =	vld [tilespmem:s16+$0x3080]  }
0x51c: {  	v50 =	vsel vm1, v9, v46;
	v3 =	vld [tilespmem:s3+$0x3090];
	[tilespmem:s6+$0xFFFFFFF0] =	vst v0  }
0x51d: {  	[tilespmem:s22+$0x20] =	vst v50;
	v0 =	vld [tilespmem:s9+$0x3080]  }
0x51e: {  	v5 =	vld [tilespmem:s7+$0x30B0];
	[tilespmem:s28+$0x0] =	vst v48  }
0x51f: {  	[tilespmem:s24+$0x50] =	vst v49;
	v4 =	vld [tilespmem:s4+$0x3090]  }
0x520: {  	v6 =	vld [tilespmem:s31+$0x30E0];
	[tilespmem:s29+$0x0] =	vst v2  }
0x521: {  	[tilespmem:s26+$0x10] =	vst v3;
	v2 =	vld [tilespmem:s16+$0x3090]  }
0x522: {  	v3 =	vld [tilespmem:s3+$0x30A0];
	[tilespmem:s6+$0x0] =	vst v0  }
0x523: {  	v0 =	vld [tilespmem:s9+$0x3090]  }
0x524: {  	v51 =	vld [tilespmem:s5+$0x30A0];
	[tilespmem:s28+$0x10] =	vst v4  }
0x525: {  	s13 =	spop (v2sf);
	v4 =	vld [tilespmem:s4+$0x30A0]  }
0x526: {  	v52 =	vld [tilespmem:s13+$0x30A0];
	[tilespmem:s29+$0x10] =	vst v2  }
0x527: {  	s17 =	spop (v2sf);
	v2 =	vld [tilespmem:s16+$0x30A0]  }
0x528: {  	v53 =	vld [tilespmem:s17+$0x30A0];
	[tilespmem:s6+$0x10] =	vst v0  }
0x529: {  	[tilespmem:s25+$0x70] =	vst v13;
	v1 =	vsel vm1, v47, v7;
	s25 =	spop (v2sf);
	v0 =	vld [tilespmem:s9+$0x30A0]  }
0x52a: {  	[tilespmem:s23+$0x20] =	vst v1;
	v54 =	vld [tilespmem:s25+$0x30A0]  }
0x52b: {  	[tilespmem:s22+$0x30] =	vst v5  }
0x52c: {  	v57 =	vld [tilespmem:s11+$0x30B0];
	[tilespmem:s24+$0x60] =	vst v6;
	v56 =	vsel vm1, v3, v51  }
0x52d: {  	v55 =	vld [tilespmem:s7+$0x30C0];
	[tilespmem:s26+$0x20] =	vst v56;
	v58 =	vsel vm1, v4, v52  }
0x52e: {  	v59 =	vld [tilespmem:s5+$0x30B0];
	[tilespmem:s28+$0x20] =	vst v58;
	v60 =	vsel vm1, v2, v53  }
0x52f: {  	v61 =	vld [tilespmem:s13+$0x30B0];
	[tilespmem:s29+$0x20] =	vst v60;
	v0 =	vsel vm1, v0, v54  }
0x530: {  	v1 =	vld [tilespmem:s17+$0x30B0];
	[tilespmem:s6+$0x20] =	vst v0  }
0x531: {  	[tilespmem:s23+$0x30] =	vst v57;
	v0 =	vld [tilespmem:s25+$0x30B0]  }
0x532: {  	v62 =	vld [tilespmem:s31+$0x30F0];
	[tilespmem:s22+$0x40] =	vst v55  }
0x533: {  	v3 =	vld [tilespmem:s11+$0x30C0];
	[tilespmem:s26+$0x30] =	vst v59  }
0x534: {  	v4 =	vld [tilespmem:s5+$0x30C0];
	[tilespmem:s28+$0x30] =	vst v61  }
0x535: {  	v2 =	vld [tilespmem:s13+$0x30C0];
	[tilespmem:s29+$0x30] =	vst v1  }
0x536: {  	v1 =	vld [tilespmem:s17+$0x30C0];
	[tilespmem:s6+$0x30] =	vst v0  }
0x537: {  	[tilespmem:s24+$0x70] =	vst v62;
	v0 =	vld [tilespmem:s25+$0x30C0]  }
0x538: {  	v63 =	vld [tilespmem:s7+$0x30D0];
	[tilespmem:s23+$0x40] =	vst v3  }
0x539: {  	v3 =	vld [tilespmem:s11+$0x30D0];
	[tilespmem:s26+$0x40] =	vst v4  }
0x53a: {  	v4 =	vld [tilespmem:s5+$0x30D0];
	[tilespmem:s28+$0x40] =	vst v2  }
0x53b: {  	v2 =	vld [tilespmem:s13+$0x30D0];
	[tilespmem:s29+$0x40] =	vst v1  }
0x53c: {  	v1 =	vld [tilespmem:s17+$0x30D0];
	[tilespmem:s6+$0x40] =	vst v0  }
0x53d: {  	[tilespmem:s22+$0x50] =	vst v63;
	v0 =	vld [tilespmem:s25+$0x30D0]  }
0x53e: {  	v5 =	vld [tilespmem:s7+$0x30E0];
	[tilespmem:s23+$0x50] =	vst v3  }
0x53f: {  	v3 =	vld [tilespmem:s11+$0x30E0];
	[tilespmem:s26+$0x50] =	vst v4  }
0x540: {  	v4 =	vld [tilespmem:s5+$0x30E0];
	[tilespmem:s28+$0x50] =	vst v2  }
0x541: {  	v2 =	vld [tilespmem:s13+$0x30E0];
	[tilespmem:s29+$0x50] =	vst v1  }
0x542: {  	v1 =	vld [tilespmem:s17+$0x30E0];
	[tilespmem:s6+$0x50] =	vst v0  }
0x543: {  	[tilespmem:s22+$0x60] =	vst v5;
	v0 =	vld [tilespmem:s25+$0x30E0]  }
0x544: {  	v5 =	vld [tilespmem:s7+$0x30F0];
	[tilespmem:s23+$0x60] =	vst v3  }
0x545: {  	v3 =	vld [tilespmem:s11+$0x30F0];
	[tilespmem:s26+$0x60] =	vst v4  }
0x546: {  	v4 =	vld [tilespmem:s5+$0x30F0];
	[tilespmem:s28+$0x60] =	vst v2  }
0x547: {  	v2 =	vld [tilespmem:s13+$0x30F0];
	[tilespmem:s29+$0x60] =	vst v1  }
0x548: {  	v1 =	vld [tilespmem:s17+$0x30F0];
	[tilespmem:s6+$0x60] =	vst v0  }
0x549: {  	s19 =	sadd.s32 $0x1, s19;
	[tilespmem:s22+$0x70] =	vst v5;
	v0 =	vld [tilespmem:s25+$0x30F0]  }
0x54a: {  	p0 =	sne.s32 s19, $0x13;
	[tilespmem:s23+$0x70] =	vst v3  }
.Ltmp7:
0x54b: {  	[tilespmem:s26+$0x70] =	vst v4;
	(pc) =	sbr.rel @p0 .LBB2_12-.Ltmp7, $4  }
0x54c: {  	[tilespmem:s28+$0x70] =	vst v2  }
0x54d: {  	s31 =	sshll.u32 s30, $0xC;
	[tilespmem:s29+$0x70] =	vst v1  }
0x54e: {  	s20 =	sadd.s32 $0x300, s20;
	s21 =	sadd.s32 $0x300, s21;
	s0 =	sadd.s32 s31, s10;
	[tilespmem:s6+$0x70] =	vst v0  }
0x54f: {  	[hbm4b:s0+s2] =	stream.linear.scatter [tilespmem:s15], [sflag:$0x2], $0x8000, $0x38;
	[tilespmem:$0x1A980] =	vst v63  }
0x550: {  	s0 =	simm.s32 $0x1  }
0x551: {  	_ =	swait.ge [sflag:s0], $0x8000  }
0x552: {  	[sflag:s0] =	ssyncset.done $0x0  }
0x553: {  	s1 =	simm.s32 $0x2;
	[sflag:s0] =	ssyncadd.s32 $0xFFFF8000  }
0x554: {  	_ =	swait.ge [sflag:s1], $0x8000  }
0x555: {  	s18 =	sadd.s32 $0x1, s18;
	s31 =	rddreg [dreg:$0x8]  }
0x556: {  	p0 =	sne.s32 s18, s31  }
.Ltmp8:
0x557: {  	_ = 	snop;
	(pc) =	sbr.rel @p0 .LBB2_1-.Ltmp8, $3  }
0x558: {  	_ =	sdelay $0x1  }
0x559: {  	[sflag:s1] =	ssyncset.done $0x0  }
0x55a: {  	[sflag:s1] =	ssyncadd.s32 $0xFFFF8000  }
0x55b: {  	_ =	sfence.sel $0x180000  }
0x55c: {  	[bflag:$0x0] =	sbarrier.arrive $0xFFFF  }
0x55d: {  	_ =	strace $0x90000047  }
0x55e: {  	s0 =	stileid.u32;
	[bflag:$0x2] =	sbarrier.arrive $0xFFFF  }
0x55f: {  	p0 =	sne.s32 s0, $0x0;
	s0 =	rddreg [dreg:$0x1]  }
0x560: {  	s0 =	sadd.s32 @!p0 $0x100000, s0  }
0x561: {  	[sflag:s0] =	ssyncadd.tile.s32 @!p0 $0x1;
	_ =	shalt  }
.Lfunc_end2:
_tile_overlayer_lowered:
.L_overlay_start_2:
0x562: {  	(tag) =	ssettag $0x2  }
0x563: {  	s0 =	rddreg [dreg:$0x0];
	s2 =	stileid.u32  }
0x564: {  	s1 =	rddreg [dreg:$0x1];
	p0 =	sne.s32 s2, $0x0  }
0x565: {  	s3 =	rddreg [dreg:$0x2];
	[bflag:$0x3] =	sbarrier.arrive $0xFFFF;
	s2 =	simm.s32 @!p0 $0x1C03  }
0x566: {  	[timem:s3], [sflag:s2] =	dma.local @!p0 [hbm:s0], s1  }
0x567: {  	s0 =	simm.s32 @!p0 $0x3  }
0x568: {  	_ =	swait.ge @!p0 [sflag:s0], s1  }
0x569: {  	s1 =	ssub.s32 @!p0 $0x0, s1;
	[sflag:s0] =	ssyncset.done @!p0 $0x0  }
0x56a: {  	[sflag:s0] =	ssyncadd.s32 @!p0 s1  }
0x56b: {  	[bflag:$0x3] =	sbarrier.arrive $0xFFFF  }
0x56c: {  	_ =	shalt  }

</sc_bundles>
